<compile_context>
chip_gen: v7x
topology: tpu7x:2x2x1
jax: 0.10.2.dev20260603
libtpu: 0.0.44.dev20260713+nightly
codegen_flags: <defaults>
</compile_context>

<pallas_src>
import functools

import jax
import jax.numpy as jnp
from jax import lax
from jax.experimental import pallas as pl
from jax.experimental.pallas import tpu as pltpu
from jax.experimental.pallas import tpu_sc as plsc

_NUM_CORES = 2
_NUM_SUBCORES = 16
_NUM_WORKERS = _NUM_CORES * _NUM_SUBCORES
_NBUF = 8
_INFLIGHT = 4


@functools.partial(jax.jit, static_argnums=(2, 3, 4))
def _sc_gather(table, idx, bsz, seq, chunk):
    d = table.shape[1]
    hpr = seq // chunk
    n_chunks_w = idx.shape[1]
    nbuf = _NBUF
    lead = _INFLIGHT
    n_rounds = n_chunks_w // nbuf

    scratch = [
        pltpu.VMEM((n_chunks_w, chunk), jnp.int32),
        pltpu.VMEM((nbuf, chunk, d), jnp.float32),
    ]
    scratch += [pltpu.SemaphoreType.DMA] * (2 * nbuf)

    @functools.partial(
        pl.kernel,
        mesh=plsc.VectorSubcoreMesh(core_axis_name="c", subcore_axis_name="s"),
        out_type=jax.ShapeDtypeStruct((bsz, seq, d), jnp.float32),
        scratch_types=scratch,
        compiler_params=pltpu.CompilerParams(use_tc_tiling_on_sc=False),
    )
    def body(table_hbm, idx_hbm, out_hbm, idx_v, rows_v, *sems):
        gsems = sems[:nbuf]
        ssems = sems[nbuf:]
        wid = lax.axis_index("s") * _NUM_CORES + lax.axis_index("c")
        base = wid * n_chunks_w

        pltpu.sync_copy(idx_hbm.at[wid], idx_v)

        def gather(c, slot):
            return pltpu.make_async_copy(
                table_hbm.at[idx_v.at[c]], rows_v.at[slot], gsems[slot]
            )

        def scatter(c, slot):
            cg = base + c
            bi = cg // hpr
            hh = cg - bi * hpr
            return pltpu.make_async_copy(
                rows_v.at[slot],
                out_hbm.at[bi, pl.ds(hh * chunk, chunk)],
                ssems[slot],
            )

        for slot in range(lead):
            gather(slot, slot).start()

        for b in range(nbuf):
            gather(b, b).wait()
            scatter(b, b).start()
            if b >= lead:
                scatter(b - lead, b - lead).wait()
            gather(b + lead, (b + lead) % nbuf).start()

        def round_body(r, carry):
            c0 = r * nbuf
            for b in range(nbuf):
                c = c0 + b
                gather(c, b).wait()
                scatter(c, b).start()
                scatter(c - lead, (b + lead) % nbuf).wait()
                gather(c + lead, (b + lead) % nbuf).start()
            return carry

        lax.fori_loop(1, n_rounds - 1, round_body, 0)

        c0 = (n_rounds - 1) * nbuf
        for b in range(nbuf):
            c = c0 + b
            gather(c, b).wait()
            scatter(c, b).start()
            if b < lead:
                scatter(c - lead, (b + lead) % nbuf).wait()
                gather(c + lead, (b + lead) % nbuf).start()
        for b in range(nbuf):
            scatter(c0 + b, b).wait()

    return body(table, idx)


def kernel(tokens, embedding_weight):
    bsz, seq = tokens.shape
    _, d = embedding_weight.shape
    chunk = 100 if seq % 100 == 0 else seq
    n_chunks = bsz * (seq // chunk)
    idx = tokens.astype(jnp.int32).reshape(_NUM_WORKERS, n_chunks // _NUM_WORKERS, chunk)
    return _sc_gather(embedding_weight, idx, bsz, seq, chunk)

# --- scband reference (transcript-rebuilt; emitter-appended) ---
"""Pipeline reference for scband-positional-encoding-78245714198634 (READ-ONLY COPY).

The authoritative reference and input builder live on the scoring server;
editing this copy changes nothing except your own understanding.
"""

import jax, jax.numpy as jnp
import numpy as np

MAX_POSITIONS = 100000
EMB_SIZE = 64
BATCH = 4096
SEQ = 200

def setup_inputs(seed: int = 0) -> dict:
    key = jax.random.key(seed)
    k_tok, k_emb = jax.random.split(key)
    tokens = jax.random.randint(k_tok, (BATCH, SEQ), 0, MAX_POSITIONS, dtype=jnp.int64 if jax.config.jax_enable_x64 else jnp.int32)
    # nn.Embedding default init: N(0, 1)
    embedding_weight = jax.random.normal(k_emb, (MAX_POSITIONS, EMB_SIZE), dtype=jnp.float32)
    return {"tokens": tokens, "embedding_weight": embedding_weight}

def reference(tokens, embedding_weight):
    # PositionalEncoding.forward: self.embedding(tokens)
    return jnp.take(embedding_weight, tokens, axis=0)

if __name__ == "__main__":
    import jax
    _d = setup_inputs()
    print(jax.jit(kernel)(*tuple(_d.values())))

</pallas_src>

<mosaic_0001>
#map = affine_map<(d0, d1) -> (0, 0)>
#map1 = affine_map<(d0, d1) -> (0, 0, 0)>
module attributes {stable_mosaic.version = 14 : i64} {
  func.func @body(%arg0: i32, %arg1: i32, %arg2: memref<100000x64xf32, #tpu.memory_space<hbm>>, %arg3: memref<32x256x100xi32, #tpu.memory_space<hbm>>, %arg4: memref<4096x200x64xf32, #tpu.memory_space<hbm>>, %arg5: memref<256x100xi32, #tpu.memory_space<vmem>>, %arg6: memref<8x100x64xf32, #tpu.memory_space<vmem>>, %arg7: memref<!tpu.dma_semaphore, #tpu.memory_space<semaphore_mem>>, %arg8: memref<!tpu.dma_semaphore, #tpu.memory_space<semaphore_mem>>, %arg9: memref<!tpu.dma_semaphore, #tpu.memory_space<semaphore_mem>>, %arg10: memref<!tpu.dma_semaphore, #tpu.memory_space<semaphore_mem>>, %arg11: memref<!tpu.dma_semaphore, #tpu.memory_space<semaphore_mem>>, %arg12: memref<!tpu.dma_semaphore, #tpu.memory_space<semaphore_mem>>, %arg13: memref<!tpu.dma_semaphore, #tpu.memory_space<semaphore_mem>>, %arg14: memref<!tpu.dma_semaphore, #tpu.memory_space<semaphore_mem>>, %arg15: memref<!tpu.dma_semaphore, #tpu.memory_space<semaphore_mem>>, %arg16: memref<!tpu.dma_semaphore, #tpu.memory_space<semaphore_mem>>, %arg17: memref<!tpu.dma_semaphore, #tpu.memory_space<semaphore_mem>>, %arg18: memref<!tpu.dma_semaphore, #tpu.memory_space<semaphore_mem>>, %arg19: memref<!tpu.dma_semaphore, #tpu.memory_space<semaphore_mem>>, %arg20: memref<!tpu.dma_semaphore, #tpu.memory_space<semaphore_mem>>, %arg21: memref<!tpu.dma_semaphore, #tpu.memory_space<semaphore_mem>>, %arg22: memref<!tpu.dma_semaphore, #tpu.memory_space<semaphore_mem>>) attributes {dimension_semantics = [#tpu.dimension_semantics<core_parallel>, #tpu.dimension_semantics<subcore_parallel>], iteration_bounds = array<i64: 2, 16>, scalar_prefetch = 0 : i64, scratch_operands = 18 : i64, tpu.core_type = #tpu.core_type<sc_vector_subcore>, window_params = [{transform_indices = #map}, {transform_indices = #map1}, {transform_indices = #map1}]} {
    %mul3A = arith.constant 2 : i32
    %mul3A_0 = arith.muli %arg1, %mul3A : i32
    %add3A = arith.addi %mul3A_0, %arg0 : i32
    %mul3A_1 = arith.constant 256 : i32
    %mul3A_2 = arith.muli %add3A, %mul3A_1 : i32
    "tpu.region"() ({
      %run_scoped3A = tpu.sem_alloc : memref<!tpu.dma_semaphore, #tpu.memory_space<semaphore_mem>>
      %dma_start3A_1854 = arith.constant 0 : i32
      %dma_start3A_1855 = arith.constant 0 : i32
      %dma_start3A_1856 = tpu.memref_slice %arg3[%add3A, %dma_start3A_1854, %dma_start3A_1855] : memref<32x256x100xi32, #tpu.memory_space<hbm>> -> memref<1x256x100xi32, #tpu.memory_space<hbm>>
      %dma_start3A_1857 = tpu.memref_squeeze %dma_start3A_1856 : memref<1x256x100xi32, #tpu.memory_space<hbm>> -> memref<256x100xi32, #tpu.memory_space<hbm>>
      %dma_start3A_1858 = arith.constant 0 : i32
      %dma_start3A_1859 = arith.constant 0 : i32
      %dma_start3A_1860 = tpu.memref_slice %arg3[%add3A, %dma_start3A_1858, %dma_start3A_1859] : memref<32x256x100xi32, #tpu.memory_space<hbm>> -> memref<1x256x100xi32, #tpu.memory_space<hbm>>
      %dma_start3A_1861 = tpu.memref_squeeze %dma_start3A_1860 : memref<1x256x100xi32, #tpu.memory_space<hbm>> -> memref<256x100xi32, #tpu.memory_space<hbm>>
      tpu.enqueue_dma source(%dma_start3A_1861 : memref<256x100xi32, #tpu.memory_space<hbm>>) target(%arg5 : memref<256x100xi32, #tpu.memory_space<vmem>>) target_semaphore(%run_scoped3A : memref<!tpu.dma_semaphore, #tpu.memory_space<semaphore_mem>>)
      %dma_wait3A_1862 = arith.constant 0 : i32
      %dma_wait3A_1863 = arith.constant 0 : i32
      %dma_wait3A_1864 = tpu.memref_slice %arg3[%add3A, %dma_wait3A_1862, %dma_wait3A_1863] : memref<32x256x100xi32, #tpu.memory_space<hbm>> -> memref<1x256x100xi32, #tpu.memory_space<hbm>>
      %dma_wait3A_1865 = tpu.memref_squeeze %dma_wait3A_1864 : memref<1x256x100xi32, #tpu.memory_space<hbm>> -> memref<256x100xi32, #tpu.memory_space<hbm>>
      %dma_wait3A_1866 = arith.constant 0 : i32
      %dma_wait3A_1867 = arith.constant 0 : i32
      %dma_wait3A_1868 = tpu.memref_slice %arg3[%add3A, %dma_wait3A_1866, %dma_wait3A_1867] : memref<32x256x100xi32, #tpu.memory_space<hbm>> -> memref<1x256x100xi32, #tpu.memory_space<hbm>>
      %dma_wait3A_1869 = tpu.memref_squeeze %dma_wait3A_1868 : memref<1x256x100xi32, #tpu.memory_space<hbm>> -> memref<256x100xi32, #tpu.memory_space<hbm>>
      tpu.wait_dma2 semaphore(%run_scoped3A : memref<!tpu.dma_semaphore, #tpu.memory_space<semaphore_mem>>) src(%dma_wait3A_1869 : memref<256x100xi32, #tpu.memory_space<hbm>>) dst(%arg5 : memref<256x100xi32, #tpu.memory_space<vmem>>)
      tpu.yield
    }) : () -> ()
    %dma_start3A = arith.constant 0 : i32
    %dma_start3A_3 = arith.constant 0 : i32
    %dma_start3A_4 = arith.constant 0 : i32
    %dma_start3A_5 = arith.constant 0 : i32
    %dma_start3A_6 = tpu.memref_slice %arg6[%dma_start3A_3, %dma_start3A_4, %dma_start3A_5] : memref<8x100x64xf32, #tpu.memory_space<vmem>> -> memref<1x100x64xf32, #tpu.memory_space<vmem>>
    %dma_start3A_7 = tpu.memref_squeeze %dma_start3A_6 : memref<1x100x64xf32, #tpu.memory_space<vmem>> -> memref<100x64xf32, #tpu.memory_space<vmem>>
    %dma_start3A_8 = arith.constant 0 : i32
    %dma_start3A_9 = tpu.memref_slice %arg5[%dma_start3A, %dma_start3A_8] : memref<256x100xi32, #tpu.memory_space<vmem>> -> memref<1x100xi32, #tpu.memory_space<vmem>>
    %dma_start3A_10 = tpu.memref_squeeze %dma_start3A_9 : memref<1x100xi32, #tpu.memory_space<vmem>> -> memref<100xi32, #tpu.memory_space<vmem>>
    %dma_start3A_11 = arith.constant 0 : i32
    %dma_start3A_12 = arith.constant 0 : i32
    %dma_start3A_13 = tpu.memref_slice %arg2[%dma_start3A_11, %dma_start3A_12] : memref<100000x64xf32, #tpu.memory_space<hbm>> -> memref<100000x64xf32, #tpu.memory_space<hbm>>
    tpu.enqueue_indirect_dma source(%dma_start3A_13 : memref<100000x64xf32, #tpu.memory_space<hbm>>) target(%dma_start3A_7 : memref<100x64xf32, #tpu.memory_space<vmem>>) offsets(%dma_start3A_10 : memref<100xi32, #tpu.memory_space<vmem>>) semaphore(%arg7 : memref<!tpu.dma_semaphore, #tpu.memory_space<semaphore_mem>>)
    %dma_start3A_14 = arith.constant 1 : i32
    %dma_start3A_15 = arith.constant 1 : i32
    %dma_start3A_16 = arith.constant 0 : i32
    %dma_start3A_17 = arith.constant 0 : i32
    %dma_start3A_18 = tpu.memref_slice %arg6[%dma_start3A_15, %dma_start3A_16, %dma_start3A_17] : memref<8x100x64xf32, #tpu.memory_space<vmem>> -> memref<1x100x64xf32, #tpu.memory_space<vmem>>
    %dma_start3A_19 = tpu.memref_squeeze %dma_start3A_18 : memref<1x100x64xf32, #tpu.memory_space<vmem>> -> memref<100x64xf32, #tpu.memory_space<vmem>>
    %dma_start3A_20 = arith.constant 0 : i32
    %dma_start3A_21 = tpu.memref_slice %arg5[%dma_start3A_14, %dma_start3A_20] : memref<256x100xi32, #tpu.memory_space<vmem>> -> memref<1x100xi32, #tpu.memory_space<vmem>>
    %dma_start3A_22 = tpu.memref_squeeze %dma_start3A_21 : memref<1x100xi32, #tpu.memory_space<vmem>> -> memref<100xi32, #tpu.memory_space<vmem>>
    %dma_start3A_23 = arith.constant 0 : i32
    %dma_start3A_24 = arith.constant 0 : i32
    %dma_start3A_25 = tpu.memref_slice %arg2[%dma_start3A_23, %dma_start3A_24] : memref<100000x64xf32, #tpu.memory_space<hbm>> -> memref<100000x64xf32, #tpu.memory_space<hbm>>
    tpu.enqueue_indirect_dma source(%dma_start3A_25 : memref<100000x64xf32, #tpu.memory_space<hbm>>) target(%dma_start3A_19 : memref<100x64xf32, #tpu.memory_space<vmem>>) offsets(%dma_start3A_22 : memref<100xi32, #tpu.memory_space<vmem>>) semaphore(%arg8 : memref<!tpu.dma_semaphore, #tpu.memory_space<semaphore_mem>>)
    %dma_start3A_26 = arith.constant 2 : i32
    %dma_start3A_27 = arith.constant 2 : i32
    %dma_start3A_28 = arith.constant 0 : i32
    %dma_start3A_29 = arith.constant 0 : i32
    %dma_start3A_30 = tpu.memref_slice %arg6[%dma_start3A_27, %dma_start3A_28, %dma_start3A_29] : memref<8x100x64xf32, #tpu.memory_space<vmem>> -> memref<1x100x64xf32, #tpu.memory_space<vmem>>
    %dma_start3A_31 = tpu.memref_squeeze %dma_start3A_30 : memref<1x100x64xf32, #tpu.memory_space<vmem>> -> memref<100x64xf32, #tpu.memory_space<vmem>>
    %dma_start3A_32 = arith.constant 0 : i32
    %dma_start3A_33 = tpu.memref_slice %arg5[%dma_start3A_26, %dma_start3A_32] : memref<256x100xi32, #tpu.memory_space<vmem>> -> memref<1x100xi32, #tpu.memory_space<vmem>>
    %dma_start3A_34 = tpu.memref_squeeze %dma_start3A_33 : memref<1x100xi32, #tpu.memory_space<vmem>> -> memref<100xi32, #tpu.memory_space<vmem>>
    %dma_start3A_35 = arith.constant 0 : i32
    %dma_start3A_36 = arith.constant 0 : i32
    %dma_start3A_37 = tpu.memref_slice %arg2[%dma_start3A_35, %dma_start3A_36] : memref<100000x64xf32, #tpu.memory_space<hbm>> -> memref<100000x64xf32, #tpu.memory_space<hbm>>
    tpu.enqueue_indirect_dma source(%dma_start3A_37 : memref<100000x64xf32, #tpu.memory_space<hbm>>) target(%dma_start3A_31 : memref<100x64xf32, #tpu.memory_space<vmem>>) offsets(%dma_start3A_34 : memref<100xi32, #tpu.memory_space<vmem>>) semaphore(%arg9 : memref<!tpu.dma_semaphore, #tpu.memory_space<semaphore_mem>>)
    %dma_start3A_38 = arith.constant 3 : i32
    %dma_start3A_39 = arith.constant 3 : i32
    %dma_start3A_40 = arith.constant 0 : i32
    %dma_start3A_41 = arith.constant 0 : i32
    %dma_start3A_42 = tpu.memref_slice %arg6[%dma_start3A_39, %dma_start3A_40, %dma_start3A_41] : memref<8x100x64xf32, #tpu.memory_space<vmem>> -> memref<1x100x64xf32, #tpu.memory_space<vmem>>
    %dma_start3A_43 = tpu.memref_squeeze %dma_start3A_42 : memref<1x100x64xf32, #tpu.memory_space<vmem>> -> memref<100x64xf32, #tpu.memory_space<vmem>>
    %dma_start3A_44 = arith.constant 0 : i32
    %dma_start3A_45 = tpu.memref_slice %arg5[%dma_start3A_38, %dma_start3A_44] : memref<256x100xi32, #tpu.memory_space<vmem>> -> memref<1x100xi32, #tpu.memory_space<vmem>>
    %dma_start3A_46 = tpu.memref_squeeze %dma_start3A_45 : memref<1x100xi32, #tpu.memory_space<vmem>> -> memref<100xi32, #tpu.memory_space<vmem>>
    %dma_start3A_47 = arith.constant 0 : i32
    %dma_start3A_48 = arith.constant 0 : i32
    %dma_start3A_49 = tpu.memref_slice %arg2[%dma_start3A_47, %dma_start3A_48] : memref<100000x64xf32, #tpu.memory_space<hbm>> -> memref<100000x64xf32, #tpu.memory_space<hbm>>
    tpu.enqueue_indirect_dma source(%dma_start3A_49 : memref<100000x64xf32, #tpu.memory_space<hbm>>) target(%dma_start3A_43 : memref<100x64xf32, #tpu.memory_space<vmem>>) offsets(%dma_start3A_46 : memref<100xi32, #tpu.memory_space<vmem>>) semaphore(%arg10 : memref<!tpu.dma_semaphore, #tpu.memory_space<semaphore_mem>>)
    %dma_wait3A = arith.constant 0 : i32
    %dma_wait3A_50 = arith.constant 0 : i32
    %dma_wait3A_51 = arith.constant 0 : i32
    %dma_wait3A_52 = arith.constant 0 : i32
    %dma_wait3A_53 = tpu.memref_slice %arg6[%dma_wait3A_50, %dma_wait3A_51, %dma_wait3A_52] : memref<8x100x64xf32, #tpu.memory_space<vmem>> -> memref<1x100x64xf32, #tpu.memory_space<vmem>>
    %dma_wait3A_54 = tpu.memref_squeeze %dma_wait3A_53 : memref<1x100x64xf32, #tpu.memory_space<vmem>> -> memref<100x64xf32, #tpu.memory_space<vmem>>
    %dma_wait3A_55 = arith.constant 0 : i32
    %dma_wait3A_56 = tpu.memref_slice %arg5[%dma_wait3A, %dma_wait3A_55] : memref<256x100xi32, #tpu.memory_space<vmem>> -> memref<1x100xi32, #tpu.memory_space<vmem>>
    %dma_wait3A_57 = tpu.memref_squeeze %dma_wait3A_56 : memref<1x100xi32, #tpu.memory_space<vmem>> -> memref<100xi32, #tpu.memory_space<vmem>>
    %dma_wait3A_58 = arith.constant 0 : i32
    %dma_wait3A_59 = arith.constant 0 : i32
    %dma_wait3A_60 = tpu.memref_slice %arg2[%dma_wait3A_58, %dma_wait3A_59] : memref<100000x64xf32, #tpu.memory_space<hbm>> -> memref<100000x64xf32, #tpu.memory_space<hbm>>
    tpu.wait_indirect_dma semaphore(%arg7 : memref<!tpu.dma_semaphore, #tpu.memory_space<semaphore_mem>>) src(%dma_wait3A_60 : memref<100000x64xf32, #tpu.memory_space<hbm>>) dst(%dma_wait3A_54 : memref<100x64xf32, #tpu.memory_space<vmem>>)
    %add3A_61 = arith.constant 0 : i32
    %add3A_62 = arith.addi %mul3A_2, %add3A_61 : i32
    %jit3A = arith.constant 2 : i32
    %div3A = arith.divsi %add3A_62, %jit3A : i32
    %sign3A = arith.constant 0 : i32
    %sign3A_63 = arith.cmpi sgt, %add3A_62, %sign3A : i32
    %sign3A_64 = arith.extui %sign3A_63 : i1 to i32
    %sign3A_65 = arith.constant 0 : i32
    %sign3A_66 = arith.cmpi slt, %add3A_62, %sign3A_65 : i32
    %sign3A_67 = arith.extui %sign3A_66 : i1 to i32
    %sign3A_68 = arith.subi %sign3A_64, %sign3A_67 : i32
    %sign3A_69 = arith.constant 0 : i32
    %sign3A_70 = arith.cmpi sgt, %jit3A, %sign3A_69 : i32
    %sign3A_71 = arith.extui %sign3A_70 : i1 to i32
    %sign3A_72 = arith.constant 0 : i32
    %sign3A_73 = arith.cmpi slt, %jit3A, %sign3A_72 : i32
    %sign3A_74 = arith.extui %sign3A_73 : i1 to i32
    %sign3A_75 = arith.subi %sign3A_71, %sign3A_74 : i32
    %ne3A = arith.cmpi ne, %sign3A_68, %sign3A_75 : i32
    %rem3A = arith.remsi %add3A_62, %jit3A : i32
    %ne3A_76 = arith.constant 0 : i32
    %ne3A_77 = arith.cmpi ne, %rem3A, %ne3A_76 : i32
    %and3A = arith.andi %ne3A, %ne3A_77 : i1
    %sub3A = arith.constant 1 : i32
    %sub3A_78 = arith.subi %div3A, %sub3A : i32
    %select_n3A = arith.select %and3A, %sub3A_78, %div3A : i32
    %mul3A_79 = arith.constant 2 : i32
    %mul3A_80 = arith.muli %select_n3A, %mul3A_79 : i32
    %sub3A_81 = arith.subi %add3A_62, %mul3A_80 : i32
    %mul3A_82 = arith.constant 100 : i32
    %mul3A_83 = arith.muli %sub3A_81, %mul3A_82 : i32
    %dma_start3A_84 = arith.constant 0 : i32
    %dma_start3A_85 = arith.constant 0 : i32
    %dma_start3A_86 = arith.constant 0 : i32
    %dma_start3A_87 = tpu.memref_slice %arg6[%dma_start3A_84, %dma_start3A_85, %dma_start3A_86] : memref<8x100x64xf32, #tpu.memory_space<vmem>> -> memref<1x100x64xf32, #tpu.memory_space<vmem>>
    %dma_start3A_88 = tpu.memref_squeeze %dma_start3A_87 : memref<1x100x64xf32, #tpu.memory_space<vmem>> -> memref<100x64xf32, #tpu.memory_space<vmem>>
    %dma_start3A_89 = arith.constant 0 : i32
    %dma_start3A_90 = tpu.memref_slice %arg4[%select_n3A, %mul3A_83, %dma_start3A_89] : memref<4096x200x64xf32, #tpu.memory_space<hbm>> -> memref<1x100x64xf32, #tpu.memory_space<hbm>>
    %dma_start3A_91 = tpu.memref_squeeze %dma_start3A_90 : memref<1x100x64xf32, #tpu.memory_space<hbm>> -> memref<100x64xf32, #tpu.memory_space<hbm>>
    %dma_start3A_92 = arith.constant 0 : i32
    %dma_start3A_93 = tpu.memref_slice %arg4[%select_n3A, %mul3A_83, %dma_start3A_92] : memref<4096x200x64xf32, #tpu.memory_space<hbm>> -> memref<1x100x64xf32, #tpu.memory_space<hbm>>
    %dma_start3A_94 = tpu.memref_squeeze %dma_start3A_93 : memref<1x100x64xf32, #tpu.memory_space<hbm>> -> memref<100x64xf32, #tpu.memory_space<hbm>>
    %dma_start3A_95 = arith.constant 0 : i32
    %dma_start3A_96 = arith.constant 0 : i32
    %dma_start3A_97 = tpu.memref_slice %arg6[%dma_start3A_84, %dma_start3A_95, %dma_start3A_96] : memref<8x100x64xf32, #tpu.memory_space<vmem>> -> memref<1x100x64xf32, #tpu.memory_space<vmem>>
    %dma_start3A_98 = tpu.memref_squeeze %dma_start3A_97 : memref<1x100x64xf32, #tpu.memory_space<vmem>> -> memref<100x64xf32, #tpu.memory_space<vmem>>
    tpu.enqueue_dma source(%dma_start3A_98 : memref<100x64xf32, #tpu.memory_space<vmem>>) target(%dma_start3A_94 : memref<100x64xf32, #tpu.memory_space<hbm>>) target_semaphore(%arg15 : memref<!tpu.dma_semaphore, #tpu.memory_space<semaphore_mem>>)
    %dma_start3A_99 = arith.constant 4 : i32
    %dma_start3A_100 = arith.constant 4 : i32
    %dma_start3A_101 = arith.constant 0 : i32
    %dma_start3A_102 = arith.constant 0 : i32
    %dma_start3A_103 = tpu.memref_slice %arg6[%dma_start3A_100, %dma_start3A_101, %dma_start3A_102] : memref<8x100x64xf32, #tpu.memory_space<vmem>> -> memref<1x100x64xf32, #tpu.memory_space<vmem>>
    %dma_start3A_104 = tpu.memref_squeeze %dma_start3A_103 : memref<1x100x64xf32, #tpu.memory_space<vmem>> -> memref<100x64xf32, #tpu.memory_space<vmem>>
    %dma_start3A_105 = arith.constant 0 : i32
    %dma_start3A_106 = tpu.memref_slice %arg5[%dma_start3A_99, %dma_start3A_105] : memref<256x100xi32, #tpu.memory_space<vmem>> -> memref<1x100xi32, #tpu.memory_space<vmem>>
    %dma_start3A_107 = tpu.memref_squeeze %dma_start3A_106 : memref<1x100xi32, #tpu.memory_space<vmem>> -> memref<100xi32, #tpu.memory_space<vmem>>
    %dma_start3A_108 = arith.constant 0 : i32
    %dma_start3A_109 = arith.constant 0 : i32
    %dma_start3A_110 = tpu.memref_slice %arg2[%dma_start3A_108, %dma_start3A_109] : memref<100000x64xf32, #tpu.memory_space<hbm>> -> memref<100000x64xf32, #tpu.memory_space<hbm>>
    tpu.enqueue_indirect_dma source(%dma_start3A_110 : memref<100000x64xf32, #tpu.memory_space<hbm>>) target(%dma_start3A_104 : memref<100x64xf32, #tpu.memory_space<vmem>>) offsets(%dma_start3A_107 : memref<100xi32, #tpu.memory_space<vmem>>) semaphore(%arg11 : memref<!tpu.dma_semaphore, #tpu.memory_space<semaphore_mem>>)
    %dma_wait3A_111 = arith.constant 1 : i32
    %dma_wait3A_112 = arith.constant 1 : i32
    %dma_wait3A_113 = arith.constant 0 : i32
    %dma_wait3A_114 = arith.constant 0 : i32
    %dma_wait3A_115 = tpu.memref_slice %arg6[%dma_wait3A_112, %dma_wait3A_113, %dma_wait3A_114] : memref<8x100x64xf32, #tpu.memory_space<vmem>> -> memref<1x100x64xf32, #tpu.memory_space<vmem>>
    %dma_wait3A_116 = tpu.memref_squeeze %dma_wait3A_115 : memref<1x100x64xf32, #tpu.memory_space<vmem>> -> memref<100x64xf32, #tpu.memory_space<vmem>>
    %dma_wait3A_117 = arith.constant 0 : i32
    %dma_wait3A_118 = tpu.memref_slice %arg5[%dma_wait3A_111, %dma_wait3A_117] : memref<256x100xi32, #tpu.memory_space<vmem>> -> memref<1x100xi32, #tpu.memory_space<vmem>>
    %dma_wait3A_119 = tpu.memref_squeeze %dma_wait3A_118 : memref<1x100xi32, #tpu.memory_space<vmem>> -> memref<100xi32, #tpu.memory_space<vmem>>
    %dma_wait3A_120 = arith.constant 0 : i32
    %dma_wait3A_121 = arith.constant 0 : i32
    %dma_wait3A_122 = tpu.memref_slice %arg2[%dma_wait3A_120, %dma_wait3A_121] : memref<100000x64xf32, #tpu.memory_space<hbm>> -> memref<100000x64xf32, #tpu.memory_space<hbm>>
    tpu.wait_indirect_dma semaphore(%arg8 : memref<!tpu.dma_semaphore, #tpu.memory_space<semaphore_mem>>) src(%dma_wait3A_122 : memref<100000x64xf32, #tpu.memory_space<hbm>>) dst(%dma_wait3A_116 : memref<100x64xf32, #tpu.memory_space<vmem>>)
    %add3A_123 = arith.constant 1 : i32
    %add3A_124 = arith.addi %mul3A_2, %add3A_123 : i32
    %jit3A_125 = arith.constant 2 : i32
    %div3A_126 = arith.divsi %add3A_124, %jit3A_125 : i32
    %sign3A_127 = arith.constant 0 : i32
    %sign3A_128 = arith.cmpi sgt, %add3A_124, %sign3A_127 : i32
    %sign3A_129 = arith.extui %sign3A_128 : i1 to i32
    %sign3A_130 = arith.constant 0 : i32
    %sign3A_131 = arith.cmpi slt, %add3A_124, %sign3A_130 : i32
    %sign3A_132 = arith.extui %sign3A_131 : i1 to i32
    %sign3A_133 = arith.subi %sign3A_129, %sign3A_132 : i32
    %sign3A_134 = arith.constant 0 : i32
    %sign3A_135 = arith.cmpi sgt, %jit3A_125, %sign3A_134 : i32
    %sign3A_136 = arith.extui %sign3A_135 : i1 to i32
    %sign3A_137 = arith.constant 0 : i32
    %sign3A_138 = arith.cmpi slt, %jit3A_125, %sign3A_137 : i32
    %sign3A_139 = arith.extui %sign3A_138 : i1 to i32
    %sign3A_140 = arith.subi %sign3A_136, %sign3A_139 : i32
    %ne3A_141 = arith.cmpi ne, %sign3A_133, %sign3A_140 : i32
    %rem3A_142 = arith.remsi %add3A_124, %jit3A_125 : i32
    %ne3A_143 = arith.constant 0 : i32
    %ne3A_144 = arith.cmpi ne, %rem3A_142, %ne3A_143 : i32
    %and3A_145 = arith.andi %ne3A_141, %ne3A_144 : i1
    %sub3A_146 = arith.constant 1 : i32
    %sub3A_147 = arith.subi %div3A_126, %sub3A_146 : i32
    %select_n3A_148 = arith.select %and3A_145, %sub3A_147, %div3A_126 : i32
    %mul3A_149 = arith.constant 2 : i32
    %mul3A_150 = arith.muli %select_n3A_148, %mul3A_149 : i32
    %sub3A_151 = arith.subi %add3A_124, %mul3A_150 : i32
    %mul3A_152 = arith.constant 100 : i32
    %mul3A_153 = arith.muli %sub3A_151, %mul3A_152 : i32
    %dma_start3A_154 = arith.constant 1 : i32
    %dma_start3A_155 = arith.constant 0 : i32
    %dma_start3A_156 = arith.constant 0 : i32
    %dma_start3A_157 = tpu.memref_slice %arg6[%dma_start3A_154, %dma_start3A_155, %dma_start3A_156] : memref<8x100x64xf32, #tpu.memory_space<vmem>> -> memref<1x100x64xf32, #tpu.memory_space<vmem>>
    %dma_start3A_158 = tpu.memref_squeeze %dma_start3A_157 : memref<1x100x64xf32, #tpu.memory_space<vmem>> -> memref<100x64xf32, #tpu.memory_space<vmem>>
    %dma_start3A_159 = arith.constant 0 : i32
    %dma_start3A_160 = tpu.memref_slice %arg4[%select_n3A_148, %mul3A_153, %dma_start3A_159] : memref<4096x200x64xf32, #tpu.memory_space<hbm>> -> memref<1x100x64xf32, #tpu.memory_space<hbm>>
    %dma_start3A_161 = tpu.memref_squeeze %dma_start3A_160 : memref<1x100x64xf32, #tpu.memory_space<hbm>> -> memref<100x64xf32, #tpu.memory_space<hbm>>
    %dma_start3A_162 = arith.constant 0 : i32
    %dma_start3A_163 = tpu.memref_slice %arg4[%select_n3A_148, %mul3A_153, %dma_start3A_162] : memref<4096x200x64xf32, #tpu.memory_space<hbm>> -> memref<1x100x64xf32, #tpu.memory_space<hbm>>
    %dma_start3A_164 = tpu.memref_squeeze %dma_start3A_163 : memref<1x100x64xf32, #tpu.memory_space<hbm>> -> memref<100x64xf32, #tpu.memory_space<hbm>>
    %dma_start3A_165 = arith.constant 0 : i32
    %dma_start3A_166 = arith.constant 0 : i32
    %dma_start3A_167 = tpu.memref_slice %arg6[%dma_start3A_154, %dma_start3A_165, %dma_start3A_166] : memref<8x100x64xf32, #tpu.memory_space<vmem>> -> memref<1x100x64xf32, #tpu.memory_space<vmem>>
    %dma_start3A_168 = tpu.memref_squeeze %dma_start3A_167 : memref<1x100x64xf32, #tpu.memory_space<vmem>> -> memref<100x64xf32, #tpu.memory_space<vmem>>
    tpu.enqueue_dma source(%dma_start3A_168 : memref<100x64xf32, #tpu.memory_space<vmem>>) target(%dma_start3A_164 : memref<100x64xf32, #tpu.memory_space<hbm>>) target_semaphore(%arg16 : memref<!tpu.dma_semaphore, #tpu.memory_space<semaphore_mem>>)
    %dma_start3A_169 = arith.constant 5 : i32
    %dma_start3A_170 = arith.constant 5 : i32
    %dma_start3A_171 = arith.constant 0 : i32
    %dma_start3A_172 = arith.constant 0 : i32
    %dma_start3A_173 = tpu.memref_slice %arg6[%dma_start3A_170, %dma_start3A_171, %dma_start3A_172] : memref<8x100x64xf32, #tpu.memory_space<vmem>> -> memref<1x100x64xf32, #tpu.memory_space<vmem>>
    %dma_start3A_174 = tpu.memref_squeeze %dma_start3A_173 : memref<1x100x64xf32, #tpu.memory_space<vmem>> -> memref<100x64xf32, #tpu.memory_space<vmem>>
    %dma_start3A_175 = arith.constant 0 : i32
    %dma_start3A_176 = tpu.memref_slice %arg5[%dma_start3A_169, %dma_start3A_175] : memref<256x100xi32, #tpu.memory_space<vmem>> -> memref<1x100xi32, #tpu.memory_space<vmem>>
    %dma_start3A_177 = tpu.memref_squeeze %dma_start3A_176 : memref<1x100xi32, #tpu.memory_space<vmem>> -> memref<100xi32, #tpu.memory_space<vmem>>
    %dma_start3A_178 = arith.constant 0 : i32
    %dma_start3A_179 = arith.constant 0 : i32
    %dma_start3A_180 = tpu.memref_slice %arg2[%dma_start3A_178, %dma_start3A_179] : memref<100000x64xf32, #tpu.memory_space<hbm>> -> memref<100000x64xf32, #tpu.memory_space<hbm>>
    tpu.enqueue_indirect_dma source(%dma_start3A_180 : memref<100000x64xf32, #tpu.memory_space<hbm>>) target(%dma_start3A_174 : memref<100x64xf32, #tpu.memory_space<vmem>>) offsets(%dma_start3A_177 : memref<100xi32, #tpu.memory_space<vmem>>) semaphore(%arg12 : memref<!tpu.dma_semaphore, #tpu.memory_space<semaphore_mem>>)
    %dma_wait3A_181 = arith.constant 2 : i32
    %dma_wait3A_182 = arith.constant 2 : i32
    %dma_wait3A_183 = arith.constant 0 : i32
    %dma_wait3A_184 = arith.constant 0 : i32
    %dma_wait3A_185 = tpu.memref_slice %arg6[%dma_wait3A_182, %dma_wait3A_183, %dma_wait3A_184] : memref<8x100x64xf32, #tpu.memory_space<vmem>> -> memref<1x100x64xf32, #tpu.memory_space<vmem>>
    %dma_wait3A_186 = tpu.memref_squeeze %dma_wait3A_185 : memref<1x100x64xf32, #tpu.memory_space<vmem>> -> memref<100x64xf32, #tpu.memory_space<vmem>>
    %dma_wait3A_187 = arith.constant 0 : i32
    %dma_wait3A_188 = tpu.memref_slice %arg5[%dma_wait3A_181, %dma_wait3A_187] : memref<256x100xi32, #tpu.memory_space<vmem>> -> memref<1x100xi32, #tpu.memory_space<vmem>>
    %dma_wait3A_189 = tpu.memref_squeeze %dma_wait3A_188 : memref<1x100xi32, #tpu.memory_space<vmem>> -> memref<100xi32, #tpu.memory_space<vmem>>
    %dma_wait3A_190 = arith.constant 0 : i32
    %dma_wait3A_191 = arith.constant 0 : i32
    %dma_wait3A_192 = tpu.memref_slice %arg2[%dma_wait3A_190, %dma_wait3A_191] : memref<100000x64xf32, #tpu.memory_space<hbm>> -> memref<100000x64xf32, #tpu.memory_space<hbm>>
    tpu.wait_indirect_dma semaphore(%arg9 : memref<!tpu.dma_semaphore, #tpu.memory_space<semaphore_mem>>) src(%dma_wait3A_192 : memref<100000x64xf32, #tpu.memory_space<hbm>>) dst(%dma_wait3A_186 : memref<100x64xf32, #tpu.memory_space<vmem>>)
    %add3A_193 = arith.constant 2 : i32
    %add3A_194 = arith.addi %mul3A_2, %add3A_193 : i32
    %jit3A_195 = arith.constant 2 : i32
    %div3A_196 = arith.divsi %add3A_194, %jit3A_195 : i32
    %sign3A_197 = arith.constant 0 : i32
    %sign3A_198 = arith.cmpi sgt, %add3A_194, %sign3A_197 : i32
    %sign3A_199 = arith.extui %sign3A_198 : i1 to i32
    %sign3A_200 = arith.constant 0 : i32
    %sign3A_201 = arith.cmpi slt, %add3A_194, %sign3A_200 : i32
    %sign3A_202 = arith.extui %sign3A_201 : i1 to i32
    %sign3A_203 = arith.subi %sign3A_199, %sign3A_202 : i32
    %sign3A_204 = arith.constant 0 : i32
    %sign3A_205 = arith.cmpi sgt, %jit3A_195, %sign3A_204 : i32
    %sign3A_206 = arith.extui %sign3A_205 : i1 to i32
    %sign3A_207 = arith.constant 0 : i32
    %sign3A_208 = arith.cmpi slt, %jit3A_195, %sign3A_207 : i32
    %sign3A_209 = arith.extui %sign3A_208 : i1 to i32
    %sign3A_210 = arith.subi %sign3A_206, %sign3A_209 : i32
    %ne3A_211 = arith.cmpi ne, %sign3A_203, %sign3A_210 : i32
    %rem3A_212 = arith.remsi %add3A_194, %jit3A_195 : i32
    %ne3A_213 = arith.constant 0 : i32
    %ne3A_214 = arith.cmpi ne, %rem3A_212, %ne3A_213 : i32
    %and3A_215 = arith.andi %ne3A_211, %ne3A_214 : i1
    %sub3A_216 = arith.constant 1 : i32
    %sub3A_217 = arith.subi %div3A_196, %sub3A_216 : i32
    %select_n3A_218 = arith.select %and3A_215, %sub3A_217, %div3A_196 : i32
    %mul3A_219 = arith.constant 2 : i32
    %mul3A_220 = arith.muli %select_n3A_218, %mul3A_219 : i32
    %sub3A_221 = arith.subi %add3A_194, %mul3A_220 : i32
    %mul3A_222 = arith.constant 100 : i32
    %mul3A_223 = arith.muli %sub3A_221, %mul3A_222 : i32
    %dma_start3A_224 = arith.constant 2 : i32
    %dma_start3A_225 = arith.constant 0 : i32
    %dma_start3A_226 = arith.constant 0 : i32
    %dma_start3A_227 = tpu.memref_slice %arg6[%dma_start3A_224, %dma_start3A_225, %dma_start3A_226] : memref<8x100x64xf32, #tpu.memory_space<vmem>> -> memref<1x100x64xf32, #tpu.memory_space<vmem>>
    %dma_start3A_228 = tpu.memref_squeeze %dma_start3A_227 : memref<1x100x64xf32, #tpu.memory_space<vmem>> -> memref<100x64xf32, #tpu.memory_space<vmem>>
    %dma_start3A_229 = arith.constant 0 : i32
    %dma_start3A_230 = tpu.memref_slice %arg4[%select_n3A_218, %mul3A_223, %dma_start3A_229] : memref<4096x200x64xf32, #tpu.memory_space<hbm>> -> memref<1x100x64xf32, #tpu.memory_space<hbm>>
    %dma_start3A_231 = tpu.memref_squeeze %dma_start3A_230 : memref<1x100x64xf32, #tpu.memory_space<hbm>> -> memref<100x64xf32, #tpu.memory_space<hbm>>
    %dma_start3A_232 = arith.constant 0 : i32
    %dma_start3A_233 = tpu.memref_slice %arg4[%select_n3A_218, %mul3A_223, %dma_start3A_232] : memref<4096x200x64xf32, #tpu.memory_space<hbm>> -> memref<1x100x64xf32, #tpu.memory_space<hbm>>
    %dma_start3A_234 = tpu.memref_squeeze %dma_start3A_233 : memref<1x100x64xf32, #tpu.memory_space<hbm>> -> memref<100x64xf32, #tpu.memory_space<hbm>>
    %dma_start3A_235 = arith.constant 0 : i32
    %dma_start3A_236 = arith.constant 0 : i32
    %dma_start3A_237 = tpu.memref_slice %arg6[%dma_start3A_224, %dma_start3A_235, %dma_start3A_236] : memref<8x100x64xf32, #tpu.memory_space<vmem>> -> memref<1x100x64xf32, #tpu.memory_space<vmem>>
    %dma_start3A_238 = tpu.memref_squeeze %dma_start3A_237 : memref<1x100x64xf32, #tpu.memory_space<vmem>> -> memref<100x64xf32, #tpu.memory_space<vmem>>
    tpu.enqueue_dma source(%dma_start3A_238 : memref<100x64xf32, #tpu.memory_space<vmem>>) target(%dma_start3A_234 : memref<100x64xf32, #tpu.memory_space<hbm>>) target_semaphore(%arg17 : memref<!tpu.dma_semaphore, #tpu.memory_space<semaphore_mem>>)
    %dma_start3A_239 = arith.constant 6 : i32
    %dma_start3A_240 = arith.constant 6 : i32
    %dma_start3A_241 = arith.constant 0 : i32
    %dma_start3A_242 = arith.constant 0 : i32
    %dma_start3A_243 = tpu.memref_slice %arg6[%dma_start3A_240, %dma_start3A_241, %dma_start3A_242] : memref<8x100x64xf32, #tpu.memory_space<vmem>> -> memref<1x100x64xf32, #tpu.memory_space<vmem>>
    %dma_start3A_244 = tpu.memref_squeeze %dma_start3A_243 : memref<1x100x64xf32, #tpu.memory_space<vmem>> -> memref<100x64xf32, #tpu.memory_space<vmem>>
    %dma_start3A_245 = arith.constant 0 : i32
    %dma_start3A_246 = tpu.memref_slice %arg5[%dma_start3A_239, %dma_start3A_245] : memref<256x100xi32, #tpu.memory_space<vmem>> -> memref<1x100xi32, #tpu.memory_space<vmem>>
    %dma_start3A_247 = tpu.memref_squeeze %dma_start3A_246 : memref<1x100xi32, #tpu.memory_space<vmem>> -> memref<100xi32, #tpu.memory_space<vmem>>
    %dma_start3A_248 = arith.constant 0 : i32
    %dma_start3A_249 = arith.constant 0 : i32
    %dma_start3A_250 = tpu.memref_slice %arg2[%dma_start3A_248, %dma_start3A_249] : memref<100000x64xf32, #tpu.memory_space<hbm>> -> memref<100000x64xf32, #tpu.memory_space<hbm>>
    tpu.enqueue_indirect_dma source(%dma_start3A_250 : memref<100000x64xf32, #tpu.memory_space<hbm>>) target(%dma_start3A_244 : memref<100x64xf32, #tpu.memory_space<vmem>>) offsets(%dma_start3A_247 : memref<100xi32, #tpu.memory_space<vmem>>) semaphore(%arg13 : memref<!tpu.dma_semaphore, #tpu.memory_space<semaphore_mem>>)
    %dma_wait3A_251 = arith.constant 3 : i32
    %dma_wait3A_252 = arith.constant 3 : i32
    %dma_wait3A_253 = arith.constant 0 : i32
    %dma_wait3A_254 = arith.constant 0 : i32
    %dma_wait3A_255 = tpu.memref_slice %arg6[%dma_wait3A_252, %dma_wait3A_253, %dma_wait3A_254] : memref<8x100x64xf32, #tpu.memory_space<vmem>> -> memref<1x100x64xf32, #tpu.memory_space<vmem>>
    %dma_wait3A_256 = tpu.memref_squeeze %dma_wait3A_255 : memref<1x100x64xf32, #tpu.memory_space<vmem>> -> memref<100x64xf32, #tpu.memory_space<vmem>>
    %dma_wait3A_257 = arith.constant 0 : i32
    %dma_wait3A_258 = tpu.memref_slice %arg5[%dma_wait3A_251, %dma_wait3A_257] : memref<256x100xi32, #tpu.memory_space<vmem>> -> memref<1x100xi32, #tpu.memory_space<vmem>>
    %dma_wait3A_259 = tpu.memref_squeeze %dma_wait3A_258 : memref<1x100xi32, #tpu.memory_space<vmem>> -> memref<100xi32, #tpu.memory_space<vmem>>
    %dma_wait3A_260 = arith.constant 0 : i32
    %dma_wait3A_261 = arith.constant 0 : i32
    %dma_wait3A_262 = tpu.memref_slice %arg2[%dma_wait3A_260, %dma_wait3A_261] : memref<100000x64xf32, #tpu.memory_space<hbm>> -> memref<100000x64xf32, #tpu.memory_space<hbm>>
    tpu.wait_indirect_dma semaphore(%arg10 : memref<!tpu.dma_semaphore, #tpu.memory_space<semaphore_mem>>) src(%dma_wait3A_262 : memref<100000x64xf32, #tpu.memory_space<hbm>>) dst(%dma_wait3A_256 : memref<100x64xf32, #tpu.memory_space<vmem>>)
    %add3A_263 = arith.constant 3 : i32
    %add3A_264 = arith.addi %mul3A_2, %add3A_263 : i32
    %jit3A_265 = arith.constant 2 : i32
    %div3A_266 = arith.divsi %add3A_264, %jit3A_265 : i32
    %sign3A_267 = arith.constant 0 : i32
    %sign3A_268 = arith.cmpi sgt, %add3A_264, %sign3A_267 : i32
    %sign3A_269 = arith.extui %sign3A_268 : i1 to i32
    %sign3A_270 = arith.constant 0 : i32
    %sign3A_271 = arith.cmpi slt, %add3A_264, %sign3A_270 : i32
    %sign3A_272 = arith.extui %sign3A_271 : i1 to i32
    %sign3A_273 = arith.subi %sign3A_269, %sign3A_272 : i32
    %sign3A_274 = arith.constant 0 : i32
    %sign3A_275 = arith.cmpi sgt, %jit3A_265, %sign3A_274 : i32
    %sign3A_276 = arith.extui %sign3A_275 : i1 to i32
    %sign3A_277 = arith.constant 0 : i32
    %sign3A_278 = arith.cmpi slt, %jit3A_265, %sign3A_277 : i32
    %sign3A_279 = arith.extui %sign3A_278 : i1 to i32
    %sign3A_280 = arith.subi %sign3A_276, %sign3A_279 : i32
    %ne3A_281 = arith.cmpi ne, %sign3A_273, %sign3A_280 : i32
    %rem3A_282 = arith.remsi %add3A_264, %jit3A_265 : i32
    %ne3A_283 = arith.constant 0 : i32
    %ne3A_284 = arith.cmpi ne, %rem3A_282, %ne3A_283 : i32
    %and3A_285 = arith.andi %ne3A_281, %ne3A_284 : i1
    %sub3A_286 = arith.constant 1 : i32
    %sub3A_287 = arith.subi %div3A_266, %sub3A_286 : i32
    %select_n3A_288 = arith.select %and3A_285, %sub3A_287, %div3A_266 : i32
    %mul3A_289 = arith.constant 2 : i32
    %mul3A_290 = arith.muli %select_n3A_288, %mul3A_289 : i32
    %sub3A_291 = arith.subi %add3A_264, %mul3A_290 : i32
    %mul3A_292 = arith.constant 100 : i32
    %mul3A_293 = arith.muli %sub3A_291, %mul3A_292 : i32
    %dma_start3A_294 = arith.constant 3 : i32
    %dma_start3A_295 = arith.constant 0 : i32
    %dma_start3A_296 = arith.constant 0 : i32
    %dma_start3A_297 = tpu.memref_slice %arg6[%dma_start3A_294, %dma_start3A_295, %dma_start3A_296] : memref<8x100x64xf32, #tpu.memory_space<vmem>> -> memref<1x100x64xf32, #tpu.memory_space<vmem>>
    %dma_start3A_298 = tpu.memref_squeeze %dma_start3A_297 : memref<1x100x64xf32, #tpu.memory_space<vmem>> -> memref<100x64xf32, #tpu.memory_space<vmem>>
    %dma_start3A_299 = arith.constant 0 : i32
    %dma_start3A_300 = tpu.memref_slice %arg4[%select_n3A_288, %mul3A_293, %dma_start3A_299] : memref<4096x200x64xf32, #tpu.memory_space<hbm>> -> memref<1x100x64xf32, #tpu.memory_space<hbm>>
    %dma_start3A_301 = tpu.memref_squeeze %dma_start3A_300 : memref<1x100x64xf32, #tpu.memory_space<hbm>> -> memref<100x64xf32, #tpu.memory_space<hbm>>
    %dma_start3A_302 = arith.constant 0 : i32
    %dma_start3A_303 = tpu.memref_slice %arg4[%select_n3A_288, %mul3A_293, %dma_start3A_302] : memref<4096x200x64xf32, #tpu.memory_space<hbm>> -> memref<1x100x64xf32, #tpu.memory_space<hbm>>
    %dma_start3A_304 = tpu.memref_squeeze %dma_start3A_303 : memref<1x100x64xf32, #tpu.memory_space<hbm>> -> memref<100x64xf32, #tpu.memory_space<hbm>>
    %dma_start3A_305 = arith.constant 0 : i32
    %dma_start3A_306 = arith.constant 0 : i32
    %dma_start3A_307 = tpu.memref_slice %arg6[%dma_start3A_294, %dma_start3A_305, %dma_start3A_306] : memref<8x100x64xf32, #tpu.memory_space<vmem>> -> memref<1x100x64xf32, #tpu.memory_space<vmem>>
    %dma_start3A_308 = tpu.memref_squeeze %dma_start3A_307 : memref<1x100x64xf32, #tpu.memory_space<vmem>> -> memref<100x64xf32, #tpu.memory_space<vmem>>
    tpu.enqueue_dma source(%dma_start3A_308 : memref<100x64xf32, #tpu.memory_space<vmem>>) target(%dma_start3A_304 : memref<100x64xf32, #tpu.memory_space<hbm>>) target_semaphore(%arg18 : memref<!tpu.dma_semaphore, #tpu.memory_space<semaphore_mem>>)
    %dma_start3A_309 = arith.constant 7 : i32
    %dma_start3A_310 = arith.constant 7 : i32
    %dma_start3A_311 = arith.constant 0 : i32
    %dma_start3A_312 = arith.constant 0 : i32
    %dma_start3A_313 = tpu.memref_slice %arg6[%dma_start3A_310, %dma_start3A_311, %dma_start3A_312] : memref<8x100x64xf32, #tpu.memory_space<vmem>> -> memref<1x100x64xf32, #tpu.memory_space<vmem>>
    %dma_start3A_314 = tpu.memref_squeeze %dma_start3A_313 : memref<1x100x64xf32, #tpu.memory_space<vmem>> -> memref<100x64xf32, #tpu.memory_space<vmem>>
    %dma_start3A_315 = arith.constant 0 : i32
    %dma_start3A_316 = tpu.memref_slice %arg5[%dma_start3A_309, %dma_start3A_315] : memref<256x100xi32, #tpu.memory_space<vmem>> -> memref<1x100xi32, #tpu.memory_space<vmem>>
    %dma_start3A_317 = tpu.memref_squeeze %dma_start3A_316 : memref<1x100xi32, #tpu.memory_space<vmem>> -> memref<100xi32, #tpu.memory_space<vmem>>
    %dma_start3A_318 = arith.constant 0 : i32
    %dma_start3A_319 = arith.constant 0 : i32
    %dma_start3A_320 = tpu.memref_slice %arg2[%dma_start3A_318, %dma_start3A_319] : memref<100000x64xf32, #tpu.memory_space<hbm>> -> memref<100000x64xf32, #tpu.memory_space<hbm>>
    tpu.enqueue_indirect_dma source(%dma_start3A_320 : memref<100000x64xf32, #tpu.memory_space<hbm>>) target(%dma_start3A_314 : memref<100x64xf32, #tpu.memory_space<vmem>>) offsets(%dma_start3A_317 : memref<100xi32, #tpu.memory_space<vmem>>) semaphore(%arg14 : memref<!tpu.dma_semaphore, #tpu.memory_space<semaphore_mem>>)
    %dma_wait3A_321 = arith.constant 4 : i32
    %dma_wait3A_322 = arith.constant 4 : i32
    %dma_wait3A_323 = arith.constant 0 : i32
    %dma_wait3A_324 = arith.constant 0 : i32
    %dma_wait3A_325 = tpu.memref_slice %arg6[%dma_wait3A_322, %dma_wait3A_323, %dma_wait3A_324] : memref<8x100x64xf32, #tpu.memory_space<vmem>> -> memref<1x100x64xf32, #tpu.memory_space<vmem>>
    %dma_wait3A_326 = tpu.memref_squeeze %dma_wait3A_325 : memref<1x100x64xf32, #tpu.memory_space<vmem>> -> memref<100x64xf32, #tpu.memory_space<vmem>>
    %dma_wait3A_327 = arith.constant 0 : i32
    %dma_wait3A_328 = tpu.memref_slice %arg5[%dma_wait3A_321, %dma_wait3A_327] : memref<256x100xi32, #tpu.memory_space<vmem>> -> memref<1x100xi32, #tpu.memory_space<vmem>>
    %dma_wait3A_329 = tpu.memref_squeeze %dma_wait3A_328 : memref<1x100xi32, #tpu.memory_space<vmem>> -> memref<100xi32, #tpu.memory_space<vmem>>
    %dma_wait3A_330 = arith.constant 0 : i32
    %dma_wait3A_331 = arith.constant 0 : i32
    %dma_wait3A_332 = tpu.memref_slice %arg2[%dma_wait3A_330, %dma_wait3A_331] : memref<100000x64xf32, #tpu.memory_space<hbm>> -> memref<100000x64xf32, #tpu.memory_space<hbm>>
    tpu.wait_indirect_dma semaphore(%arg11 : memref<!tpu.dma_semaphore, #tpu.memory_space<semaphore_mem>>) src(%dma_wait3A_332 : memref<100000x64xf32, #tpu.memory_space<hbm>>) dst(%dma_wait3A_326 : memref<100x64xf32, #tpu.memory_space<vmem>>)
    %add3A_333 = arith.constant 4 : i32
    %add3A_334 = arith.addi %mul3A_2, %add3A_333 : i32
    %jit3A_335 = arith.constant 2 : i32
    %div3A_336 = arith.divsi %add3A_334, %jit3A_335 : i32
    %sign3A_337 = arith.constant 0 : i32
    %sign3A_338 = arith.cmpi sgt, %add3A_334, %sign3A_337 : i32
    %sign3A_339 = arith.extui %sign3A_338 : i1 to i32
    %sign3A_340 = arith.constant 0 : i32
    %sign3A_341 = arith.cmpi slt, %add3A_334, %sign3A_340 : i32
    %sign3A_342 = arith.extui %sign3A_341 : i1 to i32
    %sign3A_343 = arith.subi %sign3A_339, %sign3A_342 : i32
    %sign3A_344 = arith.constant 0 : i32
    %sign3A_345 = arith.cmpi sgt, %jit3A_335, %sign3A_344 : i32
    %sign3A_346 = arith.extui %sign3A_345 : i1 to i32
    %sign3A_347 = arith.constant 0 : i32
    %sign3A_348 = arith.cmpi slt, %jit3A_335, %sign3A_347 : i32
    %sign3A_349 = arith.extui %sign3A_348 : i1 to i32
    %sign3A_350 = arith.subi %sign3A_346, %sign3A_349 : i32
    %ne3A_351 = arith.cmpi ne, %sign3A_343, %sign3A_350 : i32
    %rem3A_352 = arith.remsi %add3A_334, %jit3A_335 : i32
    %ne3A_353 = arith.constant 0 : i32
    %ne3A_354 = arith.cmpi ne, %rem3A_352, %ne3A_353 : i32
    %and3A_355 = arith.andi %ne3A_351, %ne3A_354 : i1
    %sub3A_356 = arith.constant 1 : i32
    %sub3A_357 = arith.subi %div3A_336, %sub3A_356 : i32
    %select_n3A_358 = arith.select %and3A_355, %sub3A_357, %div3A_336 : i32
    %mul3A_359 = arith.constant 2 : i32
    %mul3A_360 = arith.muli %select_n3A_358, %mul3A_359 : i32
    %sub3A_361 = arith.subi %add3A_334, %mul3A_360 : i32
    %mul3A_362 = arith.constant 100 : i32
    %mul3A_363 = arith.muli %sub3A_361, %mul3A_362 : i32
    %dma_start3A_364 = arith.constant 4 : i32
    %dma_start3A_365 = arith.constant 0 : i32
    %dma_start3A_366 = arith.constant 0 : i32
    %dma_start3A_367 = tpu.memref_slice %arg6[%dma_start3A_364, %dma_start3A_365, %dma_start3A_366] : memref<8x100x64xf32, #tpu.memory_space<vmem>> -> memref<1x100x64xf32, #tpu.memory_space<vmem>>
    %dma_start3A_368 = tpu.memref_squeeze %dma_start3A_367 : memref<1x100x64xf32, #tpu.memory_space<vmem>> -> memref<100x64xf32, #tpu.memory_space<vmem>>
    %dma_start3A_369 = arith.constant 0 : i32
    %dma_start3A_370 = tpu.memref_slice %arg4[%select_n3A_358, %mul3A_363, %dma_start3A_369] : memref<4096x200x64xf32, #tpu.memory_space<hbm>> -> memref<1x100x64xf32, #tpu.memory_space<hbm>>
    %dma_start3A_371 = tpu.memref_squeeze %dma_start3A_370 : memref<1x100x64xf32, #tpu.memory_space<hbm>> -> memref<100x64xf32, #tpu.memory_space<hbm>>
    %dma_start3A_372 = arith.constant 0 : i32
    %dma_start3A_373 = tpu.memref_slice %arg4[%select_n3A_358, %mul3A_363, %dma_start3A_372] : memref<4096x200x64xf32, #tpu.memory_space<hbm>> -> memref<1x100x64xf32, #tpu.memory_space<hbm>>
    %dma_start3A_374 = tpu.memref_squeeze %dma_start3A_373 : memref<1x100x64xf32, #tpu.memory_space<hbm>> -> memref<100x64xf32, #tpu.memory_space<hbm>>
    %dma_start3A_375 = arith.constant 0 : i32
    %dma_start3A_376 = arith.constant 0 : i32
    %dma_start3A_377 = tpu.memref_slice %arg6[%dma_start3A_364, %dma_start3A_375, %dma_start3A_376] : memref<8x100x64xf32, #tpu.memory_space<vmem>> -> memref<1x100x64xf32, #tpu.memory_space<vmem>>
    %dma_start3A_378 = tpu.memref_squeeze %dma_start3A_377 : memref<1x100x64xf32, #tpu.memory_space<vmem>> -> memref<100x64xf32, #tpu.memory_space<vmem>>
    tpu.enqueue_dma source(%dma_start3A_378 : memref<100x64xf32, #tpu.memory_space<vmem>>) target(%dma_start3A_374 : memref<100x64xf32, #tpu.memory_space<hbm>>) target_semaphore(%arg19 : memref<!tpu.dma_semaphore, #tpu.memory_space<semaphore_mem>>)
    %add3A_379 = arith.constant 0 : i32
    %add3A_380 = arith.addi %mul3A_2, %add3A_379 : i32
    %jit3A_381 = arith.constant 2 : i32
    %div3A_382 = arith.divsi %add3A_380, %jit3A_381 : i32
    %sign3A_383 = arith.constant 0 : i32
    %sign3A_384 = arith.cmpi sgt, %add3A_380, %sign3A_383 : i32
    %sign3A_385 = arith.extui %sign3A_384 : i1 to i32
    %sign3A_386 = arith.constant 0 : i32
    %sign3A_387 = arith.cmpi slt, %add3A_380, %sign3A_386 : i32
    %sign3A_388 = arith.extui %sign3A_387 : i1 to i32
    %sign3A_389 = arith.subi %sign3A_385, %sign3A_388 : i32
    %sign3A_390 = arith.constant 0 : i32
    %sign3A_391 = arith.cmpi sgt, %jit3A_381, %sign3A_390 : i32
    %sign3A_392 = arith.extui %sign3A_391 : i1 to i32
    %sign3A_393 = arith.constant 0 : i32
    %sign3A_394 = arith.cmpi slt, %jit3A_381, %sign3A_393 : i32
    %sign3A_395 = arith.extui %sign3A_394 : i1 to i32
    %sign3A_396 = arith.subi %sign3A_392, %sign3A_395 : i32
    %ne3A_397 = arith.cmpi ne, %sign3A_389, %sign3A_396 : i32
    %rem3A_398 = arith.remsi %add3A_380, %jit3A_381 : i32
    %ne3A_399 = arith.constant 0 : i32
    %ne3A_400 = arith.cmpi ne, %rem3A_398, %ne3A_399 : i32
    %and3A_401 = arith.andi %ne3A_397, %ne3A_400 : i1
    %sub3A_402 = arith.constant 1 : i32
    %sub3A_403 = arith.subi %div3A_382, %sub3A_402 : i32
    %select_n3A_404 = arith.select %and3A_401, %sub3A_403, %div3A_382 : i32
    %mul3A_405 = arith.constant 2 : i32
    %mul3A_406 = arith.muli %select_n3A_404, %mul3A_405 : i32
    %sub3A_407 = arith.subi %add3A_380, %mul3A_406 : i32
    %mul3A_408 = arith.constant 100 : i32
    %mul3A_409 = arith.muli %sub3A_407, %mul3A_408 : i32
    %dma_wait3A_410 = arith.constant 0 : i32
    %dma_wait3A_411 = arith.constant 0 : i32
    %dma_wait3A_412 = arith.constant 0 : i32
    %dma_wait3A_413 = tpu.memref_slice %arg6[%dma_wait3A_410, %dma_wait3A_411, %dma_wait3A_412] : memref<8x100x64xf32, #tpu.memory_space<vmem>> -> memref<1x100x64xf32, #tpu.memory_space<vmem>>
    %dma_wait3A_414 = tpu.memref_squeeze %dma_wait3A_413 : memref<1x100x64xf32, #tpu.memory_space<vmem>> -> memref<100x64xf32, #tpu.memory_space<vmem>>
    %dma_wait3A_415 = arith.constant 0 : i32
    %dma_wait3A_416 = tpu.memref_slice %arg4[%select_n3A_404, %mul3A_409, %dma_wait3A_415] : memref<4096x200x64xf32, #tpu.memory_space<hbm>> -> memref<1x100x64xf32, #tpu.memory_space<hbm>>
    %dma_wait3A_417 = tpu.memref_squeeze %dma_wait3A_416 : memref<1x100x64xf32, #tpu.memory_space<hbm>> -> memref<100x64xf32, #tpu.memory_space<hbm>>
    %dma_wait3A_418 = arith.constant 0 : i32
    %dma_wait3A_419 = tpu.memref_slice %arg4[%select_n3A_404, %mul3A_409, %dma_wait3A_418] : memref<4096x200x64xf32, #tpu.memory_space<hbm>> -> memref<1x100x64xf32, #tpu.memory_space<hbm>>
    %dma_wait3A_420 = tpu.memref_squeeze %dma_wait3A_419 : memref<1x100x64xf32, #tpu.memory_space<hbm>> -> memref<100x64xf32, #tpu.memory_space<hbm>>
    %dma_wait3A_421 = arith.constant 0 : i32
    %dma_wait3A_422 = arith.constant 0 : i32
    %dma_wait3A_423 = tpu.memref_slice %arg6[%dma_wait3A_410, %dma_wait3A_421, %dma_wait3A_422] : memref<8x100x64xf32, #tpu.memory_space<vmem>> -> memref<1x100x64xf32, #tpu.memory_space<vmem>>
    %dma_wait3A_424 = tpu.memref_squeeze %dma_wait3A_423 : memref<1x100x64xf32, #tpu.memory_space<vmem>> -> memref<100x64xf32, #tpu.memory_space<vmem>>
    tpu.wait_dma2 semaphore(%arg15 : memref<!tpu.dma_semaphore, #tpu.memory_space<semaphore_mem>>) src(%dma_wait3A_424 : memref<100x64xf32, #tpu.memory_space<vmem>>) dst(%dma_wait3A_420 : memref<100x64xf32, #tpu.memory_space<hbm>>)
    %dma_start3A_425 = arith.constant 8 : i32
    %dma_start3A_426 = arith.constant 0 : i32
    %dma_start3A_427 = arith.constant 0 : i32
    %dma_start3A_428 = arith.constant 0 : i32
    %dma_start3A_429 = tpu.memref_slice %arg6[%dma_start3A_426, %dma_start3A_427, %dma_start3A_428] : memref<8x100x64xf32, #tpu.memory_space<vmem>> -> memref<1x100x64xf32, #tpu.memory_space<vmem>>
    %dma_start3A_430 = tpu.memref_squeeze %dma_start3A_429 : memref<1x100x64xf32, #tpu.memory_space<vmem>> -> memref<100x64xf32, #tpu.memory_space<vmem>>
    %dma_start3A_431 = arith.constant 0 : i32
    %dma_start3A_432 = tpu.memref_slice %arg5[%dma_start3A_425, %dma_start3A_431] : memref<256x100xi32, #tpu.memory_space<vmem>> -> memref<1x100xi32, #tpu.memory_space<vmem>>
    %dma_start3A_433 = tpu.memref_squeeze %dma_start3A_432 : memref<1x100xi32, #tpu.memory_space<vmem>> -> memref<100xi32, #tpu.memory_space<vmem>>
    %dma_start3A_434 = arith.constant 0 : i32
    %dma_start3A_435 = arith.constant 0 : i32
    %dma_start3A_436 = tpu.memref_slice %arg2[%dma_start3A_434, %dma_start3A_435] : memref<100000x64xf32, #tpu.memory_space<hbm>> -> memref<100000x64xf32, #tpu.memory_space<hbm>>
    tpu.enqueue_indirect_dma source(%dma_start3A_436 : memref<100000x64xf32, #tpu.memory_space<hbm>>) target(%dma_start3A_430 : memref<100x64xf32, #tpu.memory_space<vmem>>) offsets(%dma_start3A_433 : memref<100xi32, #tpu.memory_space<vmem>>) semaphore(%arg7 : memref<!tpu.dma_semaphore, #tpu.memory_space<semaphore_mem>>)
    %dma_wait3A_437 = arith.constant 5 : i32
    %dma_wait3A_438 = arith.constant 5 : i32
    %dma_wait3A_439 = arith.constant 0 : i32
    %dma_wait3A_440 = arith.constant 0 : i32
    %dma_wait3A_441 = tpu.memref_slice %arg6[%dma_wait3A_438, %dma_wait3A_439, %dma_wait3A_440] : memref<8x100x64xf32, #tpu.memory_space<vmem>> -> memref<1x100x64xf32, #tpu.memory_space<vmem>>
    %dma_wait3A_442 = tpu.memref_squeeze %dma_wait3A_441 : memref<1x100x64xf32, #tpu.memory_space<vmem>> -> memref<100x64xf32, #tpu.memory_space<vmem>>
    %dma_wait3A_443 = arith.constant 0 : i32
    %dma_wait3A_444 = tpu.memref_slice %arg5[%dma_wait3A_437, %dma_wait3A_443] : memref<256x100xi32, #tpu.memory_space<vmem>> -> memref<1x100xi32, #tpu.memory_space<vmem>>
    %dma_wait3A_445 = tpu.memref_squeeze %dma_wait3A_444 : memref<1x100xi32, #tpu.memory_space<vmem>> -> memref<100xi32, #tpu.memory_space<vmem>>
    %dma_wait3A_446 = arith.constant 0 : i32
    %dma_wait3A_447 = arith.constant 0 : i32
    %dma_wait3A_448 = tpu.memref_slice %arg2[%dma_wait3A_446, %dma_wait3A_447] : memref<100000x64xf32, #tpu.memory_space<hbm>> -> memref<100000x64xf32, #tpu.memory_space<hbm>>
    tpu.wait_indirect_dma semaphore(%arg12 : memref<!tpu.dma_semaphore, #tpu.memory_space<semaphore_mem>>) src(%dma_wait3A_448 : memref<100000x64xf32, #tpu.memory_space<hbm>>) dst(%dma_wait3A_442 : memref<100x64xf32, #tpu.memory_space<vmem>>)
    %add3A_449 = arith.constant 5 : i32
    %add3A_450 = arith.addi %mul3A_2, %add3A_449 : i32
    %jit3A_451 = arith.constant 2 : i32
    %div3A_452 = arith.divsi %add3A_450, %jit3A_451 : i32
    %sign3A_453 = arith.constant 0 : i32
    %sign3A_454 = arith.cmpi sgt, %add3A_450, %sign3A_453 : i32
    %sign3A_455 = arith.extui %sign3A_454 : i1 to i32
    %sign3A_456 = arith.constant 0 : i32
    %sign3A_457 = arith.cmpi slt, %add3A_450, %sign3A_456 : i32
    %sign3A_458 = arith.extui %sign3A_457 : i1 to i32
    %sign3A_459 = arith.subi %sign3A_455, %sign3A_458 : i32
    %sign3A_460 = arith.constant 0 : i32
    %sign3A_461 = arith.cmpi sgt, %jit3A_451, %sign3A_460 : i32
    %sign3A_462 = arith.extui %sign3A_461 : i1 to i32
    %sign3A_463 = arith.constant 0 : i32
    %sign3A_464 = arith.cmpi slt, %jit3A_451, %sign3A_463 : i32
    %sign3A_465 = arith.extui %sign3A_464 : i1 to i32
    %sign3A_466 = arith.subi %sign3A_462, %sign3A_465 : i32
    %ne3A_467 = arith.cmpi ne, %sign3A_459, %sign3A_466 : i32
    %rem3A_468 = arith.remsi %add3A_450, %jit3A_451 : i32
    %ne3A_469 = arith.constant 0 : i32
    %ne3A_470 = arith.cmpi ne, %rem3A_468, %ne3A_469 : i32
    %and3A_471 = arith.andi %ne3A_467, %ne3A_470 : i1
    %sub3A_472 = arith.constant 1 : i32
    %sub3A_473 = arith.subi %div3A_452, %sub3A_472 : i32
    %select_n3A_474 = arith.select %and3A_471, %sub3A_473, %div3A_452 : i32
    %mul3A_475 = arith.constant 2 : i32
    %mul3A_476 = arith.muli %select_n3A_474, %mul3A_475 : i32
    %sub3A_477 = arith.subi %add3A_450, %mul3A_476 : i32
    %mul3A_478 = arith.constant 100 : i32
    %mul3A_479 = arith.muli %sub3A_477, %mul3A_478 : i32
    %dma_start3A_480 = arith.constant 5 : i32
    %dma_start3A_481 = arith.constant 0 : i32
    %dma_start3A_482 = arith.constant 0 : i32
    %dma_start3A_483 = tpu.memref_slice %arg6[%dma_start3A_480, %dma_start3A_481, %dma_start3A_482] : memref<8x100x64xf32, #tpu.memory_space<vmem>> -> memref<1x100x64xf32, #tpu.memory_space<vmem>>
    %dma_start3A_484 = tpu.memref_squeeze %dma_start3A_483 : memref<1x100x64xf32, #tpu.memory_space<vmem>> -> memref<100x64xf32, #tpu.memory_space<vmem>>
    %dma_start3A_485 = arith.constant 0 : i32
    %dma_start3A_486 = tpu.memref_slice %arg4[%select_n3A_474, %mul3A_479, %dma_start3A_485] : memref<4096x200x64xf32, #tpu.memory_space<hbm>> -> memref<1x100x64xf32, #tpu.memory_space<hbm>>
    %dma_start3A_487 = tpu.memref_squeeze %dma_start3A_486 : memref<1x100x64xf32, #tpu.memory_space<hbm>> -> memref<100x64xf32, #tpu.memory_space<hbm>>
    %dma_start3A_488 = arith.constant 0 : i32
    %dma_start3A_489 = tpu.memref_slice %arg4[%select_n3A_474, %mul3A_479, %dma_start3A_488] : memref<4096x200x64xf32, #tpu.memory_space<hbm>> -> memref<1x100x64xf32, #tpu.memory_space<hbm>>
    %dma_start3A_490 = tpu.memref_squeeze %dma_start3A_489 : memref<1x100x64xf32, #tpu.memory_space<hbm>> -> memref<100x64xf32, #tpu.memory_space<hbm>>
    %dma_start3A_491 = arith.constant 0 : i32
    %dma_start3A_492 = arith.constant 0 : i32
    %dma_start3A_493 = tpu.memref_slice %arg6[%dma_start3A_480, %dma_start3A_491, %dma_start3A_492] : memref<8x100x64xf32, #tpu.memory_space<vmem>> -> memref<1x100x64xf32, #tpu.memory_space<vmem>>
    %dma_start3A_494 = tpu.memref_squeeze %dma_start3A_493 : memref<1x100x64xf32, #tpu.memory_space<vmem>> -> memref<100x64xf32, #tpu.memory_space<vmem>>
    tpu.enqueue_dma source(%dma_start3A_494 : memref<100x64xf32, #tpu.memory_space<vmem>>) target(%dma_start3A_490 : memref<100x64xf32, #tpu.memory_space<hbm>>) target_semaphore(%arg20 : memref<!tpu.dma_semaphore, #tpu.memory_space<semaphore_mem>>)
    %add3A_495 = arith.constant 1 : i32
    %add3A_496 = arith.addi %mul3A_2, %add3A_495 : i32
    %jit3A_497 = arith.constant 2 : i32
    %div3A_498 = arith.divsi %add3A_496, %jit3A_497 : i32
    %sign3A_499 = arith.constant 0 : i32
    %sign3A_500 = arith.cmpi sgt, %add3A_496, %sign3A_499 : i32
    %sign3A_501 = arith.extui %sign3A_500 : i1 to i32
    %sign3A_502 = arith.constant 0 : i32
    %sign3A_503 = arith.cmpi slt, %add3A_496, %sign3A_502 : i32
    %sign3A_504 = arith.extui %sign3A_503 : i1 to i32
    %sign3A_505 = arith.subi %sign3A_501, %sign3A_504 : i32
    %sign3A_506 = arith.constant 0 : i32
    %sign3A_507 = arith.cmpi sgt, %jit3A_497, %sign3A_506 : i32
    %sign3A_508 = arith.extui %sign3A_507 : i1 to i32
    %sign3A_509 = arith.constant 0 : i32
    %sign3A_510 = arith.cmpi slt, %jit3A_497, %sign3A_509 : i32
    %sign3A_511 = arith.extui %sign3A_510 : i1 to i32
    %sign3A_512 = arith.subi %sign3A_508, %sign3A_511 : i32
    %ne3A_513 = arith.cmpi ne, %sign3A_505, %sign3A_512 : i32
    %rem3A_514 = arith.remsi %add3A_496, %jit3A_497 : i32
    %ne3A_515 = arith.constant 0 : i32
    %ne3A_516 = arith.cmpi ne, %rem3A_514, %ne3A_515 : i32
    %and3A_517 = arith.andi %ne3A_513, %ne3A_516 : i1
    %sub3A_518 = arith.constant 1 : i32
    %sub3A_519 = arith.subi %div3A_498, %sub3A_518 : i32
    %select_n3A_520 = arith.select %and3A_517, %sub3A_519, %div3A_498 : i32
    %mul3A_521 = arith.constant 2 : i32
    %mul3A_522 = arith.muli %select_n3A_520, %mul3A_521 : i32
    %sub3A_523 = arith.subi %add3A_496, %mul3A_522 : i32
    %mul3A_524 = arith.constant 100 : i32
    %mul3A_525 = arith.muli %sub3A_523, %mul3A_524 : i32
    %dma_wait3A_526 = arith.constant 1 : i32
    %dma_wait3A_527 = arith.constant 0 : i32
    %dma_wait3A_528 = arith.constant 0 : i32
    %dma_wait3A_529 = tpu.memref_slice %arg6[%dma_wait3A_526, %dma_wait3A_527, %dma_wait3A_528] : memref<8x100x64xf32, #tpu.memory_space<vmem>> -> memref<1x100x64xf32, #tpu.memory_space<vmem>>
    %dma_wait3A_530 = tpu.memref_squeeze %dma_wait3A_529 : memref<1x100x64xf32, #tpu.memory_space<vmem>> -> memref<100x64xf32, #tpu.memory_space<vmem>>
    %dma_wait3A_531 = arith.constant 0 : i32
    %dma_wait3A_532 = tpu.memref_slice %arg4[%select_n3A_520, %mul3A_525, %dma_wait3A_531] : memref<4096x200x64xf32, #tpu.memory_space<hbm>> -> memref<1x100x64xf32, #tpu.memory_space<hbm>>
    %dma_wait3A_533 = tpu.memref_squeeze %dma_wait3A_532 : memref<1x100x64xf32, #tpu.memory_space<hbm>> -> memref<100x64xf32, #tpu.memory_space<hbm>>
    %dma_wait3A_534 = arith.constant 0 : i32
    %dma_wait3A_535 = tpu.memref_slice %arg4[%select_n3A_520, %mul3A_525, %dma_wait3A_534] : memref<4096x200x64xf32, #tpu.memory_space<hbm>> -> memref<1x100x64xf32, #tpu.memory_space<hbm>>
    %dma_wait3A_536 = tpu.memref_squeeze %dma_wait3A_535 : memref<1x100x64xf32, #tpu.memory_space<hbm>> -> memref<100x64xf32, #tpu.memory_space<hbm>>
    %dma_wait3A_537 = arith.constant 0 : i32
    %dma_wait3A_538 = arith.constant 0 : i32
    %dma_wait3A_539 = tpu.memref_slice %arg6[%dma_wait3A_526, %dma_wait3A_537, %dma_wait3A_538] : memref<8x100x64xf32, #tpu.memory_space<vmem>> -> memref<1x100x64xf32, #tpu.memory_space<vmem>>
    %dma_wait3A_540 = tpu.memref_squeeze %dma_wait3A_539 : memref<1x100x64xf32, #tpu.memory_space<vmem>> -> memref<100x64xf32, #tpu.memory_space<vmem>>
    tpu.wait_dma2 semaphore(%arg16 : memref<!tpu.dma_semaphore, #tpu.memory_space<semaphore_mem>>) src(%dma_wait3A_540 : memref<100x64xf32, #tpu.memory_space<vmem>>) dst(%dma_wait3A_536 : memref<100x64xf32, #tpu.memory_space<hbm>>)
    %dma_start3A_541 = arith.constant 9 : i32
    %dma_start3A_542 = arith.constant 1 : i32
    %dma_start3A_543 = arith.constant 0 : i32
    %dma_start3A_544 = arith.constant 0 : i32
    %dma_start3A_545 = tpu.memref_slice %arg6[%dma_start3A_542, %dma_start3A_543, %dma_start3A_544] : memref<8x100x64xf32, #tpu.memory_space<vmem>> -> memref<1x100x64xf32, #tpu.memory_space<vmem>>
    %dma_start3A_546 = tpu.memref_squeeze %dma_start3A_545 : memref<1x100x64xf32, #tpu.memory_space<vmem>> -> memref<100x64xf32, #tpu.memory_space<vmem>>
    %dma_start3A_547 = arith.constant 0 : i32
    %dma_start3A_548 = tpu.memref_slice %arg5[%dma_start3A_541, %dma_start3A_547] : memref<256x100xi32, #tpu.memory_space<vmem>> -> memref<1x100xi32, #tpu.memory_space<vmem>>
    %dma_start3A_549 = tpu.memref_squeeze %dma_start3A_548 : memref<1x100xi32, #tpu.memory_space<vmem>> -> memref<100xi32, #tpu.memory_space<vmem>>
    %dma_start3A_550 = arith.constant 0 : i32
    %dma_start3A_551 = arith.constant 0 : i32
    %dma_start3A_552 = tpu.memref_slice %arg2[%dma_start3A_550, %dma_start3A_551] : memref<100000x64xf32, #tpu.memory_space<hbm>> -> memref<100000x64xf32, #tpu.memory_space<hbm>>
    tpu.enqueue_indirect_dma source(%dma_start3A_552 : memref<100000x64xf32, #tpu.memory_space<hbm>>) target(%dma_start3A_546 : memref<100x64xf32, #tpu.memory_space<vmem>>) offsets(%dma_start3A_549 : memref<100xi32, #tpu.memory_space<vmem>>) semaphore(%arg8 : memref<!tpu.dma_semaphore, #tpu.memory_space<semaphore_mem>>)
    %dma_wait3A_553 = arith.constant 6 : i32
    %dma_wait3A_554 = arith.constant 6 : i32
    %dma_wait3A_555 = arith.constant 0 : i32
    %dma_wait3A_556 = arith.constant 0 : i32
    %dma_wait3A_557 = tpu.memref_slice %arg6[%dma_wait3A_554, %dma_wait3A_555, %dma_wait3A_556] : memref<8x100x64xf32, #tpu.memory_space<vmem>> -> memref<1x100x64xf32, #tpu.memory_space<vmem>>
    %dma_wait3A_558 = tpu.memref_squeeze %dma_wait3A_557 : memref<1x100x64xf32, #tpu.memory_space<vmem>> -> memref<100x64xf32, #tpu.memory_space<vmem>>
    %dma_wait3A_559 = arith.constant 0 : i32
    %dma_wait3A_560 = tpu.memref_slice %arg5[%dma_wait3A_553, %dma_wait3A_559] : memref<256x100xi32, #tpu.memory_space<vmem>> -> memref<1x100xi32, #tpu.memory_space<vmem>>
    %dma_wait3A_561 = tpu.memref_squeeze %dma_wait3A_560 : memref<1x100xi32, #tpu.memory_space<vmem>> -> memref<100xi32, #tpu.memory_space<vmem>>
    %dma_wait3A_562 = arith.constant 0 : i32
    %dma_wait3A_563 = arith.constant 0 : i32
    %dma_wait3A_564 = tpu.memref_slice %arg2[%dma_wait3A_562, %dma_wait3A_563] : memref<100000x64xf32, #tpu.memory_space<hbm>> -> memref<100000x64xf32, #tpu.memory_space<hbm>>
    tpu.wait_indirect_dma semaphore(%arg13 : memref<!tpu.dma_semaphore, #tpu.memory_space<semaphore_mem>>) src(%dma_wait3A_564 : memref<100000x64xf32, #tpu.memory_space<hbm>>) dst(%dma_wait3A_558 : memref<100x64xf32, #tpu.memory_space<vmem>>)
    %add3A_565 = arith.constant 6 : i32
    %add3A_566 = arith.addi %mul3A_2, %add3A_565 : i32
    %jit3A_567 = arith.constant 2 : i32
    %div3A_568 = arith.divsi %add3A_566, %jit3A_567 : i32
    %sign3A_569 = arith.constant 0 : i32
    %sign3A_570 = arith.cmpi sgt, %add3A_566, %sign3A_569 : i32
    %sign3A_571 = arith.extui %sign3A_570 : i1 to i32
    %sign3A_572 = arith.constant 0 : i32
    %sign3A_573 = arith.cmpi slt, %add3A_566, %sign3A_572 : i32
    %sign3A_574 = arith.extui %sign3A_573 : i1 to i32
    %sign3A_575 = arith.subi %sign3A_571, %sign3A_574 : i32
    %sign3A_576 = arith.constant 0 : i32
    %sign3A_577 = arith.cmpi sgt, %jit3A_567, %sign3A_576 : i32
    %sign3A_578 = arith.extui %sign3A_577 : i1 to i32
    %sign3A_579 = arith.constant 0 : i32
    %sign3A_580 = arith.cmpi slt, %jit3A_567, %sign3A_579 : i32
    %sign3A_581 = arith.extui %sign3A_580 : i1 to i32
    %sign3A_582 = arith.subi %sign3A_578, %sign3A_581 : i32
    %ne3A_583 = arith.cmpi ne, %sign3A_575, %sign3A_582 : i32
    %rem3A_584 = arith.remsi %add3A_566, %jit3A_567 : i32
    %ne3A_585 = arith.constant 0 : i32
    %ne3A_586 = arith.cmpi ne, %rem3A_584, %ne3A_585 : i32
    %and3A_587 = arith.andi %ne3A_583, %ne3A_586 : i1
    %sub3A_588 = arith.constant 1 : i32
    %sub3A_589 = arith.subi %div3A_568, %sub3A_588 : i32
    %select_n3A_590 = arith.select %and3A_587, %sub3A_589, %div3A_568 : i32
    %mul3A_591 = arith.constant 2 : i32
    %mul3A_592 = arith.muli %select_n3A_590, %mul3A_591 : i32
    %sub3A_593 = arith.subi %add3A_566, %mul3A_592 : i32
    %mul3A_594 = arith.constant 100 : i32
    %mul3A_595 = arith.muli %sub3A_593, %mul3A_594 : i32
    %dma_start3A_596 = arith.constant 6 : i32
    %dma_start3A_597 = arith.constant 0 : i32
    %dma_start3A_598 = arith.constant 0 : i32
    %dma_start3A_599 = tpu.memref_slice %arg6[%dma_start3A_596, %dma_start3A_597, %dma_start3A_598] : memref<8x100x64xf32, #tpu.memory_space<vmem>> -> memref<1x100x64xf32, #tpu.memory_space<vmem>>
    %dma_start3A_600 = tpu.memref_squeeze %dma_start3A_599 : memref<1x100x64xf32, #tpu.memory_space<vmem>> -> memref<100x64xf32, #tpu.memory_space<vmem>>
    %dma_start3A_601 = arith.constant 0 : i32
    %dma_start3A_602 = tpu.memref_slice %arg4[%select_n3A_590, %mul3A_595, %dma_start3A_601] : memref<4096x200x64xf32, #tpu.memory_space<hbm>> -> memref<1x100x64xf32, #tpu.memory_space<hbm>>
    %dma_start3A_603 = tpu.memref_squeeze %dma_start3A_602 : memref<1x100x64xf32, #tpu.memory_space<hbm>> -> memref<100x64xf32, #tpu.memory_space<hbm>>
    %dma_start3A_604 = arith.constant 0 : i32
    %dma_start3A_605 = tpu.memref_slice %arg4[%select_n3A_590, %mul3A_595, %dma_start3A_604] : memref<4096x200x64xf32, #tpu.memory_space<hbm>> -> memref<1x100x64xf32, #tpu.memory_space<hbm>>
    %dma_start3A_606 = tpu.memref_squeeze %dma_start3A_605 : memref<1x100x64xf32, #tpu.memory_space<hbm>> -> memref<100x64xf32, #tpu.memory_space<hbm>>
    %dma_start3A_607 = arith.constant 0 : i32
    %dma_start3A_608 = arith.constant 0 : i32
    %dma_start3A_609 = tpu.memref_slice %arg6[%dma_start3A_596, %dma_start3A_607, %dma_start3A_608] : memref<8x100x64xf32, #tpu.memory_space<vmem>> -> memref<1x100x64xf32, #tpu.memory_space<vmem>>
    %dma_start3A_610 = tpu.memref_squeeze %dma_start3A_609 : memref<1x100x64xf32, #tpu.memory_space<vmem>> -> memref<100x64xf32, #tpu.memory_space<vmem>>
    tpu.enqueue_dma source(%dma_start3A_610 : memref<100x64xf32, #tpu.memory_space<vmem>>) target(%dma_start3A_606 : memref<100x64xf32, #tpu.memory_space<hbm>>) target_semaphore(%arg21 : memref<!tpu.dma_semaphore, #tpu.memory_space<semaphore_mem>>)
    %add3A_611 = arith.constant 2 : i32
    %add3A_612 = arith.addi %mul3A_2, %add3A_611 : i32
    %jit3A_613 = arith.constant 2 : i32
    %div3A_614 = arith.divsi %add3A_612, %jit3A_613 : i32
    %sign3A_615 = arith.constant 0 : i32
    %sign3A_616 = arith.cmpi sgt, %add3A_612, %sign3A_615 : i32
    %sign3A_617 = arith.extui %sign3A_616 : i1 to i32
    %sign3A_618 = arith.constant 0 : i32
    %sign3A_619 = arith.cmpi slt, %add3A_612, %sign3A_618 : i32
    %sign3A_620 = arith.extui %sign3A_619 : i1 to i32
    %sign3A_621 = arith.subi %sign3A_617, %sign3A_620 : i32
    %sign3A_622 = arith.constant 0 : i32
    %sign3A_623 = arith.cmpi sgt, %jit3A_613, %sign3A_622 : i32
    %sign3A_624 = arith.extui %sign3A_623 : i1 to i32
    %sign3A_625 = arith.constant 0 : i32
    %sign3A_626 = arith.cmpi slt, %jit3A_613, %sign3A_625 : i32
    %sign3A_627 = arith.extui %sign3A_626 : i1 to i32
    %sign3A_628 = arith.subi %sign3A_624, %sign3A_627 : i32
    %ne3A_629 = arith.cmpi ne, %sign3A_621, %sign3A_628 : i32
    %rem3A_630 = arith.remsi %add3A_612, %jit3A_613 : i32
    %ne3A_631 = arith.constant 0 : i32
    %ne3A_632 = arith.cmpi ne, %rem3A_630, %ne3A_631 : i32
    %and3A_633 = arith.andi %ne3A_629, %ne3A_632 : i1
    %sub3A_634 = arith.constant 1 : i32
    %sub3A_635 = arith.subi %div3A_614, %sub3A_634 : i32
    %select_n3A_636 = arith.select %and3A_633, %sub3A_635, %div3A_614 : i32
    %mul3A_637 = arith.constant 2 : i32
    %mul3A_638 = arith.muli %select_n3A_636, %mul3A_637 : i32
    %sub3A_639 = arith.subi %add3A_612, %mul3A_638 : i32
    %mul3A_640 = arith.constant 100 : i32
    %mul3A_641 = arith.muli %sub3A_639, %mul3A_640 : i32
    %dma_wait3A_642 = arith.constant 2 : i32
    %dma_wait3A_643 = arith.constant 0 : i32
    %dma_wait3A_644 = arith.constant 0 : i32
    %dma_wait3A_645 = tpu.memref_slice %arg6[%dma_wait3A_642, %dma_wait3A_643, %dma_wait3A_644] : memref<8x100x64xf32, #tpu.memory_space<vmem>> -> memref<1x100x64xf32, #tpu.memory_space<vmem>>
    %dma_wait3A_646 = tpu.memref_squeeze %dma_wait3A_645 : memref<1x100x64xf32, #tpu.memory_space<vmem>> -> memref<100x64xf32, #tpu.memory_space<vmem>>
    %dma_wait3A_647 = arith.constant 0 : i32
    %dma_wait3A_648 = tpu.memref_slice %arg4[%select_n3A_636, %mul3A_641, %dma_wait3A_647] : memref<4096x200x64xf32, #tpu.memory_space<hbm>> -> memref<1x100x64xf32, #tpu.memory_space<hbm>>
    %dma_wait3A_649 = tpu.memref_squeeze %dma_wait3A_648 : memref<1x100x64xf32, #tpu.memory_space<hbm>> -> memref<100x64xf32, #tpu.memory_space<hbm>>
    %dma_wait3A_650 = arith.constant 0 : i32
    %dma_wait3A_651 = tpu.memref_slice %arg4[%select_n3A_636, %mul3A_641, %dma_wait3A_650] : memref<4096x200x64xf32, #tpu.memory_space<hbm>> -> memref<1x100x64xf32, #tpu.memory_space<hbm>>
    %dma_wait3A_652 = tpu.memref_squeeze %dma_wait3A_651 : memref<1x100x64xf32, #tpu.memory_space<hbm>> -> memref<100x64xf32, #tpu.memory_space<hbm>>
    %dma_wait3A_653 = arith.constant 0 : i32
    %dma_wait3A_654 = arith.constant 0 : i32
    %dma_wait3A_655 = tpu.memref_slice %arg6[%dma_wait3A_642, %dma_wait3A_653, %dma_wait3A_654] : memref<8x100x64xf32, #tpu.memory_space<vmem>> -> memref<1x100x64xf32, #tpu.memory_space<vmem>>
    %dma_wait3A_656 = tpu.memref_squeeze %dma_wait3A_655 : memref<1x100x64xf32, #tpu.memory_space<vmem>> -> memref<100x64xf32, #tpu.memory_space<vmem>>
    tpu.wait_dma2 semaphore(%arg17 : memref<!tpu.dma_semaphore, #tpu.memory_space<semaphore_mem>>) src(%dma_wait3A_656 : memref<100x64xf32, #tpu.memory_space<vmem>>) dst(%dma_wait3A_652 : memref<100x64xf32, #tpu.memory_space<hbm>>)
    %dma_start3A_657 = arith.constant 10 : i32
    %dma_start3A_658 = arith.constant 2 : i32
    %dma_start3A_659 = arith.constant 0 : i32
    %dma_start3A_660 = arith.constant 0 : i32
    %dma_start3A_661 = tpu.memref_slice %arg6[%dma_start3A_658, %dma_start3A_659, %dma_start3A_660] : memref<8x100x64xf32, #tpu.memory_space<vmem>> -> memref<1x100x64xf32, #tpu.memory_space<vmem>>
    %dma_start3A_662 = tpu.memref_squeeze %dma_start3A_661 : memref<1x100x64xf32, #tpu.memory_space<vmem>> -> memref<100x64xf32, #tpu.memory_space<vmem>>
    %dma_start3A_663 = arith.constant 0 : i32
    %dma_start3A_664 = tpu.memref_slice %arg5[%dma_start3A_657, %dma_start3A_663] : memref<256x100xi32, #tpu.memory_space<vmem>> -> memref<1x100xi32, #tpu.memory_space<vmem>>
    %dma_start3A_665 = tpu.memref_squeeze %dma_start3A_664 : memref<1x100xi32, #tpu.memory_space<vmem>> -> memref<100xi32, #tpu.memory_space<vmem>>
    %dma_start3A_666 = arith.constant 0 : i32
    %dma_start3A_667 = arith.constant 0 : i32
    %dma_start3A_668 = tpu.memref_slice %arg2[%dma_start3A_666, %dma_start3A_667] : memref<100000x64xf32, #tpu.memory_space<hbm>> -> memref<100000x64xf32, #tpu.memory_space<hbm>>
    tpu.enqueue_indirect_dma source(%dma_start3A_668 : memref<100000x64xf32, #tpu.memory_space<hbm>>) target(%dma_start3A_662 : memref<100x64xf32, #tpu.memory_space<vmem>>) offsets(%dma_start3A_665 : memref<100xi32, #tpu.memory_space<vmem>>) semaphore(%arg9 : memref<!tpu.dma_semaphore, #tpu.memory_space<semaphore_mem>>)
    %dma_wait3A_669 = arith.constant 7 : i32
    %dma_wait3A_670 = arith.constant 7 : i32
    %dma_wait3A_671 = arith.constant 0 : i32
    %dma_wait3A_672 = arith.constant 0 : i32
    %dma_wait3A_673 = tpu.memref_slice %arg6[%dma_wait3A_670, %dma_wait3A_671, %dma_wait3A_672] : memref<8x100x64xf32, #tpu.memory_space<vmem>> -> memref<1x100x64xf32, #tpu.memory_space<vmem>>
    %dma_wait3A_674 = tpu.memref_squeeze %dma_wait3A_673 : memref<1x100x64xf32, #tpu.memory_space<vmem>> -> memref<100x64xf32, #tpu.memory_space<vmem>>
    %dma_wait3A_675 = arith.constant 0 : i32
    %dma_wait3A_676 = tpu.memref_slice %arg5[%dma_wait3A_669, %dma_wait3A_675] : memref<256x100xi32, #tpu.memory_space<vmem>> -> memref<1x100xi32, #tpu.memory_space<vmem>>
    %dma_wait3A_677 = tpu.memref_squeeze %dma_wait3A_676 : memref<1x100xi32, #tpu.memory_space<vmem>> -> memref<100xi32, #tpu.memory_space<vmem>>
    %dma_wait3A_678 = arith.constant 0 : i32
    %dma_wait3A_679 = arith.constant 0 : i32
    %dma_wait3A_680 = tpu.memref_slice %arg2[%dma_wait3A_678, %dma_wait3A_679] : memref<100000x64xf32, #tpu.memory_space<hbm>> -> memref<100000x64xf32, #tpu.memory_space<hbm>>
    tpu.wait_indirect_dma semaphore(%arg14 : memref<!tpu.dma_semaphore, #tpu.memory_space<semaphore_mem>>) src(%dma_wait3A_680 : memref<100000x64xf32, #tpu.memory_space<hbm>>) dst(%dma_wait3A_674 : memref<100x64xf32, #tpu.memory_space<vmem>>)
    %add3A_681 = arith.constant 7 : i32
    %add3A_682 = arith.addi %mul3A_2, %add3A_681 : i32
    %jit3A_683 = arith.constant 2 : i32
    %div3A_684 = arith.divsi %add3A_682, %jit3A_683 : i32
    %sign3A_685 = arith.constant 0 : i32
    %sign3A_686 = arith.cmpi sgt, %add3A_682, %sign3A_685 : i32
    %sign3A_687 = arith.extui %sign3A_686 : i1 to i32
    %sign3A_688 = arith.constant 0 : i32
    %sign3A_689 = arith.cmpi slt, %add3A_682, %sign3A_688 : i32
    %sign3A_690 = arith.extui %sign3A_689 : i1 to i32
    %sign3A_691 = arith.subi %sign3A_687, %sign3A_690 : i32
    %sign3A_692 = arith.constant 0 : i32
    %sign3A_693 = arith.cmpi sgt, %jit3A_683, %sign3A_692 : i32
    %sign3A_694 = arith.extui %sign3A_693 : i1 to i32
    %sign3A_695 = arith.constant 0 : i32
    %sign3A_696 = arith.cmpi slt, %jit3A_683, %sign3A_695 : i32
    %sign3A_697 = arith.extui %sign3A_696 : i1 to i32
    %sign3A_698 = arith.subi %sign3A_694, %sign3A_697 : i32
    %ne3A_699 = arith.cmpi ne, %sign3A_691, %sign3A_698 : i32
    %rem3A_700 = arith.remsi %add3A_682, %jit3A_683 : i32
    %ne3A_701 = arith.constant 0 : i32
    %ne3A_702 = arith.cmpi ne, %rem3A_700, %ne3A_701 : i32
    %and3A_703 = arith.andi %ne3A_699, %ne3A_702 : i1
    %sub3A_704 = arith.constant 1 : i32
    %sub3A_705 = arith.subi %div3A_684, %sub3A_704 : i32
    %select_n3A_706 = arith.select %and3A_703, %sub3A_705, %div3A_684 : i32
    %mul3A_707 = arith.constant 2 : i32
    %mul3A_708 = arith.muli %select_n3A_706, %mul3A_707 : i32
    %sub3A_709 = arith.subi %add3A_682, %mul3A_708 : i32
    %mul3A_710 = arith.constant 100 : i32
    %mul3A_711 = arith.muli %sub3A_709, %mul3A_710 : i32
    %dma_start3A_712 = arith.constant 7 : i32
    %dma_start3A_713 = arith.constant 0 : i32
    %dma_start3A_714 = arith.constant 0 : i32
    %dma_start3A_715 = tpu.memref_slice %arg6[%dma_start3A_712, %dma_start3A_713, %dma_start3A_714] : memref<8x100x64xf32, #tpu.memory_space<vmem>> -> memref<1x100x64xf32, #tpu.memory_space<vmem>>
    %dma_start3A_716 = tpu.memref_squeeze %dma_start3A_715 : memref<1x100x64xf32, #tpu.memory_space<vmem>> -> memref<100x64xf32, #tpu.memory_space<vmem>>
    %dma_start3A_717 = arith.constant 0 : i32
    %dma_start3A_718 = tpu.memref_slice %arg4[%select_n3A_706, %mul3A_711, %dma_start3A_717] : memref<4096x200x64xf32, #tpu.memory_space<hbm>> -> memref<1x100x64xf32, #tpu.memory_space<hbm>>
    %dma_start3A_719 = tpu.memref_squeeze %dma_start3A_718 : memref<1x100x64xf32, #tpu.memory_space<hbm>> -> memref<100x64xf32, #tpu.memory_space<hbm>>
    %dma_start3A_720 = arith.constant 0 : i32
    %dma_start3A_721 = tpu.memref_slice %arg4[%select_n3A_706, %mul3A_711, %dma_start3A_720] : memref<4096x200x64xf32, #tpu.memory_space<hbm>> -> memref<1x100x64xf32, #tpu.memory_space<hbm>>
    %dma_start3A_722 = tpu.memref_squeeze %dma_start3A_721 : memref<1x100x64xf32, #tpu.memory_space<hbm>> -> memref<100x64xf32, #tpu.memory_space<hbm>>
    %dma_start3A_723 = arith.constant 0 : i32
    %dma_start3A_724 = arith.constant 0 : i32
    %dma_start3A_725 = tpu.memref_slice %arg6[%dma_start3A_712, %dma_start3A_723, %dma_start3A_724] : memref<8x100x64xf32, #tpu.memory_space<vmem>> -> memref<1x100x64xf32, #tpu.memory_space<vmem>>
    %dma_start3A_726 = tpu.memref_squeeze %dma_start3A_725 : memref<1x100x64xf32, #tpu.memory_space<vmem>> -> memref<100x64xf32, #tpu.memory_space<vmem>>
    tpu.enqueue_dma source(%dma_start3A_726 : memref<100x64xf32, #tpu.memory_space<vmem>>) target(%dma_start3A_722 : memref<100x64xf32, #tpu.memory_space<hbm>>) target_semaphore(%arg22 : memref<!tpu.dma_semaphore, #tpu.memory_space<semaphore_mem>>)
    %add3A_727 = arith.constant 3 : i32
    %add3A_728 = arith.addi %mul3A_2, %add3A_727 : i32
    %jit3A_729 = arith.constant 2 : i32
    %div3A_730 = arith.divsi %add3A_728, %jit3A_729 : i32
    %sign3A_731 = arith.constant 0 : i32
    %sign3A_732 = arith.cmpi sgt, %add3A_728, %sign3A_731 : i32
    %sign3A_733 = arith.extui %sign3A_732 : i1 to i32
    %sign3A_734 = arith.constant 0 : i32
    %sign3A_735 = arith.cmpi slt, %add3A_728, %sign3A_734 : i32
    %sign3A_736 = arith.extui %sign3A_735 : i1 to i32
    %sign3A_737 = arith.subi %sign3A_733, %sign3A_736 : i32
    %sign3A_738 = arith.constant 0 : i32
    %sign3A_739 = arith.cmpi sgt, %jit3A_729, %sign3A_738 : i32
    %sign3A_740 = arith.extui %sign3A_739 : i1 to i32
    %sign3A_741 = arith.constant 0 : i32
    %sign3A_742 = arith.cmpi slt, %jit3A_729, %sign3A_741 : i32
    %sign3A_743 = arith.extui %sign3A_742 : i1 to i32
    %sign3A_744 = arith.subi %sign3A_740, %sign3A_743 : i32
    %ne3A_745 = arith.cmpi ne, %sign3A_737, %sign3A_744 : i32
    %rem3A_746 = arith.remsi %add3A_728, %jit3A_729 : i32
    %ne3A_747 = arith.constant 0 : i32
    %ne3A_748 = arith.cmpi ne, %rem3A_746, %ne3A_747 : i32
    %and3A_749 = arith.andi %ne3A_745, %ne3A_748 : i1
    %sub3A_750 = arith.constant 1 : i32
    %sub3A_751 = arith.subi %div3A_730, %sub3A_750 : i32
    %select_n3A_752 = arith.select %and3A_749, %sub3A_751, %div3A_730 : i32
    %mul3A_753 = arith.constant 2 : i32
    %mul3A_754 = arith.muli %select_n3A_752, %mul3A_753 : i32
    %sub3A_755 = arith.subi %add3A_728, %mul3A_754 : i32
    %mul3A_756 = arith.constant 100 : i32
    %mul3A_757 = arith.muli %sub3A_755, %mul3A_756 : i32
    %dma_wait3A_758 = arith.constant 3 : i32
    %dma_wait3A_759 = arith.constant 0 : i32
    %dma_wait3A_760 = arith.constant 0 : i32
    %dma_wait3A_761 = tpu.memref_slice %arg6[%dma_wait3A_758, %dma_wait3A_759, %dma_wait3A_760] : memref<8x100x64xf32, #tpu.memory_space<vmem>> -> memref<1x100x64xf32, #tpu.memory_space<vmem>>
    %dma_wait3A_762 = tpu.memref_squeeze %dma_wait3A_761 : memref<1x100x64xf32, #tpu.memory_space<vmem>> -> memref<100x64xf32, #tpu.memory_space<vmem>>
    %dma_wait3A_763 = arith.constant 0 : i32
    %dma_wait3A_764 = tpu.memref_slice %arg4[%select_n3A_752, %mul3A_757, %dma_wait3A_763] : memref<4096x200x64xf32, #tpu.memory_space<hbm>> -> memref<1x100x64xf32, #tpu.memory_space<hbm>>
    %dma_wait3A_765 = tpu.memref_squeeze %dma_wait3A_764 : memref<1x100x64xf32, #tpu.memory_space<hbm>> -> memref<100x64xf32, #tpu.memory_space<hbm>>
    %dma_wait3A_766 = arith.constant 0 : i32
    %dma_wait3A_767 = tpu.memref_slice %arg4[%select_n3A_752, %mul3A_757, %dma_wait3A_766] : memref<4096x200x64xf32, #tpu.memory_space<hbm>> -> memref<1x100x64xf32, #tpu.memory_space<hbm>>
    %dma_wait3A_768 = tpu.memref_squeeze %dma_wait3A_767 : memref<1x100x64xf32, #tpu.memory_space<hbm>> -> memref<100x64xf32, #tpu.memory_space<hbm>>
    %dma_wait3A_769 = arith.constant 0 : i32
    %dma_wait3A_770 = arith.constant 0 : i32
    %dma_wait3A_771 = tpu.memref_slice %arg6[%dma_wait3A_758, %dma_wait3A_769, %dma_wait3A_770] : memref<8x100x64xf32, #tpu.memory_space<vmem>> -> memref<1x100x64xf32, #tpu.memory_space<vmem>>
    %dma_wait3A_772 = tpu.memref_squeeze %dma_wait3A_771 : memref<1x100x64xf32, #tpu.memory_space<vmem>> -> memref<100x64xf32, #tpu.memory_space<vmem>>
    tpu.wait_dma2 semaphore(%arg18 : memref<!tpu.dma_semaphore, #tpu.memory_space<semaphore_mem>>) src(%dma_wait3A_772 : memref<100x64xf32, #tpu.memory_space<vmem>>) dst(%dma_wait3A_768 : memref<100x64xf32, #tpu.memory_space<hbm>>)
    %dma_start3A_773 = arith.constant 11 : i32
    %dma_start3A_774 = arith.constant 3 : i32
    %dma_start3A_775 = arith.constant 0 : i32
    %dma_start3A_776 = arith.constant 0 : i32
    %dma_start3A_777 = tpu.memref_slice %arg6[%dma_start3A_774, %dma_start3A_775, %dma_start3A_776] : memref<8x100x64xf32, #tpu.memory_space<vmem>> -> memref<1x100x64xf32, #tpu.memory_space<vmem>>
    %dma_start3A_778 = tpu.memref_squeeze %dma_start3A_777 : memref<1x100x64xf32, #tpu.memory_space<vmem>> -> memref<100x64xf32, #tpu.memory_space<vmem>>
    %dma_start3A_779 = arith.constant 0 : i32
    %dma_start3A_780 = tpu.memref_slice %arg5[%dma_start3A_773, %dma_start3A_779] : memref<256x100xi32, #tpu.memory_space<vmem>> -> memref<1x100xi32, #tpu.memory_space<vmem>>
    %dma_start3A_781 = tpu.memref_squeeze %dma_start3A_780 : memref<1x100xi32, #tpu.memory_space<vmem>> -> memref<100xi32, #tpu.memory_space<vmem>>
    %dma_start3A_782 = arith.constant 0 : i32
    %dma_start3A_783 = arith.constant 0 : i32
    %dma_start3A_784 = tpu.memref_slice %arg2[%dma_start3A_782, %dma_start3A_783] : memref<100000x64xf32, #tpu.memory_space<hbm>> -> memref<100000x64xf32, #tpu.memory_space<hbm>>
    tpu.enqueue_indirect_dma source(%dma_start3A_784 : memref<100000x64xf32, #tpu.memory_space<hbm>>) target(%dma_start3A_778 : memref<100x64xf32, #tpu.memory_space<vmem>>) offsets(%dma_start3A_781 : memref<100xi32, #tpu.memory_space<vmem>>) semaphore(%arg10 : memref<!tpu.dma_semaphore, #tpu.memory_space<semaphore_mem>>)
    %scan3A = arith.constant 0 : i32
    %scan3A_785 = arith.constant 1 : i32
    %scan3A_786 = arith.constant 30 : i32
    %scan3A_787 = arith.addi %scan3A_785, %scan3A_786 : i32
    %scan3A_788 = arith.constant 1 : i32
    scf.for %scan3A_1854 = %scan3A_785 to %scan3A_787 step %scan3A_788  : i32 {
      %mul3A_1855 = arith.constant 8 : i32
      %mul3A_1856 = arith.muli %scan3A_1854, %mul3A_1855 : i32
      %add3A_1857 = arith.constant 0 : i32
      %add3A_1858 = arith.addi %mul3A_1856, %add3A_1857 : i32
      %dma_wait3A_1859 = arith.constant 0 : i32
      %dma_wait3A_1860 = arith.constant 0 : i32
      %dma_wait3A_1861 = arith.constant 0 : i32
      %dma_wait3A_1862 = tpu.memref_slice %arg6[%dma_wait3A_1859, %dma_wait3A_1860, %dma_wait3A_1861] : memref<8x100x64xf32, #tpu.memory_space<vmem>> -> memref<1x100x64xf32, #tpu.memory_space<vmem>>
      %dma_wait3A_1863 = tpu.memref_squeeze %dma_wait3A_1862 : memref<1x100x64xf32, #tpu.memory_space<vmem>> -> memref<100x64xf32, #tpu.memory_space<vmem>>
      %dma_wait3A_1864 = arith.constant 0 : i32
      %dma_wait3A_1865 = tpu.memref_slice %arg5[%add3A_1858, %dma_wait3A_1864] : memref<256x100xi32, #tpu.memory_space<vmem>> -> memref<1x100xi32, #tpu.memory_space<vmem>>
      %dma_wait3A_1866 = tpu.memref_squeeze %dma_wait3A_1865 : memref<1x100xi32, #tpu.memory_space<vmem>> -> memref<100xi32, #tpu.memory_space<vmem>>
      %dma_wait3A_1867 = arith.constant 0 : i32
      %dma_wait3A_1868 = arith.constant 0 : i32
      %dma_wait3A_1869 = tpu.memref_slice %arg2[%dma_wait3A_1867, %dma_wait3A_1868] : memref<100000x64xf32, #tpu.memory_space<hbm>> -> memref<100000x64xf32, #tpu.memory_space<hbm>>
      tpu.wait_indirect_dma semaphore(%arg7 : memref<!tpu.dma_semaphore, #tpu.memory_space<semaphore_mem>>) src(%dma_wait3A_1869 : memref<100000x64xf32, #tpu.memory_space<hbm>>) dst(%dma_wait3A_1863 : memref<100x64xf32, #tpu.memory_space<vmem>>)
      %add3A_1870 = arith.addi %mul3A_2, %add3A_1858 : i32
      %jit3A_1871 = arith.constant 2 : i32
      %div3A_1872 = arith.divsi %add3A_1870, %jit3A_1871 : i32
      %sign3A_1873 = arith.constant 0 : i32
      %sign3A_1874 = arith.cmpi sgt, %add3A_1870, %sign3A_1873 : i32
      %sign3A_1875 = arith.extui %sign3A_1874 : i1 to i32
      %sign3A_1876 = arith.constant 0 : i32
      %sign3A_1877 = arith.cmpi slt, %add3A_1870, %sign3A_1876 : i32
      %sign3A_1878 = arith.extui %sign3A_1877 : i1 to i32
      %sign3A_1879 = arith.subi %sign3A_1875, %sign3A_1878 : i32
      %sign3A_1880 = arith.constant 0 : i32
      %sign3A_1881 = arith.cmpi sgt, %jit3A_1871, %sign3A_1880 : i32
      %sign3A_1882 = arith.extui %sign3A_1881 : i1 to i32
      %sign3A_1883 = arith.constant 0 : i32
      %sign3A_1884 = arith.cmpi slt, %jit3A_1871, %sign3A_1883 : i32
      %sign3A_1885 = arith.extui %sign3A_1884 : i1 to i32
      %sign3A_1886 = arith.subi %sign3A_1882, %sign3A_1885 : i32
      %ne3A_1887 = arith.cmpi ne, %sign3A_1879, %sign3A_1886 : i32
      %rem3A_1888 = arith.remsi %add3A_1870, %jit3A_1871 : i32
      %ne3A_1889 = arith.constant 0 : i32
      %ne3A_1890 = arith.cmpi ne, %rem3A_1888, %ne3A_1889 : i32
      %and3A_1891 = arith.andi %ne3A_1887, %ne3A_1890 : i1
      %sub3A_1892 = arith.constant 1 : i32
      %sub3A_1893 = arith.subi %div3A_1872, %sub3A_1892 : i32
      %select_n3A_1894 = arith.select %and3A_1891, %sub3A_1893, %div3A_1872 : i32
      %mul3A_1895 = arith.constant 2 : i32
      %mul3A_1896 = arith.muli %select_n3A_1894, %mul3A_1895 : i32
      %sub3A_1897 = arith.subi %add3A_1870, %mul3A_1896 : i32
      %mul3A_1898 = arith.constant 100 : i32
      %mul3A_1899 = arith.muli %sub3A_1897, %mul3A_1898 : i32
      %dma_start3A_1900 = arith.constant 0 : i32
      %dma_start3A_1901 = arith.constant 0 : i32
      %dma_start3A_1902 = arith.constant 0 : i32
      %dma_start3A_1903 = tpu.memref_slice %arg6[%dma_start3A_1900, %dma_start3A_1901, %dma_start3A_1902] : memref<8x100x64xf32, #tpu.memory_space<vmem>> -> memref<1x100x64xf32, #tpu.memory_space<vmem>>
      %dma_start3A_1904 = tpu.memref_squeeze %dma_start3A_1903 : memref<1x100x64xf32, #tpu.memory_space<vmem>> -> memref<100x64xf32, #tpu.memory_space<vmem>>
      %dma_start3A_1905 = arith.constant 0 : i32
      %dma_start3A_1906 = tpu.memref_slice %arg4[%select_n3A_1894, %mul3A_1899, %dma_start3A_1905] : memref<4096x200x64xf32, #tpu.memory_space<hbm>> -> memref<1x100x64xf32, #tpu.memory_space<hbm>>
      %dma_start3A_1907 = tpu.memref_squeeze %dma_start3A_1906 : memref<1x100x64xf32, #tpu.memory_space<hbm>> -> memref<100x64xf32, #tpu.memory_space<hbm>>
      %dma_start3A_1908 = arith.constant 0 : i32
      %dma_start3A_1909 = tpu.memref_slice %arg4[%select_n3A_1894, %mul3A_1899, %dma_start3A_1908] : memref<4096x200x64xf32, #tpu.memory_space<hbm>> -> memref<1x100x64xf32, #tpu.memory_space<hbm>>
      %dma_start3A_1910 = tpu.memref_squeeze %dma_start3A_1909 : memref<1x100x64xf32, #tpu.memory_space<hbm>> -> memref<100x64xf32, #tpu.memory_space<hbm>>
      %dma_start3A_1911 = arith.constant 0 : i32
      %dma_start3A_1912 = arith.constant 0 : i32
      %dma_start3A_1913 = tpu.memref_slice %arg6[%dma_start3A_1900, %dma_start3A_1911, %dma_start3A_1912] : memref<8x100x64xf32, #tpu.memory_space<vmem>> -> memref<1x100x64xf32, #tpu.memory_space<vmem>>
      %dma_start3A_1914 = tpu.memref_squeeze %dma_start3A_1913 : memref<1x100x64xf32, #tpu.memory_space<vmem>> -> memref<100x64xf32, #tpu.memory_space<vmem>>
      tpu.enqueue_dma source(%dma_start3A_1914 : memref<100x64xf32, #tpu.memory_space<vmem>>) target(%dma_start3A_1910 : memref<100x64xf32, #tpu.memory_space<hbm>>) target_semaphore(%arg15 : memref<!tpu.dma_semaphore, #tpu.memory_space<semaphore_mem>>)
      %sub3A_1915 = arith.constant 4 : i32
      %sub3A_1916 = arith.subi %add3A_1858, %sub3A_1915 : i32
      %add3A_1917 = arith.addi %mul3A_2, %sub3A_1916 : i32
      %jit3A_1918 = arith.constant 2 : i32
      %div3A_1919 = arith.divsi %add3A_1917, %jit3A_1918 : i32
      %sign3A_1920 = arith.constant 0 : i32
      %sign3A_1921 = arith.cmpi sgt, %add3A_1917, %sign3A_1920 : i32
      %sign3A_1922 = arith.extui %sign3A_1921 : i1 to i32
      %sign3A_1923 = arith.constant 0 : i32
      %sign3A_1924 = arith.cmpi slt, %add3A_1917, %sign3A_1923 : i32
      %sign3A_1925 = arith.extui %sign3A_1924 : i1 to i32
      %sign3A_1926 = arith.subi %sign3A_1922, %sign3A_1925 : i32
      %sign3A_1927 = arith.constant 0 : i32
      %sign3A_1928 = arith.cmpi sgt, %jit3A_1918, %sign3A_1927 : i32
      %sign3A_1929 = arith.extui %sign3A_1928 : i1 to i32
      %sign3A_1930 = arith.constant 0 : i32
      %sign3A_1931 = arith.cmpi slt, %jit3A_1918, %sign3A_1930 : i32
      %sign3A_1932 = arith.extui %sign3A_1931 : i1 to i32
      %sign3A_1933 = arith.subi %sign3A_1929, %sign3A_1932 : i32
      %ne3A_1934 = arith.cmpi ne, %sign3A_1926, %sign3A_1933 : i32
      %rem3A_1935 = arith.remsi %add3A_1917, %jit3A_1918 : i32
      %ne3A_1936 = arith.constant 0 : i32
      %ne3A_1937 = arith.cmpi ne, %rem3A_1935, %ne3A_1936 : i32
      %and3A_1938 = arith.andi %ne3A_1934, %ne3A_1937 : i1
      %sub3A_1939 = arith.constant 1 : i32
      %sub3A_1940 = arith.subi %div3A_1919, %sub3A_1939 : i32
      %select_n3A_1941 = arith.select %and3A_1938, %sub3A_1940, %div3A_1919 : i32
      %mul3A_1942 = arith.constant 2 : i32
      %mul3A_1943 = arith.muli %select_n3A_1941, %mul3A_1942 : i32
      %sub3A_1944 = arith.subi %add3A_1917, %mul3A_1943 : i32
      %mul3A_1945 = arith.constant 100 : i32
      %mul3A_1946 = arith.muli %sub3A_1944, %mul3A_1945 : i32
      %dma_wait3A_1947 = arith.constant 4 : i32
      %dma_wait3A_1948 = arith.constant 0 : i32
      %dma_wait3A_1949 = arith.constant 0 : i32
      %dma_wait3A_1950 = tpu.memref_slice %arg6[%dma_wait3A_1947, %dma_wait3A_1948, %dma_wait3A_1949] : memref<8x100x64xf32, #tpu.memory_space<vmem>> -> memref<1x100x64xf32, #tpu.memory_space<vmem>>
      %dma_wait3A_1951 = tpu.memref_squeeze %dma_wait3A_1950 : memref<1x100x64xf32, #tpu.memory_space<vmem>> -> memref<100x64xf32, #tpu.memory_space<vmem>>
      %dma_wait3A_1952 = arith.constant 0 : i32
      %dma_wait3A_1953 = tpu.memref_slice %arg4[%select_n3A_1941, %mul3A_1946, %dma_wait3A_1952] : memref<4096x200x64xf32, #tpu.memory_space<hbm>> -> memref<1x100x64xf32, #tpu.memory_space<hbm>>
      %dma_wait3A_1954 = tpu.memref_squeeze %dma_wait3A_1953 : memref<1x100x64xf32, #tpu.memory_space<hbm>> -> memref<100x64xf32, #tpu.memory_space<hbm>>
      %dma_wait3A_1955 = arith.constant 0 : i32
      %dma_wait3A_1956 = tpu.memref_slice %arg4[%select_n3A_1941, %mul3A_1946, %dma_wait3A_1955] : memref<4096x200x64xf32, #tpu.memory_space<hbm>> -> memref<1x100x64xf32, #tpu.memory_space<hbm>>
      %dma_wait3A_1957 = tpu.memref_squeeze %dma_wait3A_1956 : memref<1x100x64xf32, #tpu.memory_space<hbm>> -> memref<100x64xf32, #tpu.memory_space<hbm>>
      %dma_wait3A_1958 = arith.constant 0 : i32
      %dma_wait3A_1959 = arith.constant 0 : i32
      %dma_wait3A_1960 = tpu.memref_slice %arg6[%dma_wait3A_1947, %dma_wait3A_1958, %dma_wait3A_1959] : memref<8x100x64xf32, #tpu.memory_space<vmem>> -> memref<1x100x64xf32, #tpu.memory_space<vmem>>
      %dma_wait3A_1961 = tpu.memref_squeeze %dma_wait3A_1960 : memref<1x100x64xf32, #tpu.memory_space<vmem>> -> memref<100x64xf32, #tpu.memory_space<vmem>>
      tpu.wait_dma2 semaphore(%arg19 : memref<!tpu.dma_semaphore, #tpu.memory_space<semaphore_mem>>) src(%dma_wait3A_1961 : memref<100x64xf32, #tpu.memory_space<vmem>>) dst(%dma_wait3A_1957 : memref<100x64xf32, #tpu.memory_space<hbm>>)
      %add3A_1962 = arith.constant 4 : i32
      %add3A_1963 = arith.addi %add3A_1858, %add3A_1962 : i32
      %dma_start3A_1964 = arith.constant 4 : i32
      %dma_start3A_1965 = arith.constant 0 : i32
      %dma_start3A_1966 = arith.constant 0 : i32
      %dma_start3A_1967 = tpu.memref_slice %arg6[%dma_start3A_1964, %dma_start3A_1965, %dma_start3A_1966] : memref<8x100x64xf32, #tpu.memory_space<vmem>> -> memref<1x100x64xf32, #tpu.memory_space<vmem>>
      %dma_start3A_1968 = tpu.memref_squeeze %dma_start3A_1967 : memref<1x100x64xf32, #tpu.memory_space<vmem>> -> memref<100x64xf32, #tpu.memory_space<vmem>>
      %dma_start3A_1969 = arith.constant 0 : i32
      %dma_start3A_1970 = tpu.memref_slice %arg5[%add3A_1963, %dma_start3A_1969] : memref<256x100xi32, #tpu.memory_space<vmem>> -> memref<1x100xi32, #tpu.memory_space<vmem>>
      %dma_start3A_1971 = tpu.memref_squeeze %dma_start3A_1970 : memref<1x100xi32, #tpu.memory_space<vmem>> -> memref<100xi32, #tpu.memory_space<vmem>>
      %dma_start3A_1972 = arith.constant 0 : i32
      %dma_start3A_1973 = arith.constant 0 : i32
      %dma_start3A_1974 = tpu.memref_slice %arg2[%dma_start3A_1972, %dma_start3A_1973] : memref<100000x64xf32, #tpu.memory_space<hbm>> -> memref<100000x64xf32, #tpu.memory_space<hbm>>
      tpu.enqueue_indirect_dma source(%dma_start3A_1974 : memref<100000x64xf32, #tpu.memory_space<hbm>>) target(%dma_start3A_1968 : memref<100x64xf32, #tpu.memory_space<vmem>>) offsets(%dma_start3A_1971 : memref<100xi32, #tpu.memory_space<vmem>>) semaphore(%arg11 : memref<!tpu.dma_semaphore, #tpu.memory_space<semaphore_mem>>)
      %add3A_1975 = arith.constant 1 : i32
      %add3A_1976 = arith.addi %mul3A_1856, %add3A_1975 : i32
      %dma_wait3A_1977 = arith.constant 1 : i32
      %dma_wait3A_1978 = arith.constant 0 : i32
      %dma_wait3A_1979 = arith.constant 0 : i32
      %dma_wait3A_1980 = tpu.memref_slice %arg6[%dma_wait3A_1977, %dma_wait3A_1978, %dma_wait3A_1979] : memref<8x100x64xf32, #tpu.memory_space<vmem>> -> memref<1x100x64xf32, #tpu.memory_space<vmem>>
      %dma_wait3A_1981 = tpu.memref_squeeze %dma_wait3A_1980 : memref<1x100x64xf32, #tpu.memory_space<vmem>> -> memref<100x64xf32, #tpu.memory_space<vmem>>
      %dma_wait3A_1982 = arith.constant 0 : i32
      %dma_wait3A_1983 = tpu.memref_slice %arg5[%add3A_1976, %dma_wait3A_1982] : memref<256x100xi32, #tpu.memory_space<vmem>> -> memref<1x100xi32, #tpu.memory_space<vmem>>
      %dma_wait3A_1984 = tpu.memref_squeeze %dma_wait3A_1983 : memref<1x100xi32, #tpu.memory_space<vmem>> -> memref<100xi32, #tpu.memory_space<vmem>>
      %dma_wait3A_1985 = arith.constant 0 : i32
      %dma_wait3A_1986 = arith.constant 0 : i32
      %dma_wait3A_1987 = tpu.memref_slice %arg2[%dma_wait3A_1985, %dma_wait3A_1986] : memref<100000x64xf32, #tpu.memory_space<hbm>> -> memref<100000x64xf32, #tpu.memory_space<hbm>>
      tpu.wait_indirect_dma semaphore(%arg8 : memref<!tpu.dma_semaphore, #tpu.memory_space<semaphore_mem>>) src(%dma_wait3A_1987 : memref<100000x64xf32, #tpu.memory_space<hbm>>) dst(%dma_wait3A_1981 : memref<100x64xf32, #tpu.memory_space<vmem>>)
      %add3A_1988 = arith.addi %mul3A_2, %add3A_1976 : i32
      %jit3A_1989 = arith.constant 2 : i32
      %div3A_1990 = arith.divsi %add3A_1988, %jit3A_1989 : i32
      %sign3A_1991 = arith.constant 0 : i32
      %sign3A_1992 = arith.cmpi sgt, %add3A_1988, %sign3A_1991 : i32
      %sign3A_1993 = arith.extui %sign3A_1992 : i1 to i32
      %sign3A_1994 = arith.constant 0 : i32
      %sign3A_1995 = arith.cmpi slt, %add3A_1988, %sign3A_1994 : i32
      %sign3A_1996 = arith.extui %sign3A_1995 : i1 to i32
      %sign3A_1997 = arith.subi %sign3A_1993, %sign3A_1996 : i32
      %sign3A_1998 = arith.constant 0 : i32
      %sign3A_1999 = arith.cmpi sgt, %jit3A_1989, %sign3A_1998 : i32
      %sign3A_2000 = arith.extui %sign3A_1999 : i1 to i32
      %sign3A_2001 = arith.constant 0 : i32
      %sign3A_2002 = arith.cmpi slt, %jit3A_1989, %sign3A_2001 : i32
      %sign3A_2003 = arith.extui %sign3A_2002 : i1 to i32
      %sign3A_2004 = arith.subi %sign3A_2000, %sign3A_2003 : i32
      %ne3A_2005 = arith.cmpi ne, %sign3A_1997, %sign3A_2004 : i32
      %rem3A_2006 = arith.remsi %add3A_1988, %jit3A_1989 : i32
      %ne3A_2007 = arith.constant 0 : i32
      %ne3A_2008 = arith.cmpi ne, %rem3A_2006, %ne3A_2007 : i32
      %and3A_2009 = arith.andi %ne3A_2005, %ne3A_2008 : i1
      %sub3A_2010 = arith.constant 1 : i32
      %sub3A_2011 = arith.subi %div3A_1990, %sub3A_2010 : i32
      %select_n3A_2012 = arith.select %and3A_2009, %sub3A_2011, %div3A_1990 : i32
      %mul3A_2013 = arith.constant 2 : i32
      %mul3A_2014 = arith.muli %select_n3A_2012, %mul3A_2013 : i32
      %sub3A_2015 = arith.subi %add3A_1988, %mul3A_2014 : i32
      %mul3A_2016 = arith.constant 100 : i32
      %mul3A_2017 = arith.muli %sub3A_2015, %mul3A_2016 : i32
      %dma_start3A_2018 = arith.constant 1 : i32
      %dma_start3A_2019 = arith.constant 0 : i32
      %dma_start3A_2020 = arith.constant 0 : i32
      %dma_start3A_2021 = tpu.memref_slice %arg6[%dma_start3A_2018, %dma_start3A_2019, %dma_start3A_2020] : memref<8x100x64xf32, #tpu.memory_space<vmem>> -> memref<1x100x64xf32, #tpu.memory_space<vmem>>
      %dma_start3A_2022 = tpu.memref_squeeze %dma_start3A_2021 : memref<1x100x64xf32, #tpu.memory_space<vmem>> -> memref<100x64xf32, #tpu.memory_space<vmem>>
      %dma_start3A_2023 = arith.constant 0 : i32
      %dma_start3A_2024 = tpu.memref_slice %arg4[%select_n3A_2012, %mul3A_2017, %dma_start3A_2023] : memref<4096x200x64xf32, #tpu.memory_space<hbm>> -> memref<1x100x64xf32, #tpu.memory_space<hbm>>
      %dma_start3A_2025 = tpu.memref_squeeze %dma_start3A_2024 : memref<1x100x64xf32, #tpu.memory_space<hbm>> -> memref<100x64xf32, #tpu.memory_space<hbm>>
      %dma_start3A_2026 = arith.constant 0 : i32
      %dma_start3A_2027 = tpu.memref_slice %arg4[%select_n3A_2012, %mul3A_2017, %dma_start3A_2026] : memref<4096x200x64xf32, #tpu.memory_space<hbm>> -> memref<1x100x64xf32, #tpu.memory_space<hbm>>
      %dma_start3A_2028 = tpu.memref_squeeze %dma_start3A_2027 : memref<1x100x64xf32, #tpu.memory_space<hbm>> -> memref<100x64xf32, #tpu.memory_space<hbm>>
      %dma_start3A_2029 = arith.constant 0 : i32
      %dma_start3A_2030 = arith.constant 0 : i32
      %dma_start3A_2031 = tpu.memref_slice %arg6[%dma_start3A_2018, %dma_start3A_2029, %dma_start3A_2030] : memref<8x100x64xf32, #tpu.memory_space<vmem>> -> memref<1x100x64xf32, #tpu.memory_space<vmem>>
      %dma_start3A_2032 = tpu.memref_squeeze %dma_start3A_2031 : memref<1x100x64xf32, #tpu.memory_space<vmem>> -> memref<100x64xf32, #tpu.memory_space<vmem>>
      tpu.enqueue_dma source(%dma_start3A_2032 : memref<100x64xf32, #tpu.memory_space<vmem>>) target(%dma_start3A_2028 : memref<100x64xf32, #tpu.memory_space<hbm>>) target_semaphore(%arg16 : memref<!tpu.dma_semaphore, #tpu.memory_space<semaphore_mem>>)
      %sub3A_2033 = arith.constant 4 : i32
      %sub3A_2034 = arith.subi %add3A_1976, %sub3A_2033 : i32
      %add3A_2035 = arith.addi %mul3A_2, %sub3A_2034 : i32
      %jit3A_2036 = arith.constant 2 : i32
      %div3A_2037 = arith.divsi %add3A_2035, %jit3A_2036 : i32
      %sign3A_2038 = arith.constant 0 : i32
      %sign3A_2039 = arith.cmpi sgt, %add3A_2035, %sign3A_2038 : i32
      %sign3A_2040 = arith.extui %sign3A_2039 : i1 to i32
      %sign3A_2041 = arith.constant 0 : i32
      %sign3A_2042 = arith.cmpi slt, %add3A_2035, %sign3A_2041 : i32
      %sign3A_2043 = arith.extui %sign3A_2042 : i1 to i32
      %sign3A_2044 = arith.subi %sign3A_2040, %sign3A_2043 : i32
      %sign3A_2045 = arith.constant 0 : i32
      %sign3A_2046 = arith.cmpi sgt, %jit3A_2036, %sign3A_2045 : i32
      %sign3A_2047 = arith.extui %sign3A_2046 : i1 to i32
      %sign3A_2048 = arith.constant 0 : i32
      %sign3A_2049 = arith.cmpi slt, %jit3A_2036, %sign3A_2048 : i32
      %sign3A_2050 = arith.extui %sign3A_2049 : i1 to i32
      %sign3A_2051 = arith.subi %sign3A_2047, %sign3A_2050 : i32
      %ne3A_2052 = arith.cmpi ne, %sign3A_2044, %sign3A_2051 : i32
      %rem3A_2053 = arith.remsi %add3A_2035, %jit3A_2036 : i32
      %ne3A_2054 = arith.constant 0 : i32
      %ne3A_2055 = arith.cmpi ne, %rem3A_2053, %ne3A_2054 : i32
      %and3A_2056 = arith.andi %ne3A_2052, %ne3A_2055 : i1
      %sub3A_2057 = arith.constant 1 : i32
      %sub3A_2058 = arith.subi %div3A_2037, %sub3A_2057 : i32
      %select_n3A_2059 = arith.select %and3A_2056, %sub3A_2058, %div3A_2037 : i32
      %mul3A_2060 = arith.constant 2 : i32
      %mul3A_2061 = arith.muli %select_n3A_2059, %mul3A_2060 : i32
      %sub3A_2062 = arith.subi %add3A_2035, %mul3A_2061 : i32
      %mul3A_2063 = arith.constant 100 : i32
      %mul3A_2064 = arith.muli %sub3A_2062, %mul3A_2063 : i32
      %dma_wait3A_2065 = arith.constant 5 : i32
      %dma_wait3A_2066 = arith.constant 0 : i32
      %dma_wait3A_2067 = arith.constant 0 : i32
      %dma_wait3A_2068 = tpu.memref_slice %arg6[%dma_wait3A_2065, %dma_wait3A_2066, %dma_wait3A_2067] : memref<8x100x64xf32, #tpu.memory_space<vmem>> -> memref<1x100x64xf32, #tpu.memory_space<vmem>>
      %dma_wait3A_2069 = tpu.memref_squeeze %dma_wait3A_2068 : memref<1x100x64xf32, #tpu.memory_space<vmem>> -> memref<100x64xf32, #tpu.memory_space<vmem>>
      %dma_wait3A_2070 = arith.constant 0 : i32
      %dma_wait3A_2071 = tpu.memref_slice %arg4[%select_n3A_2059, %mul3A_2064, %dma_wait3A_2070] : memref<4096x200x64xf32, #tpu.memory_space<hbm>> -> memref<1x100x64xf32, #tpu.memory_space<hbm>>
      %dma_wait3A_2072 = tpu.memref_squeeze %dma_wait3A_2071 : memref<1x100x64xf32, #tpu.memory_space<hbm>> -> memref<100x64xf32, #tpu.memory_space<hbm>>
      %dma_wait3A_2073 = arith.constant 0 : i32
      %dma_wait3A_2074 = tpu.memref_slice %arg4[%select_n3A_2059, %mul3A_2064, %dma_wait3A_2073] : memref<4096x200x64xf32, #tpu.memory_space<hbm>> -> memref<1x100x64xf32, #tpu.memory_space<hbm>>
      %dma_wait3A_2075 = tpu.memref_squeeze %dma_wait3A_2074 : memref<1x100x64xf32, #tpu.memory_space<hbm>> -> memref<100x64xf32, #tpu.memory_space<hbm>>
      %dma_wait3A_2076 = arith.constant 0 : i32
      %dma_wait3A_2077 = arith.constant 0 : i32
      %dma_wait3A_2078 = tpu.memref_slice %arg6[%dma_wait3A_2065, %dma_wait3A_2076, %dma_wait3A_2077] : memref<8x100x64xf32, #tpu.memory_space<vmem>> -> memref<1x100x64xf32, #tpu.memory_space<vmem>>
      %dma_wait3A_2079 = tpu.memref_squeeze %dma_wait3A_2078 : memref<1x100x64xf32, #tpu.memory_space<vmem>> -> memref<100x64xf32, #tpu.memory_space<vmem>>
      tpu.wait_dma2 semaphore(%arg20 : memref<!tpu.dma_semaphore, #tpu.memory_space<semaphore_mem>>) src(%dma_wait3A_2079 : memref<100x64xf32, #tpu.memory_space<vmem>>) dst(%dma_wait3A_2075 : memref<100x64xf32, #tpu.memory_space<hbm>>)
      %add3A_2080 = arith.constant 4 : i32
      %add3A_2081 = arith.addi %add3A_1976, %add3A_2080 : i32
      %dma_start3A_2082 = arith.constant 5 : i32
      %dma_start3A_2083 = arith.constant 0 : i32
      %dma_start3A_2084 = arith.constant 0 : i32
      %dma_start3A_2085 = tpu.memref_slice %arg6[%dma_start3A_2082, %dma_start3A_2083, %dma_start3A_2084] : memref<8x100x64xf32, #tpu.memory_space<vmem>> -> memref<1x100x64xf32, #tpu.memory_space<vmem>>
      %dma_start3A_2086 = tpu.memref_squeeze %dma_start3A_2085 : memref<1x100x64xf32, #tpu.memory_space<vmem>> -> memref<100x64xf32, #tpu.memory_space<vmem>>
      %dma_start3A_2087 = arith.constant 0 : i32
      %dma_start3A_2088 = tpu.memref_slice %arg5[%add3A_2081, %dma_start3A_2087] : memref<256x100xi32, #tpu.memory_space<vmem>> -> memref<1x100xi32, #tpu.memory_space<vmem>>
      %dma_start3A_2089 = tpu.memref_squeeze %dma_start3A_2088 : memref<1x100xi32, #tpu.memory_space<vmem>> -> memref<100xi32, #tpu.memory_space<vmem>>
      %dma_start3A_2090 = arith.constant 0 : i32
      %dma_start3A_2091 = arith.constant 0 : i32
      %dma_start3A_2092 = tpu.memref_slice %arg2[%dma_start3A_2090, %dma_start3A_2091] : memref<100000x64xf32, #tpu.memory_space<hbm>> -> memref<100000x64xf32, #tpu.memory_space<hbm>>
      tpu.enqueue_indirect_dma source(%dma_start3A_2092 : memref<100000x64xf32, #tpu.memory_space<hbm>>) target(%dma_start3A_2086 : memref<100x64xf32, #tpu.memory_space<vmem>>) offsets(%dma_start3A_2089 : memref<100xi32, #tpu.memory_space<vmem>>) semaphore(%arg12 : memref<!tpu.dma_semaphore, #tpu.memory_space<semaphore_mem>>)
      %add3A_2093 = arith.constant 2 : i32
      %add3A_2094 = arith.addi %mul3A_1856, %add3A_2093 : i32
      %dma_wait3A_2095 = arith.constant 2 : i32
      %dma_wait3A_2096 = arith.constant 0 : i32
      %dma_wait3A_2097 = arith.constant 0 : i32
      %dma_wait3A_2098 = tpu.memref_slice %arg6[%dma_wait3A_2095, %dma_wait3A_2096, %dma_wait3A_2097] : memref<8x100x64xf32, #tpu.memory_space<vmem>> -> memref<1x100x64xf32, #tpu.memory_space<vmem>>
      %dma_wait3A_2099 = tpu.memref_squeeze %dma_wait3A_2098 : memref<1x100x64xf32, #tpu.memory_space<vmem>> -> memref<100x64xf32, #tpu.memory_space<vmem>>
      %dma_wait3A_2100 = arith.constant 0 : i32
      %dma_wait3A_2101 = tpu.memref_slice %arg5[%add3A_2094, %dma_wait3A_2100] : memref<256x100xi32, #tpu.memory_space<vmem>> -> memref<1x100xi32, #tpu.memory_space<vmem>>
      %dma_wait3A_2102 = tpu.memref_squeeze %dma_wait3A_2101 : memref<1x100xi32, #tpu.memory_space<vmem>> -> memref<100xi32, #tpu.memory_space<vmem>>
      %dma_wait3A_2103 = arith.constant 0 : i32
      %dma_wait3A_2104 = arith.constant 0 : i32
      %dma_wait3A_2105 = tpu.memref_slice %arg2[%dma_wait3A_2103, %dma_wait3A_2104] : memref<100000x64xf32, #tpu.memory_space<hbm>> -> memref<100000x64xf32, #tpu.memory_space<hbm>>
      tpu.wait_indirect_dma semaphore(%arg9 : memref<!tpu.dma_semaphore, #tpu.memory_space<semaphore_mem>>) src(%dma_wait3A_2105 : memref<100000x64xf32, #tpu.memory_space<hbm>>) dst(%dma_wait3A_2099 : memref<100x64xf32, #tpu.memory_space<vmem>>)
      %add3A_2106 = arith.addi %mul3A_2, %add3A_2094 : i32
      %jit3A_2107 = arith.constant 2 : i32
      %div3A_2108 = arith.divsi %add3A_2106, %jit3A_2107 : i32
      %sign3A_2109 = arith.constant 0 : i32
      %sign3A_2110 = arith.cmpi sgt, %add3A_2106, %sign3A_2109 : i32
      %sign3A_2111 = arith.extui %sign3A_2110 : i1 to i32
      %sign3A_2112 = arith.constant 0 : i32
      %sign3A_2113 = arith.cmpi slt, %add3A_2106, %sign3A_2112 : i32
      %sign3A_2114 = arith.extui %sign3A_2113 : i1 to i32
      %sign3A_2115 = arith.subi %sign3A_2111, %sign3A_2114 : i32
      %sign3A_2116 = arith.constant 0 : i32
      %sign3A_2117 = arith.cmpi sgt, %jit3A_2107, %sign3A_2116 : i32
      %sign3A_2118 = arith.extui %sign3A_2117 : i1 to i32
      %sign3A_2119 = arith.constant 0 : i32
      %sign3A_2120 = arith.cmpi slt, %jit3A_2107, %sign3A_2119 : i32
      %sign3A_2121 = arith.extui %sign3A_2120 : i1 to i32
      %sign3A_2122 = arith.subi %sign3A_2118, %sign3A_2121 : i32
      %ne3A_2123 = arith.cmpi ne, %sign3A_2115, %sign3A_2122 : i32
      %rem3A_2124 = arith.remsi %add3A_2106, %jit3A_2107 : i32
      %ne3A_2125 = arith.constant 0 : i32
      %ne3A_2126 = arith.cmpi ne, %rem3A_2124, %ne3A_2125 : i32
      %and3A_2127 = arith.andi %ne3A_2123, %ne3A_2126 : i1
      %sub3A_2128 = arith.constant 1 : i32
      %sub3A_2129 = arith.subi %div3A_2108, %sub3A_2128 : i32
      %select_n3A_2130 = arith.select %and3A_2127, %sub3A_2129, %div3A_2108 : i32
      %mul3A_2131 = arith.constant 2 : i32
      %mul3A_2132 = arith.muli %select_n3A_2130, %mul3A_2131 : i32
      %sub3A_2133 = arith.subi %add3A_2106, %mul3A_2132 : i32
      %mul3A_2134 = arith.constant 100 : i32
      %mul3A_2135 = arith.muli %sub3A_2133, %mul3A_2134 : i32
      %dma_start3A_2136 = arith.constant 2 : i32
      %dma_start3A_2137 = arith.constant 0 : i32
      %dma_start3A_2138 = arith.constant 0 : i32
      %dma_start3A_2139 = tpu.memref_slice %arg6[%dma_start3A_2136, %dma_start3A_2137, %dma_start3A_2138] : memref<8x100x64xf32, #tpu.memory_space<vmem>> -> memref<1x100x64xf32, #tpu.memory_space<vmem>>
      %dma_start3A_2140 = tpu.memref_squeeze %dma_start3A_2139 : memref<1x100x64xf32, #tpu.memory_space<vmem>> -> memref<100x64xf32, #tpu.memory_space<vmem>>
      %dma_start3A_2141 = arith.constant 0 : i32
      %dma_start3A_2142 = tpu.memref_slice %arg4[%select_n3A_2130, %mul3A_2135, %dma_start3A_2141] : memref<4096x200x64xf32, #tpu.memory_space<hbm>> -> memref<1x100x64xf32, #tpu.memory_space<hbm>>
      %dma_start3A_2143 = tpu.memref_squeeze %dma_start3A_2142 : memref<1x100x64xf32, #tpu.memory_space<hbm>> -> memref<100x64xf32, #tpu.memory_space<hbm>>
      %dma_start3A_2144 = arith.constant 0 : i32
      %dma_start3A_2145 = tpu.memref_slice %arg4[%select_n3A_2130, %mul3A_2135, %dma_start3A_2144] : memref<4096x200x64xf32, #tpu.memory_space<hbm>> -> memref<1x100x64xf32, #tpu.memory_space<hbm>>
      %dma_start3A_2146 = tpu.memref_squeeze %dma_start3A_2145 : memref<1x100x64xf32, #tpu.memory_space<hbm>> -> memref<100x64xf32, #tpu.memory_space<hbm>>
      %dma_start3A_2147 = arith.constant 0 : i32
      %dma_start3A_2148 = arith.constant 0 : i32
      %dma_start3A_2149 = tpu.memref_slice %arg6[%dma_start3A_2136, %dma_start3A_2147, %dma_start3A_2148] : memref<8x100x64xf32, #tpu.memory_space<vmem>> -> memref<1x100x64xf32, #tpu.memory_space<vmem>>
      %dma_start3A_2150 = tpu.memref_squeeze %dma_start3A_2149 : memref<1x100x64xf32, #tpu.memory_space<vmem>> -> memref<100x64xf32, #tpu.memory_space<vmem>>
      tpu.enqueue_dma source(%dma_start3A_2150 : memref<100x64xf32, #tpu.memory_space<vmem>>) target(%dma_start3A_2146 : memref<100x64xf32, #tpu.memory_space<hbm>>) target_semaphore(%arg17 : memref<!tpu.dma_semaphore, #tpu.memory_space<semaphore_mem>>)
      %sub3A_2151 = arith.constant 4 : i32
      %sub3A_2152 = arith.subi %add3A_2094, %sub3A_2151 : i32
      %add3A_2153 = arith.addi %mul3A_2, %sub3A_2152 : i32
      %jit3A_2154 = arith.constant 2 : i32
      %div3A_2155 = arith.divsi %add3A_2153, %jit3A_2154 : i32
      %sign3A_2156 = arith.constant 0 : i32
      %sign3A_2157 = arith.cmpi sgt, %add3A_2153, %sign3A_2156 : i32
      %sign3A_2158 = arith.extui %sign3A_2157 : i1 to i32
      %sign3A_2159 = arith.constant 0 : i32
      %sign3A_2160 = arith.cmpi slt, %add3A_2153, %sign3A_2159 : i32
      %sign3A_2161 = arith.extui %sign3A_2160 : i1 to i32
      %sign3A_2162 = arith.subi %sign3A_2158, %sign3A_2161 : i32
      %sign3A_2163 = arith.constant 0 : i32
      %sign3A_2164 = arith.cmpi sgt, %jit3A_2154, %sign3A_2163 : i32
      %sign3A_2165 = arith.extui %sign3A_2164 : i1 to i32
      %sign3A_2166 = arith.constant 0 : i32
      %sign3A_2167 = arith.cmpi slt, %jit3A_2154, %sign3A_2166 : i32
      %sign3A_2168 = arith.extui %sign3A_2167 : i1 to i32
      %sign3A_2169 = arith.subi %sign3A_2165, %sign3A_2168 : i32
      %ne3A_2170 = arith.cmpi ne, %sign3A_2162, %sign3A_2169 : i32
      %rem3A_2171 = arith.remsi %add3A_2153, %jit3A_2154 : i32
      %ne3A_2172 = arith.constant 0 : i32
      %ne3A_2173 = arith.cmpi ne, %rem3A_2171, %ne3A_2172 : i32
      %and3A_2174 = arith.andi %ne3A_2170, %ne3A_2173 : i1
      %sub3A_2175 = arith.constant 1 : i32
      %sub3A_2176 = arith.subi %div3A_2155, %sub3A_2175 : i32
      %select_n3A_2177 = arith.select %and3A_2174, %sub3A_2176, %div3A_2155 : i32
      %mul3A_2178 = arith.constant 2 : i32
      %mul3A_2179 = arith.muli %select_n3A_2177, %mul3A_2178 : i32
      %sub3A_2180 = arith.subi %add3A_2153, %mul3A_2179 : i32
      %mul3A_2181 = arith.constant 100 : i32
      %mul3A_2182 = arith.muli %sub3A_2180, %mul3A_2181 : i32
      %dma_wait3A_2183 = arith.constant 6 : i32
      %dma_wait3A_2184 = arith.constant 0 : i32
      %dma_wait3A_2185 = arith.constant 0 : i32
      %dma_wait3A_2186 = tpu.memref_slice %arg6[%dma_wait3A_2183, %dma_wait3A_2184, %dma_wait3A_2185] : memref<8x100x64xf32, #tpu.memory_space<vmem>> -> memref<1x100x64xf32, #tpu.memory_space<vmem>>
      %dma_wait3A_2187 = tpu.memref_squeeze %dma_wait3A_2186 : memref<1x100x64xf32, #tpu.memory_space<vmem>> -> memref<100x64xf32, #tpu.memory_space<vmem>>
      %dma_wait3A_2188 = arith.constant 0 : i32
      %dma_wait3A_2189 = tpu.memref_slice %arg4[%select_n3A_2177, %mul3A_2182, %dma_wait3A_2188] : memref<4096x200x64xf32, #tpu.memory_space<hbm>> -> memref<1x100x64xf32, #tpu.memory_space<hbm>>
      %dma_wait3A_2190 = tpu.memref_squeeze %dma_wait3A_2189 : memref<1x100x64xf32, #tpu.memory_space<hbm>> -> memref<100x64xf32, #tpu.memory_space<hbm>>
      %dma_wait3A_2191 = arith.constant 0 : i32
      %dma_wait3A_2192 = tpu.memref_slice %arg4[%select_n3A_2177, %mul3A_2182, %dma_wait3A_2191] : memref<4096x200x64xf32, #tpu.memory_space<hbm>> -> memref<1x100x64xf32, #tpu.memory_space<hbm>>
      %dma_wait3A_2193 = tpu.memref_squeeze %dma_wait3A_2192 : memref<1x100x64xf32, #tpu.memory_space<hbm>> -> memref<100x64xf32, #tpu.memory_space<hbm>>
      %dma_wait3A_2194 = arith.constant 0 : i32
      %dma_wait3A_2195 = arith.constant 0 : i32
      %dma_wait3A_2196 = tpu.memref_slice %arg6[%dma_wait3A_2183, %dma_wait3A_2194, %dma_wait3A_2195] : memref<8x100x64xf32, #tpu.memory_space<vmem>> -> memref<1x100x64xf32, #tpu.memory_space<vmem>>
      %dma_wait3A_2197 = tpu.memref_squeeze %dma_wait3A_2196 : memref<1x100x64xf32, #tpu.memory_space<vmem>> -> memref<100x64xf32, #tpu.memory_space<vmem>>
      tpu.wait_dma2 semaphore(%arg21 : memref<!tpu.dma_semaphore, #tpu.memory_space<semaphore_mem>>) src(%dma_wait3A_2197 : memref<100x64xf32, #tpu.memory_space<vmem>>) dst(%dma_wait3A_2193 : memref<100x64xf32, #tpu.memory_space<hbm>>)
      %add3A_2198 = arith.constant 4 : i32
      %add3A_2199 = arith.addi %add3A_2094, %add3A_2198 : i32
      %dma_start3A_2200 = arith.constant 6 : i32
      %dma_start3A_2201 = arith.constant 0 : i32
      %dma_start3A_2202 = arith.constant 0 : i32
      %dma_start3A_2203 = tpu.memref_slice %arg6[%dma_start3A_2200, %dma_start3A_2201, %dma_start3A_2202] : memref<8x100x64xf32, #tpu.memory_space<vmem>> -> memref<1x100x64xf32, #tpu.memory_space<vmem>>
      %dma_start3A_2204 = tpu.memref_squeeze %dma_start3A_2203 : memref<1x100x64xf32, #tpu.memory_space<vmem>> -> memref<100x64xf32, #tpu.memory_space<vmem>>
      %dma_start3A_2205 = arith.constant 0 : i32
      %dma_start3A_2206 = tpu.memref_slice %arg5[%add3A_2199, %dma_start3A_2205] : memref<256x100xi32, #tpu.memory_space<vmem>> -> memref<1x100xi32, #tpu.memory_space<vmem>>
      %dma_start3A_2207 = tpu.memref_squeeze %dma_start3A_2206 : memref<1x100xi32, #tpu.memory_space<vmem>> -> memref<100xi32, #tpu.memory_space<vmem>>
      %dma_start3A_2208 = arith.constant 0 : i32
      %dma_start3A_2209 = arith.constant 0 : i32
      %dma_start3A_2210 = tpu.memref_slice %arg2[%dma_start3A_2208, %dma_start3A_2209] : memref<100000x64xf32, #tpu.memory_space<hbm>> -> memref<100000x64xf32, #tpu.memory_space<hbm>>
      tpu.enqueue_indirect_dma source(%dma_start3A_2210 : memref<100000x64xf32, #tpu.memory_space<hbm>>) target(%dma_start3A_2204 : memref<100x64xf32, #tpu.memory_space<vmem>>) offsets(%dma_start3A_2207 : memref<100xi32, #tpu.memory_space<vmem>>) semaphore(%arg13 : memref<!tpu.dma_semaphore, #tpu.memory_space<semaphore_mem>>)
      %add3A_2211 = arith.constant 3 : i32
      %add3A_2212 = arith.addi %mul3A_1856, %add3A_2211 : i32
      %dma_wait3A_2213 = arith.constant 3 : i32
      %dma_wait3A_2214 = arith.constant 0 : i32
      %dma_wait3A_2215 = arith.constant 0 : i32
      %dma_wait3A_2216 = tpu.memref_slice %arg6[%dma_wait3A_2213, %dma_wait3A_2214, %dma_wait3A_2215] : memref<8x100x64xf32, #tpu.memory_space<vmem>> -> memref<1x100x64xf32, #tpu.memory_space<vmem>>
      %dma_wait3A_2217 = tpu.memref_squeeze %dma_wait3A_2216 : memref<1x100x64xf32, #tpu.memory_space<vmem>> -> memref<100x64xf32, #tpu.memory_space<vmem>>
      %dma_wait3A_2218 = arith.constant 0 : i32
      %dma_wait3A_2219 = tpu.memref_slice %arg5[%add3A_2212, %dma_wait3A_2218] : memref<256x100xi32, #tpu.memory_space<vmem>> -> memref<1x100xi32, #tpu.memory_space<vmem>>
      %dma_wait3A_2220 = tpu.memref_squeeze %dma_wait3A_2219 : memref<1x100xi32, #tpu.memory_space<vmem>> -> memref<100xi32, #tpu.memory_space<vmem>>
      %dma_wait3A_2221 = arith.constant 0 : i32
      %dma_wait3A_2222 = arith.constant 0 : i32
      %dma_wait3A_2223 = tpu.memref_slice %arg2[%dma_wait3A_2221, %dma_wait3A_2222] : memref<100000x64xf32, #tpu.memory_space<hbm>> -> memref<100000x64xf32, #tpu.memory_space<hbm>>
      tpu.wait_indirect_dma semaphore(%arg10 : memref<!tpu.dma_semaphore, #tpu.memory_space<semaphore_mem>>) src(%dma_wait3A_2223 : memref<100000x64xf32, #tpu.memory_space<hbm>>) dst(%dma_wait3A_2217 : memref<100x64xf32, #tpu.memory_space<vmem>>)
      %add3A_2224 = arith.addi %mul3A_2, %add3A_2212 : i32
      %jit3A_2225 = arith.constant 2 : i32
      %div3A_2226 = arith.divsi %add3A_2224, %jit3A_2225 : i32
      %sign3A_2227 = arith.constant 0 : i32
      %sign3A_2228 = arith.cmpi sgt, %add3A_2224, %sign3A_2227 : i32
      %sign3A_2229 = arith.extui %sign3A_2228 : i1 to i32
      %sign3A_2230 = arith.constant 0 : i32
      %sign3A_2231 = arith.cmpi slt, %add3A_2224, %sign3A_2230 : i32
      %sign3A_2232 = arith.extui %sign3A_2231 : i1 to i32
      %sign3A_2233 = arith.subi %sign3A_2229, %sign3A_2232 : i32
      %sign3A_2234 = arith.constant 0 : i32
      %sign3A_2235 = arith.cmpi sgt, %jit3A_2225, %sign3A_2234 : i32
      %sign3A_2236 = arith.extui %sign3A_2235 : i1 to i32
      %sign3A_2237 = arith.constant 0 : i32
      %sign3A_2238 = arith.cmpi slt, %jit3A_2225, %sign3A_2237 : i32
      %sign3A_2239 = arith.extui %sign3A_2238 : i1 to i32
      %sign3A_2240 = arith.subi %sign3A_2236, %sign3A_2239 : i32
      %ne3A_2241 = arith.cmpi ne, %sign3A_2233, %sign3A_2240 : i32
      %rem3A_2242 = arith.remsi %add3A_2224, %jit3A_2225 : i32
      %ne3A_2243 = arith.constant 0 : i32
      %ne3A_2244 = arith.cmpi ne, %rem3A_2242, %ne3A_2243 : i32
      %and3A_2245 = arith.andi %ne3A_2241, %ne3A_2244 : i1
      %sub3A_2246 = arith.constant 1 : i32
      %sub3A_2247 = arith.subi %div3A_2226, %sub3A_2246 : i32
      %select_n3A_2248 = arith.select %and3A_2245, %sub3A_2247, %div3A_2226 : i32
      %mul3A_2249 = arith.constant 2 : i32
      %mul3A_2250 = arith.muli %select_n3A_2248, %mul3A_2249 : i32
      %sub3A_2251 = arith.subi %add3A_2224, %mul3A_2250 : i32
      %mul3A_2252 = arith.constant 100 : i32
      %mul3A_2253 = arith.muli %sub3A_2251, %mul3A_2252 : i32
      %dma_start3A_2254 = arith.constant 3 : i32
      %dma_start3A_2255 = arith.constant 0 : i32
      %dma_start3A_2256 = arith.constant 0 : i32
      %dma_start3A_2257 = tpu.memref_slice %arg6[%dma_start3A_2254, %dma_start3A_2255, %dma_start3A_2256] : memref<8x100x64xf32, #tpu.memory_space<vmem>> -> memref<1x100x64xf32, #tpu.memory_space<vmem>>
      %dma_start3A_2258 = tpu.memref_squeeze %dma_start3A_2257 : memref<1x100x64xf32, #tpu.memory_space<vmem>> -> memref<100x64xf32, #tpu.memory_space<vmem>>
      %dma_start3A_2259 = arith.constant 0 : i32
      %dma_start3A_2260 = tpu.memref_slice %arg4[%select_n3A_2248, %mul3A_2253, %dma_start3A_2259] : memref<4096x200x64xf32, #tpu.memory_space<hbm>> -> memref<1x100x64xf32, #tpu.memory_space<hbm>>
      %dma_start3A_2261 = tpu.memref_squeeze %dma_start3A_2260 : memref<1x100x64xf32, #tpu.memory_space<hbm>> -> memref<100x64xf32, #tpu.memory_space<hbm>>
      %dma_start3A_2262 = arith.constant 0 : i32
      %dma_start3A_2263 = tpu.memref_slice %arg4[%select_n3A_2248, %mul3A_2253, %dma_start3A_2262] : memref<4096x200x64xf32, #tpu.memory_space<hbm>> -> memref<1x100x64xf32, #tpu.memory_space<hbm>>
      %dma_start3A_2264 = tpu.memref_squeeze %dma_start3A_2263 : memref<1x100x64xf32, #tpu.memory_space<hbm>> -> memref<100x64xf32, #tpu.memory_space<hbm>>
      %dma_start3A_2265 = arith.constant 0 : i32
      %dma_start3A_2266 = arith.constant 0 : i32
      %dma_start3A_2267 = tpu.memref_slice %arg6[%dma_start3A_2254, %dma_start3A_2265, %dma_start3A_2266] : memref<8x100x64xf32, #tpu.memory_space<vmem>> -> memref<1x100x64xf32, #tpu.memory_space<vmem>>
      %dma_start3A_2268 = tpu.memref_squeeze %dma_start3A_2267 : memref<1x100x64xf32, #tpu.memory_space<vmem>> -> memref<100x64xf32, #tpu.memory_space<vmem>>
      tpu.enqueue_dma source(%dma_start3A_2268 : memref<100x64xf32, #tpu.memory_space<vmem>>) target(%dma_start3A_2264 : memref<100x64xf32, #tpu.memory_space<hbm>>) target_semaphore(%arg18 : memref<!tpu.dma_semaphore, #tpu.memory_space<semaphore_mem>>)
      %sub3A_2269 = arith.constant 4 : i32
      %sub3A_2270 = arith.subi %add3A_2212, %sub3A_2269 : i32
      %add3A_2271 = arith.addi %mul3A_2, %sub3A_2270 : i32
      %jit3A_2272 = arith.constant 2 : i32
      %div3A_2273 = arith.divsi %add3A_2271, %jit3A_2272 : i32
      %sign3A_2274 = arith.constant 0 : i32
      %sign3A_2275 = arith.cmpi sgt, %add3A_2271, %sign3A_2274 : i32
      %sign3A_2276 = arith.extui %sign3A_2275 : i1 to i32
      %sign3A_2277 = arith.constant 0 : i32
      %sign3A_2278 = arith.cmpi slt, %add3A_2271, %sign3A_2277 : i32
      %sign3A_2279 = arith.extui %sign3A_2278 : i1 to i32
      %sign3A_2280 = arith.subi %sign3A_2276, %sign3A_2279 : i32
      %sign3A_2281 = arith.constant 0 : i32
      %sign3A_2282 = arith.cmpi sgt, %jit3A_2272, %sign3A_2281 : i32
      %sign3A_2283 = arith.extui %sign3A_2282 : i1 to i32
      %sign3A_2284 = arith.constant 0 : i32
      %sign3A_2285 = arith.cmpi slt, %jit3A_2272, %sign3A_2284 : i32
      %sign3A_2286 = arith.extui %sign3A_2285 : i1 to i32
      %sign3A_2287 = arith.subi %sign3A_2283, %sign3A_2286 : i32
      %ne3A_2288 = arith.cmpi ne, %sign3A_2280, %sign3A_2287 : i32
      %rem3A_2289 = arith.remsi %add3A_2271, %jit3A_2272 : i32
      %ne3A_2290 = arith.constant 0 : i32
      %ne3A_2291 = arith.cmpi ne, %rem3A_2289, %ne3A_2290 : i32
      %and3A_2292 = arith.andi %ne3A_2288, %ne3A_2291 : i1
      %sub3A_2293 = arith.constant 1 : i32
      %sub3A_2294 = arith.subi %div3A_2273, %sub3A_2293 : i32
      %select_n3A_2295 = arith.select %and3A_2292, %sub3A_2294, %div3A_2273 : i32
      %mul3A_2296 = arith.constant 2 : i32
      %mul3A_2297 = arith.muli %select_n3A_2295, %mul3A_2296 : i32
      %sub3A_2298 = arith.subi %add3A_2271, %mul3A_2297 : i32
      %mul3A_2299 = arith.constant 100 : i32
      %mul3A_2300 = arith.muli %sub3A_2298, %mul3A_2299 : i32
      %dma_wait3A_2301 = arith.constant 7 : i32
      %dma_wait3A_2302 = arith.constant 0 : i32
      %dma_wait3A_2303 = arith.constant 0 : i32
      %dma_wait3A_2304 = tpu.memref_slice %arg6[%dma_wait3A_2301, %dma_wait3A_2302, %dma_wait3A_2303] : memref<8x100x64xf32, #tpu.memory_space<vmem>> -> memref<1x100x64xf32, #tpu.memory_space<vmem>>
      %dma_wait3A_2305 = tpu.memref_squeeze %dma_wait3A_2304 : memref<1x100x64xf32, #tpu.memory_space<vmem>> -> memref<100x64xf32, #tpu.memory_space<vmem>>
      %dma_wait3A_2306 = arith.constant 0 : i32
      %dma_wait3A_2307 = tpu.memref_slice %arg4[%select_n3A_2295, %mul3A_2300, %dma_wait3A_2306] : memref<4096x200x64xf32, #tpu.memory_space<hbm>> -> memref<1x100x64xf32, #tpu.memory_space<hbm>>
      %dma_wait3A_2308 = tpu.memref_squeeze %dma_wait3A_2307 : memref<1x100x64xf32, #tpu.memory_space<hbm>> -> memref<100x64xf32, #tpu.memory_space<hbm>>
      %dma_wait3A_2309 = arith.constant 0 : i32
      %dma_wait3A_2310 = tpu.memref_slice %arg4[%select_n3A_2295, %mul3A_2300, %dma_wait3A_2309] : memref<4096x200x64xf32, #tpu.memory_space<hbm>> -> memref<1x100x64xf32, #tpu.memory_space<hbm>>
      %dma_wait3A_2311 = tpu.memref_squeeze %dma_wait3A_2310 : memref<1x100x64xf32, #tpu.memory_space<hbm>> -> memref<100x64xf32, #tpu.memory_space<hbm>>
      %dma_wait3A_2312 = arith.constant 0 : i32
      %dma_wait3A_2313 = arith.constant 0 : i32
      %dma_wait3A_2314 = tpu.memref_slice %arg6[%dma_wait3A_2301, %dma_wait3A_2312, %dma_wait3A_2313] : memref<8x100x64xf32, #tpu.memory_space<vmem>> -> memref<1x100x64xf32, #tpu.memory_space<vmem>>
      %dma_wait3A_2315 = tpu.memref_squeeze %dma_wait3A_2314 : memref<1x100x64xf32, #tpu.memory_space<vmem>> -> memref<100x64xf32, #tpu.memory_space<vmem>>
      tpu.wait_dma2 semaphore(%arg22 : memref<!tpu.dma_semaphore, #tpu.memory_space<semaphore_mem>>) src(%dma_wait3A_2315 : memref<100x64xf32, #tpu.memory_space<vmem>>) dst(%dma_wait3A_2311 : memref<100x64xf32, #tpu.memory_space<hbm>>)
      %add3A_2316 = arith.constant 4 : i32
      %add3A_2317 = arith.addi %add3A_2212, %add3A_2316 : i32
      %dma_start3A_2318 = arith.constant 7 : i32
      %dma_start3A_2319 = arith.constant 0 : i32
      %dma_start3A_2320 = arith.constant 0 : i32
      %dma_start3A_2321 = tpu.memref_slice %arg6[%dma_start3A_2318, %dma_start3A_2319, %dma_start3A_2320] : memref<8x100x64xf32, #tpu.memory_space<vmem>> -> memref<1x100x64xf32, #tpu.memory_space<vmem>>
      %dma_start3A_2322 = tpu.memref_squeeze %dma_start3A_2321 : memref<1x100x64xf32, #tpu.memory_space<vmem>> -> memref<100x64xf32, #tpu.memory_space<vmem>>
      %dma_start3A_2323 = arith.constant 0 : i32
      %dma_start3A_2324 = tpu.memref_slice %arg5[%add3A_2317, %dma_start3A_2323] : memref<256x100xi32, #tpu.memory_space<vmem>> -> memref<1x100xi32, #tpu.memory_space<vmem>>
      %dma_start3A_2325 = tpu.memref_squeeze %dma_start3A_2324 : memref<1x100xi32, #tpu.memory_space<vmem>> -> memref<100xi32, #tpu.memory_space<vmem>>
      %dma_start3A_2326 = arith.constant 0 : i32
      %dma_start3A_2327 = arith.constant 0 : i32
      %dma_start3A_2328 = tpu.memref_slice %arg2[%dma_start3A_2326, %dma_start3A_2327] : memref<100000x64xf32, #tpu.memory_space<hbm>> -> memref<100000x64xf32, #tpu.memory_space<hbm>>
      tpu.enqueue_indirect_dma source(%dma_start3A_2328 : memref<100000x64xf32, #tpu.memory_space<hbm>>) target(%dma_start3A_2322 : memref<100x64xf32, #tpu.memory_space<vmem>>) offsets(%dma_start3A_2325 : memref<100xi32, #tpu.memory_space<vmem>>) semaphore(%arg14 : memref<!tpu.dma_semaphore, #tpu.memory_space<semaphore_mem>>)
      %add3A_2329 = arith.constant 4 : i32
      %add3A_2330 = arith.addi %mul3A_1856, %add3A_2329 : i32
      %dma_wait3A_2331 = arith.constant 4 : i32
      %dma_wait3A_2332 = arith.constant 0 : i32
      %dma_wait3A_2333 = arith.constant 0 : i32
      %dma_wait3A_2334 = tpu.memref_slice %arg6[%dma_wait3A_2331, %dma_wait3A_2332, %dma_wait3A_2333] : memref<8x100x64xf32, #tpu.memory_space<vmem>> -> memref<1x100x64xf32, #tpu.memory_space<vmem>>
      %dma_wait3A_2335 = tpu.memref_squeeze %dma_wait3A_2334 : memref<1x100x64xf32, #tpu.memory_space<vmem>> -> memref<100x64xf32, #tpu.memory_space<vmem>>
      %dma_wait3A_2336 = arith.constant 0 : i32
      %dma_wait3A_2337 = tpu.memref_slice %arg5[%add3A_2330, %dma_wait3A_2336] : memref<256x100xi32, #tpu.memory_space<vmem>> -> memref<1x100xi32, #tpu.memory_space<vmem>>
      %dma_wait3A_2338 = tpu.memref_squeeze %dma_wait3A_2337 : memref<1x100xi32, #tpu.memory_space<vmem>> -> memref<100xi32, #tpu.memory_space<vmem>>
      %dma_wait3A_2339 = arith.constant 0 : i32
      %dma_wait3A_2340 = arith.constant 0 : i32
      %dma_wait3A_2341 = tpu.memref_slice %arg2[%dma_wait3A_2339, %dma_wait3A_2340] : memref<100000x64xf32, #tpu.memory_space<hbm>> -> memref<100000x64xf32, #tpu.memory_space<hbm>>
      tpu.wait_indirect_dma semaphore(%arg11 : memref<!tpu.dma_semaphore, #tpu.memory_space<semaphore_mem>>) src(%dma_wait3A_2341 : memref<100000x64xf32, #tpu.memory_space<hbm>>) dst(%dma_wait3A_2335 : memref<100x64xf32, #tpu.memory_space<vmem>>)
      %add3A_2342 = arith.addi %mul3A_2, %add3A_2330 : i32
      %jit3A_2343 = arith.constant 2 : i32
      %div3A_2344 = arith.divsi %add3A_2342, %jit3A_2343 : i32
      %sign3A_2345 = arith.constant 0 : i32
      %sign3A_2346 = arith.cmpi sgt, %add3A_2342, %sign3A_2345 : i32
      %sign3A_2347 = arith.extui %sign3A_2346 : i1 to i32
      %sign3A_2348 = arith.constant 0 : i32
      %sign3A_2349 = arith.cmpi slt, %add3A_2342, %sign3A_2348 : i32
      %sign3A_2350 = arith.extui %sign3A_2349 : i1 to i32
      %sign3A_2351 = arith.subi %sign3A_2347, %sign3A_2350 : i32
      %sign3A_2352 = arith.constant 0 : i32
      %sign3A_2353 = arith.cmpi sgt, %jit3A_2343, %sign3A_2352 : i32
      %sign3A_2354 = arith.extui %sign3A_2353 : i1 to i32
      %sign3A_2355 = arith.constant 0 : i32
      %sign3A_2356 = arith.cmpi slt, %jit3A_2343, %sign3A_2355 : i32
      %sign3A_2357 = arith.extui %sign3A_2356 : i1 to i32
      %sign3A_2358 = arith.subi %sign3A_2354, %sign3A_2357 : i32
      %ne3A_2359 = arith.cmpi ne, %sign3A_2351, %sign3A_2358 : i32
      %rem3A_2360 = arith.remsi %add3A_2342, %jit3A_2343 : i32
      %ne3A_2361 = arith.constant 0 : i32
      %ne3A_2362 = arith.cmpi ne, %rem3A_2360, %ne3A_2361 : i32
      %and3A_2363 = arith.andi %ne3A_2359, %ne3A_2362 : i1
      %sub3A_2364 = arith.constant 1 : i32
      %sub3A_2365 = arith.subi %div3A_2344, %sub3A_2364 : i32
      %select_n3A_2366 = arith.select %and3A_2363, %sub3A_2365, %div3A_2344 : i32
      %mul3A_2367 = arith.constant 2 : i32
      %mul3A_2368 = arith.muli %select_n3A_2366, %mul3A_2367 : i32
      %sub3A_2369 = arith.subi %add3A_2342, %mul3A_2368 : i32
      %mul3A_2370 = arith.constant 100 : i32
      %mul3A_2371 = arith.muli %sub3A_2369, %mul3A_2370 : i32
      %dma_start3A_2372 = arith.constant 4 : i32
      %dma_start3A_2373 = arith.constant 0 : i32
      %dma_start3A_2374 = arith.constant 0 : i32
      %dma_start3A_2375 = tpu.memref_slice %arg6[%dma_start3A_2372, %dma_start3A_2373, %dma_start3A_2374] : memref<8x100x64xf32, #tpu.memory_space<vmem>> -> memref<1x100x64xf32, #tpu.memory_space<vmem>>
      %dma_start3A_2376 = tpu.memref_squeeze %dma_start3A_2375 : memref<1x100x64xf32, #tpu.memory_space<vmem>> -> memref<100x64xf32, #tpu.memory_space<vmem>>
      %dma_start3A_2377 = arith.constant 0 : i32
      %dma_start3A_2378 = tpu.memref_slice %arg4[%select_n3A_2366, %mul3A_2371, %dma_start3A_2377] : memref<4096x200x64xf32, #tpu.memory_space<hbm>> -> memref<1x100x64xf32, #tpu.memory_space<hbm>>
      %dma_start3A_2379 = tpu.memref_squeeze %dma_start3A_2378 : memref<1x100x64xf32, #tpu.memory_space<hbm>> -> memref<100x64xf32, #tpu.memory_space<hbm>>
      %dma_start3A_2380 = arith.constant 0 : i32
      %dma_start3A_2381 = tpu.memref_slice %arg4[%select_n3A_2366, %mul3A_2371, %dma_start3A_2380] : memref<4096x200x64xf32, #tpu.memory_space<hbm>> -> memref<1x100x64xf32, #tpu.memory_space<hbm>>
      %dma_start3A_2382 = tpu.memref_squeeze %dma_start3A_2381 : memref<1x100x64xf32, #tpu.memory_space<hbm>> -> memref<100x64xf32, #tpu.memory_space<hbm>>
      %dma_start3A_2383 = arith.constant 0 : i32
      %dma_start3A_2384 = arith.constant 0 : i32
      %dma_start3A_2385 = tpu.memref_slice %arg6[%dma_start3A_2372, %dma_start3A_2383, %dma_start3A_2384] : memref<8x100x64xf32, #tpu.memory_space<vmem>> -> memref<1x100x64xf32, #tpu.memory_space<vmem>>
      %dma_start3A_2386 = tpu.memref_squeeze %dma_start3A_2385 : memref<1x100x64xf32, #tpu.memory_space<vmem>> -> memref<100x64xf32, #tpu.memory_space<vmem>>
      tpu.enqueue_dma source(%dma_start3A_2386 : memref<100x64xf32, #tpu.memory_space<vmem>>) target(%dma_start3A_2382 : memref<100x64xf32, #tpu.memory_space<hbm>>) target_semaphore(%arg19 : memref<!tpu.dma_semaphore, #tpu.memory_space<semaphore_mem>>)
      %sub3A_2387 = arith.constant 4 : i32
      %sub3A_2388 = arith.subi %add3A_2330, %sub3A_2387 : i32
      %add3A_2389 = arith.addi %mul3A_2, %sub3A_2388 : i32
      %jit3A_2390 = arith.constant 2 : i32
      %div3A_2391 = arith.divsi %add3A_2389, %jit3A_2390 : i32
      %sign3A_2392 = arith.constant 0 : i32
      %sign3A_2393 = arith.cmpi sgt, %add3A_2389, %sign3A_2392 : i32
      %sign3A_2394 = arith.extui %sign3A_2393 : i1 to i32
      %sign3A_2395 = arith.constant 0 : i32
      %sign3A_2396 = arith.cmpi slt, %add3A_2389, %sign3A_2395 : i32
      %sign3A_2397 = arith.extui %sign3A_2396 : i1 to i32
      %sign3A_2398 = arith.subi %sign3A_2394, %sign3A_2397 : i32
      %sign3A_2399 = arith.constant 0 : i32
      %sign3A_2400 = arith.cmpi sgt, %jit3A_2390, %sign3A_2399 : i32
      %sign3A_2401 = arith.extui %sign3A_2400 : i1 to i32
      %sign3A_2402 = arith.constant 0 : i32
      %sign3A_2403 = arith.cmpi slt, %jit3A_2390, %sign3A_2402 : i32
      %sign3A_2404 = arith.extui %sign3A_2403 : i1 to i32
      %sign3A_2405 = arith.subi %sign3A_2401, %sign3A_2404 : i32
      %ne3A_2406 = arith.cmpi ne, %sign3A_2398, %sign3A_2405 : i32
      %rem3A_2407 = arith.remsi %add3A_2389, %jit3A_2390 : i32
      %ne3A_2408 = arith.constant 0 : i32
      %ne3A_2409 = arith.cmpi ne, %rem3A_2407, %ne3A_2408 : i32
      %and3A_2410 = arith.andi %ne3A_2406, %ne3A_2409 : i1
      %sub3A_2411 = arith.constant 1 : i32
      %sub3A_2412 = arith.subi %div3A_2391, %sub3A_2411 : i32
      %select_n3A_2413 = arith.select %and3A_2410, %sub3A_2412, %div3A_2391 : i32
      %mul3A_2414 = arith.constant 2 : i32
      %mul3A_2415 = arith.muli %select_n3A_2413, %mul3A_2414 : i32
      %sub3A_2416 = arith.subi %add3A_2389, %mul3A_2415 : i32
      %mul3A_2417 = arith.constant 100 : i32
      %mul3A_2418 = arith.muli %sub3A_2416, %mul3A_2417 : i32
      %dma_wait3A_2419 = arith.constant 0 : i32
      %dma_wait3A_2420 = arith.constant 0 : i32
      %dma_wait3A_2421 = arith.constant 0 : i32
      %dma_wait3A_2422 = tpu.memref_slice %arg6[%dma_wait3A_2419, %dma_wait3A_2420, %dma_wait3A_2421] : memref<8x100x64xf32, #tpu.memory_space<vmem>> -> memref<1x100x64xf32, #tpu.memory_space<vmem>>
      %dma_wait3A_2423 = tpu.memref_squeeze %dma_wait3A_2422 : memref<1x100x64xf32, #tpu.memory_space<vmem>> -> memref<100x64xf32, #tpu.memory_space<vmem>>
      %dma_wait3A_2424 = arith.constant 0 : i32
      %dma_wait3A_2425 = tpu.memref_slice %arg4[%select_n3A_2413, %mul3A_2418, %dma_wait3A_2424] : memref<4096x200x64xf32, #tpu.memory_space<hbm>> -> memref<1x100x64xf32, #tpu.memory_space<hbm>>
      %dma_wait3A_2426 = tpu.memref_squeeze %dma_wait3A_2425 : memref<1x100x64xf32, #tpu.memory_space<hbm>> -> memref<100x64xf32, #tpu.memory_space<hbm>>
      %dma_wait3A_2427 = arith.constant 0 : i32
      %dma_wait3A_2428 = tpu.memref_slice %arg4[%select_n3A_2413, %mul3A_2418, %dma_wait3A_2427] : memref<4096x200x64xf32, #tpu.memory_space<hbm>> -> memref<1x100x64xf32, #tpu.memory_space<hbm>>
      %dma_wait3A_2429 = tpu.memref_squeeze %dma_wait3A_2428 : memref<1x100x64xf32, #tpu.memory_space<hbm>> -> memref<100x64xf32, #tpu.memory_space<hbm>>
      %dma_wait3A_2430 = arith.constant 0 : i32
      %dma_wait3A_2431 = arith.constant 0 : i32
      %dma_wait3A_2432 = tpu.memref_slice %arg6[%dma_wait3A_2419, %dma_wait3A_2430, %dma_wait3A_2431] : memref<8x100x64xf32, #tpu.memory_space<vmem>> -> memref<1x100x64xf32, #tpu.memory_space<vmem>>
      %dma_wait3A_2433 = tpu.memref_squeeze %dma_wait3A_2432 : memref<1x100x64xf32, #tpu.memory_space<vmem>> -> memref<100x64xf32, #tpu.memory_space<vmem>>
      tpu.wait_dma2 semaphore(%arg15 : memref<!tpu.dma_semaphore, #tpu.memory_space<semaphore_mem>>) src(%dma_wait3A_2433 : memref<100x64xf32, #tpu.memory_space<vmem>>) dst(%dma_wait3A_2429 : memref<100x64xf32, #tpu.memory_space<hbm>>)
      %add3A_2434 = arith.constant 4 : i32
      %add3A_2435 = arith.addi %add3A_2330, %add3A_2434 : i32
      %dma_start3A_2436 = arith.constant 0 : i32
      %dma_start3A_2437 = arith.constant 0 : i32
      %dma_start3A_2438 = arith.constant 0 : i32
      %dma_start3A_2439 = tpu.memref_slice %arg6[%dma_start3A_2436, %dma_start3A_2437, %dma_start3A_2438] : memref<8x100x64xf32, #tpu.memory_space<vmem>> -> memref<1x100x64xf32, #tpu.memory_space<vmem>>
      %dma_start3A_2440 = tpu.memref_squeeze %dma_start3A_2439 : memref<1x100x64xf32, #tpu.memory_space<vmem>> -> memref<100x64xf32, #tpu.memory_space<vmem>>
      %dma_start3A_2441 = arith.constant 0 : i32
      %dma_start3A_2442 = tpu.memref_slice %arg5[%add3A_2435, %dma_start3A_2441] : memref<256x100xi32, #tpu.memory_space<vmem>> -> memref<1x100xi32, #tpu.memory_space<vmem>>
      %dma_start3A_2443 = tpu.memref_squeeze %dma_start3A_2442 : memref<1x100xi32, #tpu.memory_space<vmem>> -> memref<100xi32, #tpu.memory_space<vmem>>
      %dma_start3A_2444 = arith.constant 0 : i32
      %dma_start3A_2445 = arith.constant 0 : i32
      %dma_start3A_2446 = tpu.memref_slice %arg2[%dma_start3A_2444, %dma_start3A_2445] : memref<100000x64xf32, #tpu.memory_space<hbm>> -> memref<100000x64xf32, #tpu.memory_space<hbm>>
      tpu.enqueue_indirect_dma source(%dma_start3A_2446 : memref<100000x64xf32, #tpu.memory_space<hbm>>) target(%dma_start3A_2440 : memref<100x64xf32, #tpu.memory_space<vmem>>) offsets(%dma_start3A_2443 : memref<100xi32, #tpu.memory_space<vmem>>) semaphore(%arg7 : memref<!tpu.dma_semaphore, #tpu.memory_space<semaphore_mem>>)
      %add3A_2447 = arith.constant 5 : i32
      %add3A_2448 = arith.addi %mul3A_1856, %add3A_2447 : i32
      %dma_wait3A_2449 = arith.constant 5 : i32
      %dma_wait3A_2450 = arith.constant 0 : i32
      %dma_wait3A_2451 = arith.constant 0 : i32
      %dma_wait3A_2452 = tpu.memref_slice %arg6[%dma_wait3A_2449, %dma_wait3A_2450, %dma_wait3A_2451] : memref<8x100x64xf32, #tpu.memory_space<vmem>> -> memref<1x100x64xf32, #tpu.memory_space<vmem>>
      %dma_wait3A_2453 = tpu.memref_squeeze %dma_wait3A_2452 : memref<1x100x64xf32, #tpu.memory_space<vmem>> -> memref<100x64xf32, #tpu.memory_space<vmem>>
      %dma_wait3A_2454 = arith.constant 0 : i32
      %dma_wait3A_2455 = tpu.memref_slice %arg5[%add3A_2448, %dma_wait3A_2454] : memref<256x100xi32, #tpu.memory_space<vmem>> -> memref<1x100xi32, #tpu.memory_space<vmem>>
      %dma_wait3A_2456 = tpu.memref_squeeze %dma_wait3A_2455 : memref<1x100xi32, #tpu.memory_space<vmem>> -> memref<100xi32, #tpu.memory_space<vmem>>
      %dma_wait3A_2457 = arith.constant 0 : i32
      %dma_wait3A_2458 = arith.constant 0 : i32
      %dma_wait3A_2459 = tpu.memref_slice %arg2[%dma_wait3A_2457, %dma_wait3A_2458] : memref<100000x64xf32, #tpu.memory_space<hbm>> -> memref<100000x64xf32, #tpu.memory_space<hbm>>
      tpu.wait_indirect_dma semaphore(%arg12 : memref<!tpu.dma_semaphore, #tpu.memory_space<semaphore_mem>>) src(%dma_wait3A_2459 : memref<100000x64xf32, #tpu.memory_space<hbm>>) dst(%dma_wait3A_2453 : memref<100x64xf32, #tpu.memory_space<vmem>>)
      %add3A_2460 = arith.addi %mul3A_2, %add3A_2448 : i32
      %jit3A_2461 = arith.constant 2 : i32
      %div3A_2462 = arith.divsi %add3A_2460, %jit3A_2461 : i32
      %sign3A_2463 = arith.constant 0 : i32
      %sign3A_2464 = arith.cmpi sgt, %add3A_2460, %sign3A_2463 : i32
      %sign3A_2465 = arith.extui %sign3A_2464 : i1 to i32
      %sign3A_2466 = arith.constant 0 : i32
      %sign3A_2467 = arith.cmpi slt, %add3A_2460, %sign3A_2466 : i32
      %sign3A_2468 = arith.extui %sign3A_2467 : i1 to i32
      %sign3A_2469 = arith.subi %sign3A_2465, %sign3A_2468 : i32
      %sign3A_2470 = arith.constant 0 : i32
      %sign3A_2471 = arith.cmpi sgt, %jit3A_2461, %sign3A_2470 : i32
      %sign3A_2472 = arith.extui %sign3A_2471 : i1 to i32
      %sign3A_2473 = arith.constant 0 : i32
      %sign3A_2474 = arith.cmpi slt, %jit3A_2461, %sign3A_2473 : i32
      %sign3A_2475 = arith.extui %sign3A_2474 : i1 to i32
      %sign3A_2476 = arith.subi %sign3A_2472, %sign3A_2475 : i32
      %ne3A_2477 = arith.cmpi ne, %sign3A_2469, %sign3A_2476 : i32
      %rem3A_2478 = arith.remsi %add3A_2460, %jit3A_2461 : i32
      %ne3A_2479 = arith.constant 0 : i32
      %ne3A_2480 = arith.cmpi ne, %rem3A_2478, %ne3A_2479 : i32
      %and3A_2481 = arith.andi %ne3A_2477, %ne3A_2480 : i1
      %sub3A_2482 = arith.constant 1 : i32
      %sub3A_2483 = arith.subi %div3A_2462, %sub3A_2482 : i32
      %select_n3A_2484 = arith.select %and3A_2481, %sub3A_2483, %div3A_2462 : i32
      %mul3A_2485 = arith.constant 2 : i32
      %mul3A_2486 = arith.muli %select_n3A_2484, %mul3A_2485 : i32
      %sub3A_2487 = arith.subi %add3A_2460, %mul3A_2486 : i32
      %mul3A_2488 = arith.constant 100 : i32
      %mul3A_2489 = arith.muli %sub3A_2487, %mul3A_2488 : i32
      %dma_start3A_2490 = arith.constant 5 : i32
      %dma_start3A_2491 = arith.constant 0 : i32
      %dma_start3A_2492 = arith.constant 0 : i32
      %dma_start3A_2493 = tpu.memref_slice %arg6[%dma_start3A_2490, %dma_start3A_2491, %dma_start3A_2492] : memref<8x100x64xf32, #tpu.memory_space<vmem>> -> memref<1x100x64xf32, #tpu.memory_space<vmem>>
      %dma_start3A_2494 = tpu.memref_squeeze %dma_start3A_2493 : memref<1x100x64xf32, #tpu.memory_space<vmem>> -> memref<100x64xf32, #tpu.memory_space<vmem>>
      %dma_start3A_2495 = arith.constant 0 : i32
      %dma_start3A_2496 = tpu.memref_slice %arg4[%select_n3A_2484, %mul3A_2489, %dma_start3A_2495] : memref<4096x200x64xf32, #tpu.memory_space<hbm>> -> memref<1x100x64xf32, #tpu.memory_space<hbm>>
      %dma_start3A_2497 = tpu.memref_squeeze %dma_start3A_2496 : memref<1x100x64xf32, #tpu.memory_space<hbm>> -> memref<100x64xf32, #tpu.memory_space<hbm>>
      %dma_start3A_2498 = arith.constant 0 : i32
      %dma_start3A_2499 = tpu.memref_slice %arg4[%select_n3A_2484, %mul3A_2489, %dma_start3A_2498] : memref<4096x200x64xf32, #tpu.memory_space<hbm>> -> memref<1x100x64xf32, #tpu.memory_space<hbm>>
      %dma_start3A_2500 = tpu.memref_squeeze %dma_start3A_2499 : memref<1x100x64xf32, #tpu.memory_space<hbm>> -> memref<100x64xf32, #tpu.memory_space<hbm>>
      %dma_start3A_2501 = arith.constant 0 : i32
      %dma_start3A_2502 = arith.constant 0 : i32
      %dma_start3A_2503 = tpu.memref_slice %arg6[%dma_start3A_2490, %dma_start3A_2501, %dma_start3A_2502] : memref<8x100x64xf32, #tpu.memory_space<vmem>> -> memref<1x100x64xf32, #tpu.memory_space<vmem>>
      %dma_start3A_2504 = tpu.memref_squeeze %dma_start3A_2503 : memref<1x100x64xf32, #tpu.memory_space<vmem>> -> memref<100x64xf32, #tpu.memory_space<vmem>>
      tpu.enqueue_dma source(%dma_start3A_2504 : memref<100x64xf32, #tpu.memory_space<vmem>>) target(%dma_start3A_2500 : memref<100x64xf32, #tpu.memory_space<hbm>>) target_semaphore(%arg20 : memref<!tpu.dma_semaphore, #tpu.memory_space<semaphore_mem>>)
      %sub3A_2505 = arith.constant 4 : i32
      %sub3A_2506 = arith.subi %add3A_2448, %sub3A_2505 : i32
      %add3A_2507 = arith.addi %mul3A_2, %sub3A_2506 : i32
      %jit3A_2508 = arith.constant 2 : i32
      %div3A_2509 = arith.divsi %add3A_2507, %jit3A_2508 : i32
      %sign3A_2510 = arith.constant 0 : i32
      %sign3A_2511 = arith.cmpi sgt, %add3A_2507, %sign3A_2510 : i32
      %sign3A_2512 = arith.extui %sign3A_2511 : i1 to i32
      %sign3A_2513 = arith.constant 0 : i32
      %sign3A_2514 = arith.cmpi slt, %add3A_2507, %sign3A_2513 : i32
      %sign3A_2515 = arith.extui %sign3A_2514 : i1 to i32
      %sign3A_2516 = arith.subi %sign3A_2512, %sign3A_2515 : i32
      %sign3A_2517 = arith.constant 0 : i32
      %sign3A_2518 = arith.cmpi sgt, %jit3A_2508, %sign3A_2517 : i32
      %sign3A_2519 = arith.extui %sign3A_2518 : i1 to i32
      %sign3A_2520 = arith.constant 0 : i32
      %sign3A_2521 = arith.cmpi slt, %jit3A_2508, %sign3A_2520 : i32
      %sign3A_2522 = arith.extui %sign3A_2521 : i1 to i32
      %sign3A_2523 = arith.subi %sign3A_2519, %sign3A_2522 : i32
      %ne3A_2524 = arith.cmpi ne, %sign3A_2516, %sign3A_2523 : i32
      %rem3A_2525 = arith.remsi %add3A_2507, %jit3A_2508 : i32
      %ne3A_2526 = arith.constant 0 : i32
      %ne3A_2527 = arith.cmpi ne, %rem3A_2525, %ne3A_2526 : i32
      %and3A_2528 = arith.andi %ne3A_2524, %ne3A_2527 : i1
      %sub3A_2529 = arith.constant 1 : i32
      %sub3A_2530 = arith.subi %div3A_2509, %sub3A_2529 : i32
      %select_n3A_2531 = arith.select %and3A_2528, %sub3A_2530, %div3A_2509 : i32
      %mul3A_2532 = arith.constant 2 : i32
      %mul3A_2533 = arith.muli %select_n3A_2531, %mul3A_2532 : i32
      %sub3A_2534 = arith.subi %add3A_2507, %mul3A_2533 : i32
      %mul3A_2535 = arith.constant 100 : i32
      %mul3A_2536 = arith.muli %sub3A_2534, %mul3A_2535 : i32
      %dma_wait3A_2537 = arith.constant 1 : i32
      %dma_wait3A_2538 = arith.constant 0 : i32
      %dma_wait3A_2539 = arith.constant 0 : i32
      %dma_wait3A_2540 = tpu.memref_slice %arg6[%dma_wait3A_2537, %dma_wait3A_2538, %dma_wait3A_2539] : memref<8x100x64xf32, #tpu.memory_space<vmem>> -> memref<1x100x64xf32, #tpu.memory_space<vmem>>
      %dma_wait3A_2541 = tpu.memref_squeeze %dma_wait3A_2540 : memref<1x100x64xf32, #tpu.memory_space<vmem>> -> memref<100x64xf32, #tpu.memory_space<vmem>>
      %dma_wait3A_2542 = arith.constant 0 : i32
      %dma_wait3A_2543 = tpu.memref_slice %arg4[%select_n3A_2531, %mul3A_2536, %dma_wait3A_2542] : memref<4096x200x64xf32, #tpu.memory_space<hbm>> -> memref<1x100x64xf32, #tpu.memory_space<hbm>>
      %dma_wait3A_2544 = tpu.memref_squeeze %dma_wait3A_2543 : memref<1x100x64xf32, #tpu.memory_space<hbm>> -> memref<100x64xf32, #tpu.memory_space<hbm>>
      %dma_wait3A_2545 = arith.constant 0 : i32
      %dma_wait3A_2546 = tpu.memref_slice %arg4[%select_n3A_2531, %mul3A_2536, %dma_wait3A_2545] : memref<4096x200x64xf32, #tpu.memory_space<hbm>> -> memref<1x100x64xf32, #tpu.memory_space<hbm>>
      %dma_wait3A_2547 = tpu.memref_squeeze %dma_wait3A_2546 : memref<1x100x64xf32, #tpu.memory_space<hbm>> -> memref<100x64xf32, #tpu.memory_space<hbm>>
      %dma_wait3A_2548 = arith.constant 0 : i32
      %dma_wait3A_2549 = arith.constant 0 : i32
      %dma_wait3A_2550 = tpu.memref_slice %arg6[%dma_wait3A_2537, %dma_wait3A_2548, %dma_wait3A_2549] : memref<8x100x64xf32, #tpu.memory_space<vmem>> -> memref<1x100x64xf32, #tpu.memory_space<vmem>>
      %dma_wait3A_2551 = tpu.memref_squeeze %dma_wait3A_2550 : memref<1x100x64xf32, #tpu.memory_space<vmem>> -> memref<100x64xf32, #tpu.memory_space<vmem>>
      tpu.wait_dma2 semaphore(%arg16 : memref<!tpu.dma_semaphore, #tpu.memory_space<semaphore_mem>>) src(%dma_wait3A_2551 : memref<100x64xf32, #tpu.memory_space<vmem>>) dst(%dma_wait3A_2547 : memref<100x64xf32, #tpu.memory_space<hbm>>)
      %add3A_2552 = arith.constant 4 : i32
      %add3A_2553 = arith.addi %add3A_2448, %add3A_2552 : i32
      %dma_start3A_2554 = arith.constant 1 : i32
      %dma_start3A_2555 = arith.constant 0 : i32
      %dma_start3A_2556 = arith.constant 0 : i32
      %dma_start3A_2557 = tpu.memref_slice %arg6[%dma_start3A_2554, %dma_start3A_2555, %dma_start3A_2556] : memref<8x100x64xf32, #tpu.memory_space<vmem>> -> memref<1x100x64xf32, #tpu.memory_space<vmem>>
      %dma_start3A_2558 = tpu.memref_squeeze %dma_start3A_2557 : memref<1x100x64xf32, #tpu.memory_space<vmem>> -> memref<100x64xf32, #tpu.memory_space<vmem>>
      %dma_start3A_2559 = arith.constant 0 : i32
      %dma_start3A_2560 = tpu.memref_slice %arg5[%add3A_2553, %dma_start3A_2559] : memref<256x100xi32, #tpu.memory_space<vmem>> -> memref<1x100xi32, #tpu.memory_space<vmem>>
      %dma_start3A_2561 = tpu.memref_squeeze %dma_start3A_2560 : memref<1x100xi32, #tpu.memory_space<vmem>> -> memref<100xi32, #tpu.memory_space<vmem>>
      %dma_start3A_2562 = arith.constant 0 : i32
      %dma_start3A_2563 = arith.constant 0 : i32
      %dma_start3A_2564 = tpu.memref_slice %arg2[%dma_start3A_2562, %dma_start3A_2563] : memref<100000x64xf32, #tpu.memory_space<hbm>> -> memref<100000x64xf32, #tpu.memory_space<hbm>>
      tpu.enqueue_indirect_dma source(%dma_start3A_2564 : memref<100000x64xf32, #tpu.memory_space<hbm>>) target(%dma_start3A_2558 : memref<100x64xf32, #tpu.memory_space<vmem>>) offsets(%dma_start3A_2561 : memref<100xi32, #tpu.memory_space<vmem>>) semaphore(%arg8 : memref<!tpu.dma_semaphore, #tpu.memory_space<semaphore_mem>>)
      %add3A_2565 = arith.constant 6 : i32
      %add3A_2566 = arith.addi %mul3A_1856, %add3A_2565 : i32
      %dma_wait3A_2567 = arith.constant 6 : i32
      %dma_wait3A_2568 = arith.constant 0 : i32
      %dma_wait3A_2569 = arith.constant 0 : i32
      %dma_wait3A_2570 = tpu.memref_slice %arg6[%dma_wait3A_2567, %dma_wait3A_2568, %dma_wait3A_2569] : memref<8x100x64xf32, #tpu.memory_space<vmem>> -> memref<1x100x64xf32, #tpu.memory_space<vmem>>
      %dma_wait3A_2571 = tpu.memref_squeeze %dma_wait3A_2570 : memref<1x100x64xf32, #tpu.memory_space<vmem>> -> memref<100x64xf32, #tpu.memory_space<vmem>>
      %dma_wait3A_2572 = arith.constant 0 : i32
      %dma_wait3A_2573 = tpu.memref_slice %arg5[%add3A_2566, %dma_wait3A_2572] : memref<256x100xi32, #tpu.memory_space<vmem>> -> memref<1x100xi32, #tpu.memory_space<vmem>>
      %dma_wait3A_2574 = tpu.memref_squeeze %dma_wait3A_2573 : memref<1x100xi32, #tpu.memory_space<vmem>> -> memref<100xi32, #tpu.memory_space<vmem>>
      %dma_wait3A_2575 = arith.constant 0 : i32
      %dma_wait3A_2576 = arith.constant 0 : i32
      %dma_wait3A_2577 = tpu.memref_slice %arg2[%dma_wait3A_2575, %dma_wait3A_2576] : memref<100000x64xf32, #tpu.memory_space<hbm>> -> memref<100000x64xf32, #tpu.memory_space<hbm>>
      tpu.wait_indirect_dma semaphore(%arg13 : memref<!tpu.dma_semaphore, #tpu.memory_space<semaphore_mem>>) src(%dma_wait3A_2577 : memref<100000x64xf32, #tpu.memory_space<hbm>>) dst(%dma_wait3A_2571 : memref<100x64xf32, #tpu.memory_space<vmem>>)
      %add3A_2578 = arith.addi %mul3A_2, %add3A_2566 : i32
      %jit3A_2579 = arith.constant 2 : i32
      %div3A_2580 = arith.divsi %add3A_2578, %jit3A_2579 : i32
      %sign3A_2581 = arith.constant 0 : i32
      %sign3A_2582 = arith.cmpi sgt, %add3A_2578, %sign3A_2581 : i32
      %sign3A_2583 = arith.extui %sign3A_2582 : i1 to i32
      %sign3A_2584 = arith.constant 0 : i32
      %sign3A_2585 = arith.cmpi slt, %add3A_2578, %sign3A_2584 : i32
      %sign3A_2586 = arith.extui %sign3A_2585 : i1 to i32
      %sign3A_2587 = arith.subi %sign3A_2583, %sign3A_2586 : i32
      %sign3A_2588 = arith.constant 0 : i32
      %sign3A_2589 = arith.cmpi sgt, %jit3A_2579, %sign3A_2588 : i32
      %sign3A_2590 = arith.extui %sign3A_2589 : i1 to i32
      %sign3A_2591 = arith.constant 0 : i32
      %sign3A_2592 = arith.cmpi slt, %jit3A_2579, %sign3A_2591 : i32
      %sign3A_2593 = arith.extui %sign3A_2592 : i1 to i32
      %sign3A_2594 = arith.subi %sign3A_2590, %sign3A_2593 : i32
      %ne3A_2595 = arith.cmpi ne, %sign3A_2587, %sign3A_2594 : i32
      %rem3A_2596 = arith.remsi %add3A_2578, %jit3A_2579 : i32
      %ne3A_2597 = arith.constant 0 : i32
      %ne3A_2598 = arith.cmpi ne, %rem3A_2596, %ne3A_2597 : i32
      %and3A_2599 = arith.andi %ne3A_2595, %ne3A_2598 : i1
      %sub3A_2600 = arith.constant 1 : i32
      %sub3A_2601 = arith.subi %div3A_2580, %sub3A_2600 : i32
      %select_n3A_2602 = arith.select %and3A_2599, %sub3A_2601, %div3A_2580 : i32
      %mul3A_2603 = arith.constant 2 : i32
      %mul3A_2604 = arith.muli %select_n3A_2602, %mul3A_2603 : i32
      %sub3A_2605 = arith.subi %add3A_2578, %mul3A_2604 : i32
      %mul3A_2606 = arith.constant 100 : i32
      %mul3A_2607 = arith.muli %sub3A_2605, %mul3A_2606 : i32
      %dma_start3A_2608 = arith.constant 6 : i32
      %dma_start3A_2609 = arith.constant 0 : i32
      %dma_start3A_2610 = arith.constant 0 : i32
      %dma_start3A_2611 = tpu.memref_slice %arg6[%dma_start3A_2608, %dma_start3A_2609, %dma_start3A_2610] : memref<8x100x64xf32, #tpu.memory_space<vmem>> -> memref<1x100x64xf32, #tpu.memory_space<vmem>>
      %dma_start3A_2612 = tpu.memref_squeeze %dma_start3A_2611 : memref<1x100x64xf32, #tpu.memory_space<vmem>> -> memref<100x64xf32, #tpu.memory_space<vmem>>
      %dma_start3A_2613 = arith.constant 0 : i32
      %dma_start3A_2614 = tpu.memref_slice %arg4[%select_n3A_2602, %mul3A_2607, %dma_start3A_2613] : memref<4096x200x64xf32, #tpu.memory_space<hbm>> -> memref<1x100x64xf32, #tpu.memory_space<hbm>>
      %dma_start3A_2615 = tpu.memref_squeeze %dma_start3A_2614 : memref<1x100x64xf32, #tpu.memory_space<hbm>> -> memref<100x64xf32, #tpu.memory_space<hbm>>
      %dma_start3A_2616 = arith.constant 0 : i32
      %dma_start3A_2617 = tpu.memref_slice %arg4[%select_n3A_2602, %mul3A_2607, %dma_start3A_2616] : memref<4096x200x64xf32, #tpu.memory_space<hbm>> -> memref<1x100x64xf32, #tpu.memory_space<hbm>>
      %dma_start3A_2618 = tpu.memref_squeeze %dma_start3A_2617 : memref<1x100x64xf32, #tpu.memory_space<hbm>> -> memref<100x64xf32, #tpu.memory_space<hbm>>
      %dma_start3A_2619 = arith.constant 0 : i32
      %dma_start3A_2620 = arith.constant 0 : i32
      %dma_start3A_2621 = tpu.memref_slice %arg6[%dma_start3A_2608, %dma_start3A_2619, %dma_start3A_2620] : memref<8x100x64xf32, #tpu.memory_space<vmem>> -> memref<1x100x64xf32, #tpu.memory_space<vmem>>
      %dma_start3A_2622 = tpu.memref_squeeze %dma_start3A_2621 : memref<1x100x64xf32, #tpu.memory_space<vmem>> -> memref<100x64xf32, #tpu.memory_space<vmem>>
      tpu.enqueue_dma source(%dma_start3A_2622 : memref<100x64xf32, #tpu.memory_space<vmem>>) target(%dma_start3A_2618 : memref<100x64xf32, #tpu.memory_space<hbm>>) target_semaphore(%arg21 : memref<!tpu.dma_semaphore, #tpu.memory_space<semaphore_mem>>)
      %sub3A_2623 = arith.constant 4 : i32
      %sub3A_2624 = arith.subi %add3A_2566, %sub3A_2623 : i32
      %add3A_2625 = arith.addi %mul3A_2, %sub3A_2624 : i32
      %jit3A_2626 = arith.constant 2 : i32
      %div3A_2627 = arith.divsi %add3A_2625, %jit3A_2626 : i32
      %sign3A_2628 = arith.constant 0 : i32
      %sign3A_2629 = arith.cmpi sgt, %add3A_2625, %sign3A_2628 : i32
      %sign3A_2630 = arith.extui %sign3A_2629 : i1 to i32
      %sign3A_2631 = arith.constant 0 : i32
      %sign3A_2632 = arith.cmpi slt, %add3A_2625, %sign3A_2631 : i32
      %sign3A_2633 = arith.extui %sign3A_2632 : i1 to i32
      %sign3A_2634 = arith.subi %sign3A_2630, %sign3A_2633 : i32
      %sign3A_2635 = arith.constant 0 : i32
      %sign3A_2636 = arith.cmpi sgt, %jit3A_2626, %sign3A_2635 : i32
      %sign3A_2637 = arith.extui %sign3A_2636 : i1 to i32
      %sign3A_2638 = arith.constant 0 : i32
      %sign3A_2639 = arith.cmpi slt, %jit3A_2626, %sign3A_2638 : i32
      %sign3A_2640 = arith.extui %sign3A_2639 : i1 to i32
      %sign3A_2641 = arith.subi %sign3A_2637, %sign3A_2640 : i32
      %ne3A_2642 = arith.cmpi ne, %sign3A_2634, %sign3A_2641 : i32
      %rem3A_2643 = arith.remsi %add3A_2625, %jit3A_2626 : i32
      %ne3A_2644 = arith.constant 0 : i32
      %ne3A_2645 = arith.cmpi ne, %rem3A_2643, %ne3A_2644 : i32
      %and3A_2646 = arith.andi %ne3A_2642, %ne3A_2645 : i1
      %sub3A_2647 = arith.constant 1 : i32
      %sub3A_2648 = arith.subi %div3A_2627, %sub3A_2647 : i32
      %select_n3A_2649 = arith.select %and3A_2646, %sub3A_2648, %div3A_2627 : i32
      %mul3A_2650 = arith.constant 2 : i32
      %mul3A_2651 = arith.muli %select_n3A_2649, %mul3A_2650 : i32
      %sub3A_2652 = arith.subi %add3A_2625, %mul3A_2651 : i32
      %mul3A_2653 = arith.constant 100 : i32
      %mul3A_2654 = arith.muli %sub3A_2652, %mul3A_2653 : i32
      %dma_wait3A_2655 = arith.constant 2 : i32
      %dma_wait3A_2656 = arith.constant 0 : i32
      %dma_wait3A_2657 = arith.constant 0 : i32
      %dma_wait3A_2658 = tpu.memref_slice %arg6[%dma_wait3A_2655, %dma_wait3A_2656, %dma_wait3A_2657] : memref<8x100x64xf32, #tpu.memory_space<vmem>> -> memref<1x100x64xf32, #tpu.memory_space<vmem>>
      %dma_wait3A_2659 = tpu.memref_squeeze %dma_wait3A_2658 : memref<1x100x64xf32, #tpu.memory_space<vmem>> -> memref<100x64xf32, #tpu.memory_space<vmem>>
      %dma_wait3A_2660 = arith.constant 0 : i32
      %dma_wait3A_2661 = tpu.memref_slice %arg4[%select_n3A_2649, %mul3A_2654, %dma_wait3A_2660] : memref<4096x200x64xf32, #tpu.memory_space<hbm>> -> memref<1x100x64xf32, #tpu.memory_space<hbm>>
      %dma_wait3A_2662 = tpu.memref_squeeze %dma_wait3A_2661 : memref<1x100x64xf32, #tpu.memory_space<hbm>> -> memref<100x64xf32, #tpu.memory_space<hbm>>
      %dma_wait3A_2663 = arith.constant 0 : i32
      %dma_wait3A_2664 = tpu.memref_slice %arg4[%select_n3A_2649, %mul3A_2654, %dma_wait3A_2663] : memref<4096x200x64xf32, #tpu.memory_space<hbm>> -> memref<1x100x64xf32, #tpu.memory_space<hbm>>
      %dma_wait3A_2665 = tpu.memref_squeeze %dma_wait3A_2664 : memref<1x100x64xf32, #tpu.memory_space<hbm>> -> memref<100x64xf32, #tpu.memory_space<hbm>>
      %dma_wait3A_2666 = arith.constant 0 : i32
      %dma_wait3A_2667 = arith.constant 0 : i32
      %dma_wait3A_2668 = tpu.memref_slice %arg6[%dma_wait3A_2655, %dma_wait3A_2666, %dma_wait3A_2667] : memref<8x100x64xf32, #tpu.memory_space<vmem>> -> memref<1x100x64xf32, #tpu.memory_space<vmem>>
      %dma_wait3A_2669 = tpu.memref_squeeze %dma_wait3A_2668 : memref<1x100x64xf32, #tpu.memory_space<vmem>> -> memref<100x64xf32, #tpu.memory_space<vmem>>
      tpu.wait_dma2 semaphore(%arg17 : memref<!tpu.dma_semaphore, #tpu.memory_space<semaphore_mem>>) src(%dma_wait3A_2669 : memref<100x64xf32, #tpu.memory_space<vmem>>) dst(%dma_wait3A_2665 : memref<100x64xf32, #tpu.memory_space<hbm>>)
      %add3A_2670 = arith.constant 4 : i32
      %add3A_2671 = arith.addi %add3A_2566, %add3A_2670 : i32
      %dma_start3A_2672 = arith.constant 2 : i32
      %dma_start3A_2673 = arith.constant 0 : i32
      %dma_start3A_2674 = arith.constant 0 : i32
      %dma_start3A_2675 = tpu.memref_slice %arg6[%dma_start3A_2672, %dma_start3A_2673, %dma_start3A_2674] : memref<8x100x64xf32, #tpu.memory_space<vmem>> -> memref<1x100x64xf32, #tpu.memory_space<vmem>>
      %dma_start3A_2676 = tpu.memref_squeeze %dma_start3A_2675 : memref<1x100x64xf32, #tpu.memory_space<vmem>> -> memref<100x64xf32, #tpu.memory_space<vmem>>
      %dma_start3A_2677 = arith.constant 0 : i32
      %dma_start3A_2678 = tpu.memref_slice %arg5[%add3A_2671, %dma_start3A_2677] : memref<256x100xi32, #tpu.memory_space<vmem>> -> memref<1x100xi32, #tpu.memory_space<vmem>>
      %dma_start3A_2679 = tpu.memref_squeeze %dma_start3A_2678 : memref<1x100xi32, #tpu.memory_space<vmem>> -> memref<100xi32, #tpu.memory_space<vmem>>
      %dma_start3A_2680 = arith.constant 0 : i32
      %dma_start3A_2681 = arith.constant 0 : i32
      %dma_start3A_2682 = tpu.memref_slice %arg2[%dma_start3A_2680, %dma_start3A_2681] : memref<100000x64xf32, #tpu.memory_space<hbm>> -> memref<100000x64xf32, #tpu.memory_space<hbm>>
      tpu.enqueue_indirect_dma source(%dma_start3A_2682 : memref<100000x64xf32, #tpu.memory_space<hbm>>) target(%dma_start3A_2676 : memref<100x64xf32, #tpu.memory_space<vmem>>) offsets(%dma_start3A_2679 : memref<100xi32, #tpu.memory_space<vmem>>) semaphore(%arg9 : memref<!tpu.dma_semaphore, #tpu.memory_space<semaphore_mem>>)
      %add3A_2683 = arith.constant 7 : i32
      %add3A_2684 = arith.addi %mul3A_1856, %add3A_2683 : i32
      %dma_wait3A_2685 = arith.constant 7 : i32
      %dma_wait3A_2686 = arith.constant 0 : i32
      %dma_wait3A_2687 = arith.constant 0 : i32
      %dma_wait3A_2688 = tpu.memref_slice %arg6[%dma_wait3A_2685, %dma_wait3A_2686, %dma_wait3A_2687] : memref<8x100x64xf32, #tpu.memory_space<vmem>> -> memref<1x100x64xf32, #tpu.memory_space<vmem>>
      %dma_wait3A_2689 = tpu.memref_squeeze %dma_wait3A_2688 : memref<1x100x64xf32, #tpu.memory_space<vmem>> -> memref<100x64xf32, #tpu.memory_space<vmem>>
      %dma_wait3A_2690 = arith.constant 0 : i32
      %dma_wait3A_2691 = tpu.memref_slice %arg5[%add3A_2684, %dma_wait3A_2690] : memref<256x100xi32, #tpu.memory_space<vmem>> -> memref<1x100xi32, #tpu.memory_space<vmem>>
      %dma_wait3A_2692 = tpu.memref_squeeze %dma_wait3A_2691 : memref<1x100xi32, #tpu.memory_space<vmem>> -> memref<100xi32, #tpu.memory_space<vmem>>
      %dma_wait3A_2693 = arith.constant 0 : i32
      %dma_wait3A_2694 = arith.constant 0 : i32
      %dma_wait3A_2695 = tpu.memref_slice %arg2[%dma_wait3A_2693, %dma_wait3A_2694] : memref<100000x64xf32, #tpu.memory_space<hbm>> -> memref<100000x64xf32, #tpu.memory_space<hbm>>
      tpu.wait_indirect_dma semaphore(%arg14 : memref<!tpu.dma_semaphore, #tpu.memory_space<semaphore_mem>>) src(%dma_wait3A_2695 : memref<100000x64xf32, #tpu.memory_space<hbm>>) dst(%dma_wait3A_2689 : memref<100x64xf32, #tpu.memory_space<vmem>>)
      %add3A_2696 = arith.addi %mul3A_2, %add3A_2684 : i32
      %jit3A_2697 = arith.constant 2 : i32
      %div3A_2698 = arith.divsi %add3A_2696, %jit3A_2697 : i32
      %sign3A_2699 = arith.constant 0 : i32
      %sign3A_2700 = arith.cmpi sgt, %add3A_2696, %sign3A_2699 : i32
      %sign3A_2701 = arith.extui %sign3A_2700 : i1 to i32
      %sign3A_2702 = arith.constant 0 : i32
      %sign3A_2703 = arith.cmpi slt, %add3A_2696, %sign3A_2702 : i32
      %sign3A_2704 = arith.extui %sign3A_2703 : i1 to i32
      %sign3A_2705 = arith.subi %sign3A_2701, %sign3A_2704 : i32
      %sign3A_2706 = arith.constant 0 : i32
      %sign3A_2707 = arith.cmpi sgt, %jit3A_2697, %sign3A_2706 : i32
      %sign3A_2708 = arith.extui %sign3A_2707 : i1 to i32
      %sign3A_2709 = arith.constant 0 : i32
      %sign3A_2710 = arith.cmpi slt, %jit3A_2697, %sign3A_2709 : i32
      %sign3A_2711 = arith.extui %sign3A_2710 : i1 to i32
      %sign3A_2712 = arith.subi %sign3A_2708, %sign3A_2711 : i32
      %ne3A_2713 = arith.cmpi ne, %sign3A_2705, %sign3A_2712 : i32
      %rem3A_2714 = arith.remsi %add3A_2696, %jit3A_2697 : i32
      %ne3A_2715 = arith.constant 0 : i32
      %ne3A_2716 = arith.cmpi ne, %rem3A_2714, %ne3A_2715 : i32
      %and3A_2717 = arith.andi %ne3A_2713, %ne3A_2716 : i1
      %sub3A_2718 = arith.constant 1 : i32
      %sub3A_2719 = arith.subi %div3A_2698, %sub3A_2718 : i32
      %select_n3A_2720 = arith.select %and3A_2717, %sub3A_2719, %div3A_2698 : i32
      %mul3A_2721 = arith.constant 2 : i32
      %mul3A_2722 = arith.muli %select_n3A_2720, %mul3A_2721 : i32
      %sub3A_2723 = arith.subi %add3A_2696, %mul3A_2722 : i32
      %mul3A_2724 = arith.constant 100 : i32
      %mul3A_2725 = arith.muli %sub3A_2723, %mul3A_2724 : i32
      %dma_start3A_2726 = arith.constant 7 : i32
      %dma_start3A_2727 = arith.constant 0 : i32
      %dma_start3A_2728 = arith.constant 0 : i32
      %dma_start3A_2729 = tpu.memref_slice %arg6[%dma_start3A_2726, %dma_start3A_2727, %dma_start3A_2728] : memref<8x100x64xf32, #tpu.memory_space<vmem>> -> memref<1x100x64xf32, #tpu.memory_space<vmem>>
      %dma_start3A_2730 = tpu.memref_squeeze %dma_start3A_2729 : memref<1x100x64xf32, #tpu.memory_space<vmem>> -> memref<100x64xf32, #tpu.memory_space<vmem>>
      %dma_start3A_2731 = arith.constant 0 : i32
      %dma_start3A_2732 = tpu.memref_slice %arg4[%select_n3A_2720, %mul3A_2725, %dma_start3A_2731] : memref<4096x200x64xf32, #tpu.memory_space<hbm>> -> memref<1x100x64xf32, #tpu.memory_space<hbm>>
      %dma_start3A_2733 = tpu.memref_squeeze %dma_start3A_2732 : memref<1x100x64xf32, #tpu.memory_space<hbm>> -> memref<100x64xf32, #tpu.memory_space<hbm>>
      %dma_start3A_2734 = arith.constant 0 : i32
      %dma_start3A_2735 = tpu.memref_slice %arg4[%select_n3A_2720, %mul3A_2725, %dma_start3A_2734] : memref<4096x200x64xf32, #tpu.memory_space<hbm>> -> memref<1x100x64xf32, #tpu.memory_space<hbm>>
      %dma_start3A_2736 = tpu.memref_squeeze %dma_start3A_2735 : memref<1x100x64xf32, #tpu.memory_space<hbm>> -> memref<100x64xf32, #tpu.memory_space<hbm>>
      %dma_start3A_2737 = arith.constant 0 : i32
      %dma_start3A_2738 = arith.constant 0 : i32
      %dma_start3A_2739 = tpu.memref_slice %arg6[%dma_start3A_2726, %dma_start3A_2737, %dma_start3A_2738] : memref<8x100x64xf32, #tpu.memory_space<vmem>> -> memref<1x100x64xf32, #tpu.memory_space<vmem>>
      %dma_start3A_2740 = tpu.memref_squeeze %dma_start3A_2739 : memref<1x100x64xf32, #tpu.memory_space<vmem>> -> memref<100x64xf32, #tpu.memory_space<vmem>>
      tpu.enqueue_dma source(%dma_start3A_2740 : memref<100x64xf32, #tpu.memory_space<vmem>>) target(%dma_start3A_2736 : memref<100x64xf32, #tpu.memory_space<hbm>>) target_semaphore(%arg22 : memref<!tpu.dma_semaphore, #tpu.memory_space<semaphore_mem>>)
      %sub3A_2741 = arith.constant 4 : i32
      %sub3A_2742 = arith.subi %add3A_2684, %sub3A_2741 : i32
      %add3A_2743 = arith.addi %mul3A_2, %sub3A_2742 : i32
      %jit3A_2744 = arith.constant 2 : i32
      %div3A_2745 = arith.divsi %add3A_2743, %jit3A_2744 : i32
      %sign3A_2746 = arith.constant 0 : i32
      %sign3A_2747 = arith.cmpi sgt, %add3A_2743, %sign3A_2746 : i32
      %sign3A_2748 = arith.extui %sign3A_2747 : i1 to i32
      %sign3A_2749 = arith.constant 0 : i32
      %sign3A_2750 = arith.cmpi slt, %add3A_2743, %sign3A_2749 : i32
      %sign3A_2751 = arith.extui %sign3A_2750 : i1 to i32
      %sign3A_2752 = arith.subi %sign3A_2748, %sign3A_2751 : i32
      %sign3A_2753 = arith.constant 0 : i32
      %sign3A_2754 = arith.cmpi sgt, %jit3A_2744, %sign3A_2753 : i32
      %sign3A_2755 = arith.extui %sign3A_2754 : i1 to i32
      %sign3A_2756 = arith.constant 0 : i32
      %sign3A_2757 = arith.cmpi slt, %jit3A_2744, %sign3A_2756 : i32
      %sign3A_2758 = arith.extui %sign3A_2757 : i1 to i32
      %sign3A_2759 = arith.subi %sign3A_2755, %sign3A_2758 : i32
      %ne3A_2760 = arith.cmpi ne, %sign3A_2752, %sign3A_2759 : i32
      %rem3A_2761 = arith.remsi %add3A_2743, %jit3A_2744 : i32
      %ne3A_2762 = arith.constant 0 : i32
      %ne3A_2763 = arith.cmpi ne, %rem3A_2761, %ne3A_2762 : i32
      %and3A_2764 = arith.andi %ne3A_2760, %ne3A_2763 : i1
      %sub3A_2765 = arith.constant 1 : i32
      %sub3A_2766 = arith.subi %div3A_2745, %sub3A_2765 : i32
      %select_n3A_2767 = arith.select %and3A_2764, %sub3A_2766, %div3A_2745 : i32
      %mul3A_2768 = arith.constant 2 : i32
      %mul3A_2769 = arith.muli %select_n3A_2767, %mul3A_2768 : i32
      %sub3A_2770 = arith.subi %add3A_2743, %mul3A_2769 : i32
      %mul3A_2771 = arith.constant 100 : i32
      %mul3A_2772 = arith.muli %sub3A_2770, %mul3A_2771 : i32
      %dma_wait3A_2773 = arith.constant 3 : i32
      %dma_wait3A_2774 = arith.constant 0 : i32
      %dma_wait3A_2775 = arith.constant 0 : i32
      %dma_wait3A_2776 = tpu.memref_slice %arg6[%dma_wait3A_2773, %dma_wait3A_2774, %dma_wait3A_2775] : memref<8x100x64xf32, #tpu.memory_space<vmem>> -> memref<1x100x64xf32, #tpu.memory_space<vmem>>
      %dma_wait3A_2777 = tpu.memref_squeeze %dma_wait3A_2776 : memref<1x100x64xf32, #tpu.memory_space<vmem>> -> memref<100x64xf32, #tpu.memory_space<vmem>>
      %dma_wait3A_2778 = arith.constant 0 : i32
      %dma_wait3A_2779 = tpu.memref_slice %arg4[%select_n3A_2767, %mul3A_2772, %dma_wait3A_2778] : memref<4096x200x64xf32, #tpu.memory_space<hbm>> -> memref<1x100x64xf32, #tpu.memory_space<hbm>>
      %dma_wait3A_2780 = tpu.memref_squeeze %dma_wait3A_2779 : memref<1x100x64xf32, #tpu.memory_space<hbm>> -> memref<100x64xf32, #tpu.memory_space<hbm>>
      %dma_wait3A_2781 = arith.constant 0 : i32
      %dma_wait3A_2782 = tpu.memref_slice %arg4[%select_n3A_2767, %mul3A_2772, %dma_wait3A_2781] : memref<4096x200x64xf32, #tpu.memory_space<hbm>> -> memref<1x100x64xf32, #tpu.memory_space<hbm>>
      %dma_wait3A_2783 = tpu.memref_squeeze %dma_wait3A_2782 : memref<1x100x64xf32, #tpu.memory_space<hbm>> -> memref<100x64xf32, #tpu.memory_space<hbm>>
      %dma_wait3A_2784 = arith.constant 0 : i32
      %dma_wait3A_2785 = arith.constant 0 : i32
      %dma_wait3A_2786 = tpu.memref_slice %arg6[%dma_wait3A_2773, %dma_wait3A_2784, %dma_wait3A_2785] : memref<8x100x64xf32, #tpu.memory_space<vmem>> -> memref<1x100x64xf32, #tpu.memory_space<vmem>>
      %dma_wait3A_2787 = tpu.memref_squeeze %dma_wait3A_2786 : memref<1x100x64xf32, #tpu.memory_space<vmem>> -> memref<100x64xf32, #tpu.memory_space<vmem>>
      tpu.wait_dma2 semaphore(%arg18 : memref<!tpu.dma_semaphore, #tpu.memory_space<semaphore_mem>>) src(%dma_wait3A_2787 : memref<100x64xf32, #tpu.memory_space<vmem>>) dst(%dma_wait3A_2783 : memref<100x64xf32, #tpu.memory_space<hbm>>)
      %add3A_2788 = arith.constant 4 : i32
      %add3A_2789 = arith.addi %add3A_2684, %add3A_2788 : i32
      %dma_start3A_2790 = arith.constant 3 : i32
      %dma_start3A_2791 = arith.constant 0 : i32
      %dma_start3A_2792 = arith.constant 0 : i32
      %dma_start3A_2793 = tpu.memref_slice %arg6[%dma_start3A_2790, %dma_start3A_2791, %dma_start3A_2792] : memref<8x100x64xf32, #tpu.memory_space<vmem>> -> memref<1x100x64xf32, #tpu.memory_space<vmem>>
      %dma_start3A_2794 = tpu.memref_squeeze %dma_start3A_2793 : memref<1x100x64xf32, #tpu.memory_space<vmem>> -> memref<100x64xf32, #tpu.memory_space<vmem>>
      %dma_start3A_2795 = arith.constant 0 : i32
      %dma_start3A_2796 = tpu.memref_slice %arg5[%add3A_2789, %dma_start3A_2795] : memref<256x100xi32, #tpu.memory_space<vmem>> -> memref<1x100xi32, #tpu.memory_space<vmem>>
      %dma_start3A_2797 = tpu.memref_squeeze %dma_start3A_2796 : memref<1x100xi32, #tpu.memory_space<vmem>> -> memref<100xi32, #tpu.memory_space<vmem>>
      %dma_start3A_2798 = arith.constant 0 : i32
      %dma_start3A_2799 = arith.constant 0 : i32
      %dma_start3A_2800 = tpu.memref_slice %arg2[%dma_start3A_2798, %dma_start3A_2799] : memref<100000x64xf32, #tpu.memory_space<hbm>> -> memref<100000x64xf32, #tpu.memory_space<hbm>>
      tpu.enqueue_indirect_dma source(%dma_start3A_2800 : memref<100000x64xf32, #tpu.memory_space<hbm>>) target(%dma_start3A_2794 : memref<100x64xf32, #tpu.memory_space<vmem>>) offsets(%dma_start3A_2797 : memref<100xi32, #tpu.memory_space<vmem>>) semaphore(%arg10 : memref<!tpu.dma_semaphore, #tpu.memory_space<semaphore_mem>>)
    }
    %scan3A_789 = arith.constant 30 : i32
    %dma_wait3A_790 = arith.constant 248 : i32
    %dma_wait3A_791 = arith.constant 0 : i32
    %dma_wait3A_792 = arith.constant 0 : i32
    %dma_wait3A_793 = arith.constant 0 : i32
    %dma_wait3A_794 = tpu.memref_slice %arg6[%dma_wait3A_791, %dma_wait3A_792, %dma_wait3A_793] : memref<8x100x64xf32, #tpu.memory_space<vmem>> -> memref<1x100x64xf32, #tpu.memory_space<vmem>>
    %dma_wait3A_795 = tpu.memref_squeeze %dma_wait3A_794 : memref<1x100x64xf32, #tpu.memory_space<vmem>> -> memref<100x64xf32, #tpu.memory_space<vmem>>
    %dma_wait3A_796 = arith.constant 0 : i32
    %dma_wait3A_797 = tpu.memref_slice %arg5[%dma_wait3A_790, %dma_wait3A_796] : memref<256x100xi32, #tpu.memory_space<vmem>> -> memref<1x100xi32, #tpu.memory_space<vmem>>
    %dma_wait3A_798 = tpu.memref_squeeze %dma_wait3A_797 : memref<1x100xi32, #tpu.memory_space<vmem>> -> memref<100xi32, #tpu.memory_space<vmem>>
    %dma_wait3A_799 = arith.constant 0 : i32
    %dma_wait3A_800 = arith.constant 0 : i32
    %dma_wait3A_801 = tpu.memref_slice %arg2[%dma_wait3A_799, %dma_wait3A_800] : memref<100000x64xf32, #tpu.memory_space<hbm>> -> memref<100000x64xf32, #tpu.memory_space<hbm>>
    tpu.wait_indirect_dma semaphore(%arg7 : memref<!tpu.dma_semaphore, #tpu.memory_space<semaphore_mem>>) src(%dma_wait3A_801 : memref<100000x64xf32, #tpu.memory_space<hbm>>) dst(%dma_wait3A_795 : memref<100x64xf32, #tpu.memory_space<vmem>>)
    %add3A_802 = arith.constant 248 : i32
    %add3A_803 = arith.addi %mul3A_2, %add3A_802 : i32
    %jit3A_804 = arith.constant 2 : i32
    %div3A_805 = arith.divsi %add3A_803, %jit3A_804 : i32
    %sign3A_806 = arith.constant 0 : i32
    %sign3A_807 = arith.cmpi sgt, %add3A_803, %sign3A_806 : i32
    %sign3A_808 = arith.extui %sign3A_807 : i1 to i32
    %sign3A_809 = arith.constant 0 : i32
    %sign3A_810 = arith.cmpi slt, %add3A_803, %sign3A_809 : i32
    %sign3A_811 = arith.extui %sign3A_810 : i1 to i32
    %sign3A_812 = arith.subi %sign3A_808, %sign3A_811 : i32
    %sign3A_813 = arith.constant 0 : i32
    %sign3A_814 = arith.cmpi sgt, %jit3A_804, %sign3A_813 : i32
    %sign3A_815 = arith.extui %sign3A_814 : i1 to i32
    %sign3A_816 = arith.constant 0 : i32
    %sign3A_817 = arith.cmpi slt, %jit3A_804, %sign3A_816 : i32
    %sign3A_818 = arith.extui %sign3A_817 : i1 to i32
    %sign3A_819 = arith.subi %sign3A_815, %sign3A_818 : i32
    %ne3A_820 = arith.cmpi ne, %sign3A_812, %sign3A_819 : i32
    %rem3A_821 = arith.remsi %add3A_803, %jit3A_804 : i32
    %ne3A_822 = arith.constant 0 : i32
    %ne3A_823 = arith.cmpi ne, %rem3A_821, %ne3A_822 : i32
    %and3A_824 = arith.andi %ne3A_820, %ne3A_823 : i1
    %sub3A_825 = arith.constant 1 : i32
    %sub3A_826 = arith.subi %div3A_805, %sub3A_825 : i32
    %select_n3A_827 = arith.select %and3A_824, %sub3A_826, %div3A_805 : i32
    %mul3A_828 = arith.constant 2 : i32
    %mul3A_829 = arith.muli %select_n3A_827, %mul3A_828 : i32
    %sub3A_830 = arith.subi %add3A_803, %mul3A_829 : i32
    %mul3A_831 = arith.constant 100 : i32
    %mul3A_832 = arith.muli %sub3A_830, %mul3A_831 : i32
    %dma_start3A_833 = arith.constant 0 : i32
    %dma_start3A_834 = arith.constant 0 : i32
    %dma_start3A_835 = arith.constant 0 : i32
    %dma_start3A_836 = tpu.memref_slice %arg6[%dma_start3A_833, %dma_start3A_834, %dma_start3A_835] : memref<8x100x64xf32, #tpu.memory_space<vmem>> -> memref<1x100x64xf32, #tpu.memory_space<vmem>>
    %dma_start3A_837 = tpu.memref_squeeze %dma_start3A_836 : memref<1x100x64xf32, #tpu.memory_space<vmem>> -> memref<100x64xf32, #tpu.memory_space<vmem>>
    %dma_start3A_838 = arith.constant 0 : i32
    %dma_start3A_839 = tpu.memref_slice %arg4[%select_n3A_827, %mul3A_832, %dma_start3A_838] : memref<4096x200x64xf32, #tpu.memory_space<hbm>> -> memref<1x100x64xf32, #tpu.memory_space<hbm>>
    %dma_start3A_840 = tpu.memref_squeeze %dma_start3A_839 : memref<1x100x64xf32, #tpu.memory_space<hbm>> -> memref<100x64xf32, #tpu.memory_space<hbm>>
    %dma_start3A_841 = arith.constant 0 : i32
    %dma_start3A_842 = tpu.memref_slice %arg4[%select_n3A_827, %mul3A_832, %dma_start3A_841] : memref<4096x200x64xf32, #tpu.memory_space<hbm>> -> memref<1x100x64xf32, #tpu.memory_space<hbm>>
    %dma_start3A_843 = tpu.memref_squeeze %dma_start3A_842 : memref<1x100x64xf32, #tpu.memory_space<hbm>> -> memref<100x64xf32, #tpu.memory_space<hbm>>
    %dma_start3A_844 = arith.constant 0 : i32
    %dma_start3A_845 = arith.constant 0 : i32
    %dma_start3A_846 = tpu.memref_slice %arg6[%dma_start3A_833, %dma_start3A_844, %dma_start3A_845] : memref<8x100x64xf32, #tpu.memory_space<vmem>> -> memref<1x100x64xf32, #tpu.memory_space<vmem>>
    %dma_start3A_847 = tpu.memref_squeeze %dma_start3A_846 : memref<1x100x64xf32, #tpu.memory_space<vmem>> -> memref<100x64xf32, #tpu.memory_space<vmem>>
    tpu.enqueue_dma source(%dma_start3A_847 : memref<100x64xf32, #tpu.memory_space<vmem>>) target(%dma_start3A_843 : memref<100x64xf32, #tpu.memory_space<hbm>>) target_semaphore(%arg15 : memref<!tpu.dma_semaphore, #tpu.memory_space<semaphore_mem>>)
    %add3A_848 = arith.constant 244 : i32
    %add3A_849 = arith.addi %mul3A_2, %add3A_848 : i32
    %jit3A_850 = arith.constant 2 : i32
    %div3A_851 = arith.divsi %add3A_849, %jit3A_850 : i32
    %sign3A_852 = arith.constant 0 : i32
    %sign3A_853 = arith.cmpi sgt, %add3A_849, %sign3A_852 : i32
    %sign3A_854 = arith.extui %sign3A_853 : i1 to i32
    %sign3A_855 = arith.constant 0 : i32
    %sign3A_856 = arith.cmpi slt, %add3A_849, %sign3A_855 : i32
    %sign3A_857 = arith.extui %sign3A_856 : i1 to i32
    %sign3A_858 = arith.subi %sign3A_854, %sign3A_857 : i32
    %sign3A_859 = arith.constant 0 : i32
    %sign3A_860 = arith.cmpi sgt, %jit3A_850, %sign3A_859 : i32
    %sign3A_861 = arith.extui %sign3A_860 : i1 to i32
    %sign3A_862 = arith.constant 0 : i32
    %sign3A_863 = arith.cmpi slt, %jit3A_850, %sign3A_862 : i32
    %sign3A_864 = arith.extui %sign3A_863 : i1 to i32
    %sign3A_865 = arith.subi %sign3A_861, %sign3A_864 : i32
    %ne3A_866 = arith.cmpi ne, %sign3A_858, %sign3A_865 : i32
    %rem3A_867 = arith.remsi %add3A_849, %jit3A_850 : i32
    %ne3A_868 = arith.constant 0 : i32
    %ne3A_869 = arith.cmpi ne, %rem3A_867, %ne3A_868 : i32
    %and3A_870 = arith.andi %ne3A_866, %ne3A_869 : i1
    %sub3A_871 = arith.constant 1 : i32
    %sub3A_872 = arith.subi %div3A_851, %sub3A_871 : i32
    %select_n3A_873 = arith.select %and3A_870, %sub3A_872, %div3A_851 : i32
    %mul3A_874 = arith.constant 2 : i32
    %mul3A_875 = arith.muli %select_n3A_873, %mul3A_874 : i32
    %sub3A_876 = arith.subi %add3A_849, %mul3A_875 : i32
    %mul3A_877 = arith.constant 100 : i32
    %mul3A_878 = arith.muli %sub3A_876, %mul3A_877 : i32
    %dma_wait3A_879 = arith.constant 4 : i32
    %dma_wait3A_880 = arith.constant 0 : i32
    %dma_wait3A_881 = arith.constant 0 : i32
    %dma_wait3A_882 = tpu.memref_slice %arg6[%dma_wait3A_879, %dma_wait3A_880, %dma_wait3A_881] : memref<8x100x64xf32, #tpu.memory_space<vmem>> -> memref<1x100x64xf32, #tpu.memory_space<vmem>>
    %dma_wait3A_883 = tpu.memref_squeeze %dma_wait3A_882 : memref<1x100x64xf32, #tpu.memory_space<vmem>> -> memref<100x64xf32, #tpu.memory_space<vmem>>
    %dma_wait3A_884 = arith.constant 0 : i32
    %dma_wait3A_885 = tpu.memref_slice %arg4[%select_n3A_873, %mul3A_878, %dma_wait3A_884] : memref<4096x200x64xf32, #tpu.memory_space<hbm>> -> memref<1x100x64xf32, #tpu.memory_space<hbm>>
    %dma_wait3A_886 = tpu.memref_squeeze %dma_wait3A_885 : memref<1x100x64xf32, #tpu.memory_space<hbm>> -> memref<100x64xf32, #tpu.memory_space<hbm>>
    %dma_wait3A_887 = arith.constant 0 : i32
    %dma_wait3A_888 = tpu.memref_slice %arg4[%select_n3A_873, %mul3A_878, %dma_wait3A_887] : memref<4096x200x64xf32, #tpu.memory_space<hbm>> -> memref<1x100x64xf32, #tpu.memory_space<hbm>>
    %dma_wait3A_889 = tpu.memref_squeeze %dma_wait3A_888 : memref<1x100x64xf32, #tpu.memory_space<hbm>> -> memref<100x64xf32, #tpu.memory_space<hbm>>
    %dma_wait3A_890 = arith.constant 0 : i32
    %dma_wait3A_891 = arith.constant 0 : i32
    %dma_wait3A_892 = tpu.memref_slice %arg6[%dma_wait3A_879, %dma_wait3A_890, %dma_wait3A_891] : memref<8x100x64xf32, #tpu.memory_space<vmem>> -> memref<1x100x64xf32, #tpu.memory_space<vmem>>
    %dma_wait3A_893 = tpu.memref_squeeze %dma_wait3A_892 : memref<1x100x64xf32, #tpu.memory_space<vmem>> -> memref<100x64xf32, #tpu.memory_space<vmem>>
    tpu.wait_dma2 semaphore(%arg19 : memref<!tpu.dma_semaphore, #tpu.memory_space<semaphore_mem>>) src(%dma_wait3A_893 : memref<100x64xf32, #tpu.memory_space<vmem>>) dst(%dma_wait3A_889 : memref<100x64xf32, #tpu.memory_space<hbm>>)
    %dma_start3A_894 = arith.constant 252 : i32
    %dma_start3A_895 = arith.constant 4 : i32
    %dma_start3A_896 = arith.constant 0 : i32
    %dma_start3A_897 = arith.constant 0 : i32
    %dma_start3A_898 = tpu.memref_slice %arg6[%dma_start3A_895, %dma_start3A_896, %dma_start3A_897] : memref<8x100x64xf32, #tpu.memory_space<vmem>> -> memref<1x100x64xf32, #tpu.memory_space<vmem>>
    %dma_start3A_899 = tpu.memref_squeeze %dma_start3A_898 : memref<1x100x64xf32, #tpu.memory_space<vmem>> -> memref<100x64xf32, #tpu.memory_space<vmem>>
    %dma_start3A_900 = arith.constant 0 : i32
    %dma_start3A_901 = tpu.memref_slice %arg5[%dma_start3A_894, %dma_start3A_900] : memref<256x100xi32, #tpu.memory_space<vmem>> -> memref<1x100xi32, #tpu.memory_space<vmem>>
    %dma_start3A_902 = tpu.memref_squeeze %dma_start3A_901 : memref<1x100xi32, #tpu.memory_space<vmem>> -> memref<100xi32, #tpu.memory_space<vmem>>
    %dma_start3A_903 = arith.constant 0 : i32
    %dma_start3A_904 = arith.constant 0 : i32
    %dma_start3A_905 = tpu.memref_slice %arg2[%dma_start3A_903, %dma_start3A_904] : memref<100000x64xf32, #tpu.memory_space<hbm>> -> memref<100000x64xf32, #tpu.memory_space<hbm>>
    tpu.enqueue_indirect_dma source(%dma_start3A_905 : memref<100000x64xf32, #tpu.memory_space<hbm>>) target(%dma_start3A_899 : memref<100x64xf32, #tpu.memory_space<vmem>>) offsets(%dma_start3A_902 : memref<100xi32, #tpu.memory_space<vmem>>) semaphore(%arg11 : memref<!tpu.dma_semaphore, #tpu.memory_space<semaphore_mem>>)
    %dma_wait3A_906 = arith.constant 249 : i32
    %dma_wait3A_907 = arith.constant 1 : i32
    %dma_wait3A_908 = arith.constant 0 : i32
    %dma_wait3A_909 = arith.constant 0 : i32
    %dma_wait3A_910 = tpu.memref_slice %arg6[%dma_wait3A_907, %dma_wait3A_908, %dma_wait3A_909] : memref<8x100x64xf32, #tpu.memory_space<vmem>> -> memref<1x100x64xf32, #tpu.memory_space<vmem>>
    %dma_wait3A_911 = tpu.memref_squeeze %dma_wait3A_910 : memref<1x100x64xf32, #tpu.memory_space<vmem>> -> memref<100x64xf32, #tpu.memory_space<vmem>>
    %dma_wait3A_912 = arith.constant 0 : i32
    %dma_wait3A_913 = tpu.memref_slice %arg5[%dma_wait3A_906, %dma_wait3A_912] : memref<256x100xi32, #tpu.memory_space<vmem>> -> memref<1x100xi32, #tpu.memory_space<vmem>>
    %dma_wait3A_914 = tpu.memref_squeeze %dma_wait3A_913 : memref<1x100xi32, #tpu.memory_space<vmem>> -> memref<100xi32, #tpu.memory_space<vmem>>
    %dma_wait3A_915 = arith.constant 0 : i32
    %dma_wait3A_916 = arith.constant 0 : i32
    %dma_wait3A_917 = tpu.memref_slice %arg2[%dma_wait3A_915, %dma_wait3A_916] : memref<100000x64xf32, #tpu.memory_space<hbm>> -> memref<100000x64xf32, #tpu.memory_space<hbm>>
    tpu.wait_indirect_dma semaphore(%arg8 : memref<!tpu.dma_semaphore, #tpu.memory_space<semaphore_mem>>) src(%dma_wait3A_917 : memref<100000x64xf32, #tpu.memory_space<hbm>>) dst(%dma_wait3A_911 : memref<100x64xf32, #tpu.memory_space<vmem>>)
    %add3A_918 = arith.constant 249 : i32
    %add3A_919 = arith.addi %mul3A_2, %add3A_918 : i32
    %jit3A_920 = arith.constant 2 : i32
    %div3A_921 = arith.divsi %add3A_919, %jit3A_920 : i32
    %sign3A_922 = arith.constant 0 : i32
    %sign3A_923 = arith.cmpi sgt, %add3A_919, %sign3A_922 : i32
    %sign3A_924 = arith.extui %sign3A_923 : i1 to i32
    %sign3A_925 = arith.constant 0 : i32
    %sign3A_926 = arith.cmpi slt, %add3A_919, %sign3A_925 : i32
    %sign3A_927 = arith.extui %sign3A_926 : i1 to i32
    %sign3A_928 = arith.subi %sign3A_924, %sign3A_927 : i32
    %sign3A_929 = arith.constant 0 : i32
    %sign3A_930 = arith.cmpi sgt, %jit3A_920, %sign3A_929 : i32
    %sign3A_931 = arith.extui %sign3A_930 : i1 to i32
    %sign3A_932 = arith.constant 0 : i32
    %sign3A_933 = arith.cmpi slt, %jit3A_920, %sign3A_932 : i32
    %sign3A_934 = arith.extui %sign3A_933 : i1 to i32
    %sign3A_935 = arith.subi %sign3A_931, %sign3A_934 : i32
    %ne3A_936 = arith.cmpi ne, %sign3A_928, %sign3A_935 : i32
    %rem3A_937 = arith.remsi %add3A_919, %jit3A_920 : i32
    %ne3A_938 = arith.constant 0 : i32
    %ne3A_939 = arith.cmpi ne, %rem3A_937, %ne3A_938 : i32
    %and3A_940 = arith.andi %ne3A_936, %ne3A_939 : i1
    %sub3A_941 = arith.constant 1 : i32
    %sub3A_942 = arith.subi %div3A_921, %sub3A_941 : i32
    %select_n3A_943 = arith.select %and3A_940, %sub3A_942, %div3A_921 : i32
    %mul3A_944 = arith.constant 2 : i32
    %mul3A_945 = arith.muli %select_n3A_943, %mul3A_944 : i32
    %sub3A_946 = arith.subi %add3A_919, %mul3A_945 : i32
    %mul3A_947 = arith.constant 100 : i32
    %mul3A_948 = arith.muli %sub3A_946, %mul3A_947 : i32
    %dma_start3A_949 = arith.constant 1 : i32
    %dma_start3A_950 = arith.constant 0 : i32
    %dma_start3A_951 = arith.constant 0 : i32
    %dma_start3A_952 = tpu.memref_slice %arg6[%dma_start3A_949, %dma_start3A_950, %dma_start3A_951] : memref<8x100x64xf32, #tpu.memory_space<vmem>> -> memref<1x100x64xf32, #tpu.memory_space<vmem>>
    %dma_start3A_953 = tpu.memref_squeeze %dma_start3A_952 : memref<1x100x64xf32, #tpu.memory_space<vmem>> -> memref<100x64xf32, #tpu.memory_space<vmem>>
    %dma_start3A_954 = arith.constant 0 : i32
    %dma_start3A_955 = tpu.memref_slice %arg4[%select_n3A_943, %mul3A_948, %dma_start3A_954] : memref<4096x200x64xf32, #tpu.memory_space<hbm>> -> memref<1x100x64xf32, #tpu.memory_space<hbm>>
    %dma_start3A_956 = tpu.memref_squeeze %dma_start3A_955 : memref<1x100x64xf32, #tpu.memory_space<hbm>> -> memref<100x64xf32, #tpu.memory_space<hbm>>
    %dma_start3A_957 = arith.constant 0 : i32
    %dma_start3A_958 = tpu.memref_slice %arg4[%select_n3A_943, %mul3A_948, %dma_start3A_957] : memref<4096x200x64xf32, #tpu.memory_space<hbm>> -> memref<1x100x64xf32, #tpu.memory_space<hbm>>
    %dma_start3A_959 = tpu.memref_squeeze %dma_start3A_958 : memref<1x100x64xf32, #tpu.memory_space<hbm>> -> memref<100x64xf32, #tpu.memory_space<hbm>>
    %dma_start3A_960 = arith.constant 0 : i32
    %dma_start3A_961 = arith.constant 0 : i32
    %dma_start3A_962 = tpu.memref_slice %arg6[%dma_start3A_949, %dma_start3A_960, %dma_start3A_961] : memref<8x100x64xf32, #tpu.memory_space<vmem>> -> memref<1x100x64xf32, #tpu.memory_space<vmem>>
    %dma_start3A_963 = tpu.memref_squeeze %dma_start3A_962 : memref<1x100x64xf32, #tpu.memory_space<vmem>> -> memref<100x64xf32, #tpu.memory_space<vmem>>
    tpu.enqueue_dma source(%dma_start3A_963 : memref<100x64xf32, #tpu.memory_space<vmem>>) target(%dma_start3A_959 : memref<100x64xf32, #tpu.memory_space<hbm>>) target_semaphore(%arg16 : memref<!tpu.dma_semaphore, #tpu.memory_space<semaphore_mem>>)
    %add3A_964 = arith.constant 245 : i32
    %add3A_965 = arith.addi %mul3A_2, %add3A_964 : i32
    %jit3A_966 = arith.constant 2 : i32
    %div3A_967 = arith.divsi %add3A_965, %jit3A_966 : i32
    %sign3A_968 = arith.constant 0 : i32
    %sign3A_969 = arith.cmpi sgt, %add3A_965, %sign3A_968 : i32
    %sign3A_970 = arith.extui %sign3A_969 : i1 to i32
    %sign3A_971 = arith.constant 0 : i32
    %sign3A_972 = arith.cmpi slt, %add3A_965, %sign3A_971 : i32
    %sign3A_973 = arith.extui %sign3A_972 : i1 to i32
    %sign3A_974 = arith.subi %sign3A_970, %sign3A_973 : i32
    %sign3A_975 = arith.constant 0 : i32
    %sign3A_976 = arith.cmpi sgt, %jit3A_966, %sign3A_975 : i32
    %sign3A_977 = arith.extui %sign3A_976 : i1 to i32
    %sign3A_978 = arith.constant 0 : i32
    %sign3A_979 = arith.cmpi slt, %jit3A_966, %sign3A_978 : i32
    %sign3A_980 = arith.extui %sign3A_979 : i1 to i32
    %sign3A_981 = arith.subi %sign3A_977, %sign3A_980 : i32
    %ne3A_982 = arith.cmpi ne, %sign3A_974, %sign3A_981 : i32
    %rem3A_983 = arith.remsi %add3A_965, %jit3A_966 : i32
    %ne3A_984 = arith.constant 0 : i32
    %ne3A_985 = arith.cmpi ne, %rem3A_983, %ne3A_984 : i32
    %and3A_986 = arith.andi %ne3A_982, %ne3A_985 : i1
    %sub3A_987 = arith.constant 1 : i32
    %sub3A_988 = arith.subi %div3A_967, %sub3A_987 : i32
    %select_n3A_989 = arith.select %and3A_986, %sub3A_988, %div3A_967 : i32
    %mul3A_990 = arith.constant 2 : i32
    %mul3A_991 = arith.muli %select_n3A_989, %mul3A_990 : i32
    %sub3A_992 = arith.subi %add3A_965, %mul3A_991 : i32
    %mul3A_993 = arith.constant 100 : i32
    %mul3A_994 = arith.muli %sub3A_992, %mul3A_993 : i32
    %dma_wait3A_995 = arith.constant 5 : i32
    %dma_wait3A_996 = arith.constant 0 : i32
    %dma_wait3A_997 = arith.constant 0 : i32
    %dma_wait3A_998 = tpu.memref_slice %arg6[%dma_wait3A_995, %dma_wait3A_996, %dma_wait3A_997] : memref<8x100x64xf32, #tpu.memory_space<vmem>> -> memref<1x100x64xf32, #tpu.memory_space<vmem>>
    %dma_wait3A_999 = tpu.memref_squeeze %dma_wait3A_998 : memref<1x100x64xf32, #tpu.memory_space<vmem>> -> memref<100x64xf32, #tpu.memory_space<vmem>>
    %dma_wait3A_1000 = arith.constant 0 : i32
    %dma_wait3A_1001 = tpu.memref_slice %arg4[%select_n3A_989, %mul3A_994, %dma_wait3A_1000] : memref<4096x200x64xf32, #tpu.memory_space<hbm>> -> memref<1x100x64xf32, #tpu.memory_space<hbm>>
    %dma_wait3A_1002 = tpu.memref_squeeze %dma_wait3A_1001 : memref<1x100x64xf32, #tpu.memory_space<hbm>> -> memref<100x64xf32, #tpu.memory_space<hbm>>
    %dma_wait3A_1003 = arith.constant 0 : i32
    %dma_wait3A_1004 = tpu.memref_slice %arg4[%select_n3A_989, %mul3A_994, %dma_wait3A_1003] : memref<4096x200x64xf32, #tpu.memory_space<hbm>> -> memref<1x100x64xf32, #tpu.memory_space<hbm>>
    %dma_wait3A_1005 = tpu.memref_squeeze %dma_wait3A_1004 : memref<1x100x64xf32, #tpu.memory_space<hbm>> -> memref<100x64xf32, #tpu.memory_space<hbm>>
    %dma_wait3A_1006 = arith.constant 0 : i32
    %dma_wait3A_1007 = arith.constant 0 : i32
    %dma_wait3A_1008 = tpu.memref_slice %arg6[%dma_wait3A_995, %dma_wait3A_1006, %dma_wait3A_1007] : memref<8x100x64xf32, #tpu.memory_space<vmem>> -> memref<1x100x64xf32, #tpu.memory_space<vmem>>
    %dma_wait3A_1009 = tpu.memref_squeeze %dma_wait3A_1008 : memref<1x100x64xf32, #tpu.memory_space<vmem>> -> memref<100x64xf32, #tpu.memory_space<vmem>>
    tpu.wait_dma2 semaphore(%arg20 : memref<!tpu.dma_semaphore, #tpu.memory_space<semaphore_mem>>) src(%dma_wait3A_1009 : memref<100x64xf32, #tpu.memory_space<vmem>>) dst(%dma_wait3A_1005 : memref<100x64xf32, #tpu.memory_space<hbm>>)
    %dma_start3A_1010 = arith.constant 253 : i32
    %dma_start3A_1011 = arith.constant 5 : i32
    %dma_start3A_1012 = arith.constant 0 : i32
    %dma_start3A_1013 = arith.constant 0 : i32
    %dma_start3A_1014 = tpu.memref_slice %arg6[%dma_start3A_1011, %dma_start3A_1012, %dma_start3A_1013] : memref<8x100x64xf32, #tpu.memory_space<vmem>> -> memref<1x100x64xf32, #tpu.memory_space<vmem>>
    %dma_start3A_1015 = tpu.memref_squeeze %dma_start3A_1014 : memref<1x100x64xf32, #tpu.memory_space<vmem>> -> memref<100x64xf32, #tpu.memory_space<vmem>>
    %dma_start3A_1016 = arith.constant 0 : i32
    %dma_start3A_1017 = tpu.memref_slice %arg5[%dma_start3A_1010, %dma_start3A_1016] : memref<256x100xi32, #tpu.memory_space<vmem>> -> memref<1x100xi32, #tpu.memory_space<vmem>>
    %dma_start3A_1018 = tpu.memref_squeeze %dma_start3A_1017 : memref<1x100xi32, #tpu.memory_space<vmem>> -> memref<100xi32, #tpu.memory_space<vmem>>
    %dma_start3A_1019 = arith.constant 0 : i32
    %dma_start3A_1020 = arith.constant 0 : i32
    %dma_start3A_1021 = tpu.memref_slice %arg2[%dma_start3A_1019, %dma_start3A_1020] : memref<100000x64xf32, #tpu.memory_space<hbm>> -> memref<100000x64xf32, #tpu.memory_space<hbm>>
    tpu.enqueue_indirect_dma source(%dma_start3A_1021 : memref<100000x64xf32, #tpu.memory_space<hbm>>) target(%dma_start3A_1015 : memref<100x64xf32, #tpu.memory_space<vmem>>) offsets(%dma_start3A_1018 : memref<100xi32, #tpu.memory_space<vmem>>) semaphore(%arg12 : memref<!tpu.dma_semaphore, #tpu.memory_space<semaphore_mem>>)
    %dma_wait3A_1022 = arith.constant 250 : i32
    %dma_wait3A_1023 = arith.constant 2 : i32
    %dma_wait3A_1024 = arith.constant 0 : i32
    %dma_wait3A_1025 = arith.constant 0 : i32
    %dma_wait3A_1026 = tpu.memref_slice %arg6[%dma_wait3A_1023, %dma_wait3A_1024, %dma_wait3A_1025] : memref<8x100x64xf32, #tpu.memory_space<vmem>> -> memref<1x100x64xf32, #tpu.memory_space<vmem>>
    %dma_wait3A_1027 = tpu.memref_squeeze %dma_wait3A_1026 : memref<1x100x64xf32, #tpu.memory_space<vmem>> -> memref<100x64xf32, #tpu.memory_space<vmem>>
    %dma_wait3A_1028 = arith.constant 0 : i32
    %dma_wait3A_1029 = tpu.memref_slice %arg5[%dma_wait3A_1022, %dma_wait3A_1028] : memref<256x100xi32, #tpu.memory_space<vmem>> -> memref<1x100xi32, #tpu.memory_space<vmem>>
    %dma_wait3A_1030 = tpu.memref_squeeze %dma_wait3A_1029 : memref<1x100xi32, #tpu.memory_space<vmem>> -> memref<100xi32, #tpu.memory_space<vmem>>
    %dma_wait3A_1031 = arith.constant 0 : i32
    %dma_wait3A_1032 = arith.constant 0 : i32
    %dma_wait3A_1033 = tpu.memref_slice %arg2[%dma_wait3A_1031, %dma_wait3A_1032] : memref<100000x64xf32, #tpu.memory_space<hbm>> -> memref<100000x64xf32, #tpu.memory_space<hbm>>
    tpu.wait_indirect_dma semaphore(%arg9 : memref<!tpu.dma_semaphore, #tpu.memory_space<semaphore_mem>>) src(%dma_wait3A_1033 : memref<100000x64xf32, #tpu.memory_space<hbm>>) dst(%dma_wait3A_1027 : memref<100x64xf32, #tpu.memory_space<vmem>>)
    %add3A_1034 = arith.constant 250 : i32
    %add3A_1035 = arith.addi %mul3A_2, %add3A_1034 : i32
    %jit3A_1036 = arith.constant 2 : i32
    %div3A_1037 = arith.divsi %add3A_1035, %jit3A_1036 : i32
    %sign3A_1038 = arith.constant 0 : i32
    %sign3A_1039 = arith.cmpi sgt, %add3A_1035, %sign3A_1038 : i32
    %sign3A_1040 = arith.extui %sign3A_1039 : i1 to i32
    %sign3A_1041 = arith.constant 0 : i32
    %sign3A_1042 = arith.cmpi slt, %add3A_1035, %sign3A_1041 : i32
    %sign3A_1043 = arith.extui %sign3A_1042 : i1 to i32
    %sign3A_1044 = arith.subi %sign3A_1040, %sign3A_1043 : i32
    %sign3A_1045 = arith.constant 0 : i32
    %sign3A_1046 = arith.cmpi sgt, %jit3A_1036, %sign3A_1045 : i32
    %sign3A_1047 = arith.extui %sign3A_1046 : i1 to i32
    %sign3A_1048 = arith.constant 0 : i32
    %sign3A_1049 = arith.cmpi slt, %jit3A_1036, %sign3A_1048 : i32
    %sign3A_1050 = arith.extui %sign3A_1049 : i1 to i32
    %sign3A_1051 = arith.subi %sign3A_1047, %sign3A_1050 : i32
    %ne3A_1052 = arith.cmpi ne, %sign3A_1044, %sign3A_1051 : i32
    %rem3A_1053 = arith.remsi %add3A_1035, %jit3A_1036 : i32
    %ne3A_1054 = arith.constant 0 : i32
    %ne3A_1055 = arith.cmpi ne, %rem3A_1053, %ne3A_1054 : i32
    %and3A_1056 = arith.andi %ne3A_1052, %ne3A_1055 : i1
    %sub3A_1057 = arith.constant 1 : i32
    %sub3A_1058 = arith.subi %div3A_1037, %sub3A_1057 : i32
    %select_n3A_1059 = arith.select %and3A_1056, %sub3A_1058, %div3A_1037 : i32
    %mul3A_1060 = arith.constant 2 : i32
    %mul3A_1061 = arith.muli %select_n3A_1059, %mul3A_1060 : i32
    %sub3A_1062 = arith.subi %add3A_1035, %mul3A_1061 : i32
    %mul3A_1063 = arith.constant 100 : i32
    %mul3A_1064 = arith.muli %sub3A_1062, %mul3A_1063 : i32
    %dma_start3A_1065 = arith.constant 2 : i32
    %dma_start3A_1066 = arith.constant 0 : i32
    %dma_start3A_1067 = arith.constant 0 : i32
    %dma_start3A_1068 = tpu.memref_slice %arg6[%dma_start3A_1065, %dma_start3A_1066, %dma_start3A_1067] : memref<8x100x64xf32, #tpu.memory_space<vmem>> -> memref<1x100x64xf32, #tpu.memory_space<vmem>>
    %dma_start3A_1069 = tpu.memref_squeeze %dma_start3A_1068 : memref<1x100x64xf32, #tpu.memory_space<vmem>> -> memref<100x64xf32, #tpu.memory_space<vmem>>
    %dma_start3A_1070 = arith.constant 0 : i32
    %dma_start3A_1071 = tpu.memref_slice %arg4[%select_n3A_1059, %mul3A_1064, %dma_start3A_1070] : memref<4096x200x64xf32, #tpu.memory_space<hbm>> -> memref<1x100x64xf32, #tpu.memory_space<hbm>>
    %dma_start3A_1072 = tpu.memref_squeeze %dma_start3A_1071 : memref<1x100x64xf32, #tpu.memory_space<hbm>> -> memref<100x64xf32, #tpu.memory_space<hbm>>
    %dma_start3A_1073 = arith.constant 0 : i32
    %dma_start3A_1074 = tpu.memref_slice %arg4[%select_n3A_1059, %mul3A_1064, %dma_start3A_1073] : memref<4096x200x64xf32, #tpu.memory_space<hbm>> -> memref<1x100x64xf32, #tpu.memory_space<hbm>>
    %dma_start3A_1075 = tpu.memref_squeeze %dma_start3A_1074 : memref<1x100x64xf32, #tpu.memory_space<hbm>> -> memref<100x64xf32, #tpu.memory_space<hbm>>
    %dma_start3A_1076 = arith.constant 0 : i32
    %dma_start3A_1077 = arith.constant 0 : i32
    %dma_start3A_1078 = tpu.memref_slice %arg6[%dma_start3A_1065, %dma_start3A_1076, %dma_start3A_1077] : memref<8x100x64xf32, #tpu.memory_space<vmem>> -> memref<1x100x64xf32, #tpu.memory_space<vmem>>
    %dma_start3A_1079 = tpu.memref_squeeze %dma_start3A_1078 : memref<1x100x64xf32, #tpu.memory_space<vmem>> -> memref<100x64xf32, #tpu.memory_space<vmem>>
    tpu.enqueue_dma source(%dma_start3A_1079 : memref<100x64xf32, #tpu.memory_space<vmem>>) target(%dma_start3A_1075 : memref<100x64xf32, #tpu.memory_space<hbm>>) target_semaphore(%arg17 : memref<!tpu.dma_semaphore, #tpu.memory_space<semaphore_mem>>)
    %add3A_1080 = arith.constant 246 : i32
    %add3A_1081 = arith.addi %mul3A_2, %add3A_1080 : i32
    %jit3A_1082 = arith.constant 2 : i32
    %div3A_1083 = arith.divsi %add3A_1081, %jit3A_1082 : i32
    %sign3A_1084 = arith.constant 0 : i32
    %sign3A_1085 = arith.cmpi sgt, %add3A_1081, %sign3A_1084 : i32
    %sign3A_1086 = arith.extui %sign3A_1085 : i1 to i32
    %sign3A_1087 = arith.constant 0 : i32
    %sign3A_1088 = arith.cmpi slt, %add3A_1081, %sign3A_1087 : i32
    %sign3A_1089 = arith.extui %sign3A_1088 : i1 to i32
    %sign3A_1090 = arith.subi %sign3A_1086, %sign3A_1089 : i32
    %sign3A_1091 = arith.constant 0 : i32
    %sign3A_1092 = arith.cmpi sgt, %jit3A_1082, %sign3A_1091 : i32
    %sign3A_1093 = arith.extui %sign3A_1092 : i1 to i32
    %sign3A_1094 = arith.constant 0 : i32
    %sign3A_1095 = arith.cmpi slt, %jit3A_1082, %sign3A_1094 : i32
    %sign3A_1096 = arith.extui %sign3A_1095 : i1 to i32
    %sign3A_1097 = arith.subi %sign3A_1093, %sign3A_1096 : i32
    %ne3A_1098 = arith.cmpi ne, %sign3A_1090, %sign3A_1097 : i32
    %rem3A_1099 = arith.remsi %add3A_1081, %jit3A_1082 : i32
    %ne3A_1100 = arith.constant 0 : i32
    %ne3A_1101 = arith.cmpi ne, %rem3A_1099, %ne3A_1100 : i32
    %and3A_1102 = arith.andi %ne3A_1098, %ne3A_1101 : i1
    %sub3A_1103 = arith.constant 1 : i32
    %sub3A_1104 = arith.subi %div3A_1083, %sub3A_1103 : i32
    %select_n3A_1105 = arith.select %and3A_1102, %sub3A_1104, %div3A_1083 : i32
    %mul3A_1106 = arith.constant 2 : i32
    %mul3A_1107 = arith.muli %select_n3A_1105, %mul3A_1106 : i32
    %sub3A_1108 = arith.subi %add3A_1081, %mul3A_1107 : i32
    %mul3A_1109 = arith.constant 100 : i32
    %mul3A_1110 = arith.muli %sub3A_1108, %mul3A_1109 : i32
    %dma_wait3A_1111 = arith.constant 6 : i32
    %dma_wait3A_1112 = arith.constant 0 : i32
    %dma_wait3A_1113 = arith.constant 0 : i32
    %dma_wait3A_1114 = tpu.memref_slice %arg6[%dma_wait3A_1111, %dma_wait3A_1112, %dma_wait3A_1113] : memref<8x100x64xf32, #tpu.memory_space<vmem>> -> memref<1x100x64xf32, #tpu.memory_space<vmem>>
    %dma_wait3A_1115 = tpu.memref_squeeze %dma_wait3A_1114 : memref<1x100x64xf32, #tpu.memory_space<vmem>> -> memref<100x64xf32, #tpu.memory_space<vmem>>
    %dma_wait3A_1116 = arith.constant 0 : i32
    %dma_wait3A_1117 = tpu.memref_slice %arg4[%select_n3A_1105, %mul3A_1110, %dma_wait3A_1116] : memref<4096x200x64xf32, #tpu.memory_space<hbm>> -> memref<1x100x64xf32, #tpu.memory_space<hbm>>
    %dma_wait3A_1118 = tpu.memref_squeeze %dma_wait3A_1117 : memref<1x100x64xf32, #tpu.memory_space<hbm>> -> memref<100x64xf32, #tpu.memory_space<hbm>>
    %dma_wait3A_1119 = arith.constant 0 : i32
    %dma_wait3A_1120 = tpu.memref_slice %arg4[%select_n3A_1105, %mul3A_1110, %dma_wait3A_1119] : memref<4096x200x64xf32, #tpu.memory_space<hbm>> -> memref<1x100x64xf32, #tpu.memory_space<hbm>>
    %dma_wait3A_1121 = tpu.memref_squeeze %dma_wait3A_1120 : memref<1x100x64xf32, #tpu.memory_space<hbm>> -> memref<100x64xf32, #tpu.memory_space<hbm>>
    %dma_wait3A_1122 = arith.constant 0 : i32
    %dma_wait3A_1123 = arith.constant 0 : i32
    %dma_wait3A_1124 = tpu.memref_slice %arg6[%dma_wait3A_1111, %dma_wait3A_1122, %dma_wait3A_1123] : memref<8x100x64xf32, #tpu.memory_space<vmem>> -> memref<1x100x64xf32, #tpu.memory_space<vmem>>
    %dma_wait3A_1125 = tpu.memref_squeeze %dma_wait3A_1124 : memref<1x100x64xf32, #tpu.memory_space<vmem>> -> memref<100x64xf32, #tpu.memory_space<vmem>>
    tpu.wait_dma2 semaphore(%arg21 : memref<!tpu.dma_semaphore, #tpu.memory_space<semaphore_mem>>) src(%dma_wait3A_1125 : memref<100x64xf32, #tpu.memory_space<vmem>>) dst(%dma_wait3A_1121 : memref<100x64xf32, #tpu.memory_space<hbm>>)
    %dma_start3A_1126 = arith.constant 254 : i32
    %dma_start3A_1127 = arith.constant 6 : i32
    %dma_start3A_1128 = arith.constant 0 : i32
    %dma_start3A_1129 = arith.constant 0 : i32
    %dma_start3A_1130 = tpu.memref_slice %arg6[%dma_start3A_1127, %dma_start3A_1128, %dma_start3A_1129] : memref<8x100x64xf32, #tpu.memory_space<vmem>> -> memref<1x100x64xf32, #tpu.memory_space<vmem>>
    %dma_start3A_1131 = tpu.memref_squeeze %dma_start3A_1130 : memref<1x100x64xf32, #tpu.memory_space<vmem>> -> memref<100x64xf32, #tpu.memory_space<vmem>>
    %dma_start3A_1132 = arith.constant 0 : i32
    %dma_start3A_1133 = tpu.memref_slice %arg5[%dma_start3A_1126, %dma_start3A_1132] : memref<256x100xi32, #tpu.memory_space<vmem>> -> memref<1x100xi32, #tpu.memory_space<vmem>>
    %dma_start3A_1134 = tpu.memref_squeeze %dma_start3A_1133 : memref<1x100xi32, #tpu.memory_space<vmem>> -> memref<100xi32, #tpu.memory_space<vmem>>
    %dma_start3A_1135 = arith.constant 0 : i32
    %dma_start3A_1136 = arith.constant 0 : i32
    %dma_start3A_1137 = tpu.memref_slice %arg2[%dma_start3A_1135, %dma_start3A_1136] : memref<100000x64xf32, #tpu.memory_space<hbm>> -> memref<100000x64xf32, #tpu.memory_space<hbm>>
    tpu.enqueue_indirect_dma source(%dma_start3A_1137 : memref<100000x64xf32, #tpu.memory_space<hbm>>) target(%dma_start3A_1131 : memref<100x64xf32, #tpu.memory_space<vmem>>) offsets(%dma_start3A_1134 : memref<100xi32, #tpu.memory_space<vmem>>) semaphore(%arg13 : memref<!tpu.dma_semaphore, #tpu.memory_space<semaphore_mem>>)
    %dma_wait3A_1138 = arith.constant 251 : i32
    %dma_wait3A_1139 = arith.constant 3 : i32
    %dma_wait3A_1140 = arith.constant 0 : i32
    %dma_wait3A_1141 = arith.constant 0 : i32
    %dma_wait3A_1142 = tpu.memref_slice %arg6[%dma_wait3A_1139, %dma_wait3A_1140, %dma_wait3A_1141] : memref<8x100x64xf32, #tpu.memory_space<vmem>> -> memref<1x100x64xf32, #tpu.memory_space<vmem>>
    %dma_wait3A_1143 = tpu.memref_squeeze %dma_wait3A_1142 : memref<1x100x64xf32, #tpu.memory_space<vmem>> -> memref<100x64xf32, #tpu.memory_space<vmem>>
    %dma_wait3A_1144 = arith.constant 0 : i32
    %dma_wait3A_1145 = tpu.memref_slice %arg5[%dma_wait3A_1138, %dma_wait3A_1144] : memref<256x100xi32, #tpu.memory_space<vmem>> -> memref<1x100xi32, #tpu.memory_space<vmem>>
    %dma_wait3A_1146 = tpu.memref_squeeze %dma_wait3A_1145 : memref<1x100xi32, #tpu.memory_space<vmem>> -> memref<100xi32, #tpu.memory_space<vmem>>
    %dma_wait3A_1147 = arith.constant 0 : i32
    %dma_wait3A_1148 = arith.constant 0 : i32
    %dma_wait3A_1149 = tpu.memref_slice %arg2[%dma_wait3A_1147, %dma_wait3A_1148] : memref<100000x64xf32, #tpu.memory_space<hbm>> -> memref<100000x64xf32, #tpu.memory_space<hbm>>
    tpu.wait_indirect_dma semaphore(%arg10 : memref<!tpu.dma_semaphore, #tpu.memory_space<semaphore_mem>>) src(%dma_wait3A_1149 : memref<100000x64xf32, #tpu.memory_space<hbm>>) dst(%dma_wait3A_1143 : memref<100x64xf32, #tpu.memory_space<vmem>>)
    %add3A_1150 = arith.constant 251 : i32
    %add3A_1151 = arith.addi %mul3A_2, %add3A_1150 : i32
    %jit3A_1152 = arith.constant 2 : i32
    %div3A_1153 = arith.divsi %add3A_1151, %jit3A_1152 : i32
    %sign3A_1154 = arith.constant 0 : i32
    %sign3A_1155 = arith.cmpi sgt, %add3A_1151, %sign3A_1154 : i32
    %sign3A_1156 = arith.extui %sign3A_1155 : i1 to i32
    %sign3A_1157 = arith.constant 0 : i32
    %sign3A_1158 = arith.cmpi slt, %add3A_1151, %sign3A_1157 : i32
    %sign3A_1159 = arith.extui %sign3A_1158 : i1 to i32
    %sign3A_1160 = arith.subi %sign3A_1156, %sign3A_1159 : i32
    %sign3A_1161 = arith.constant 0 : i32
    %sign3A_1162 = arith.cmpi sgt, %jit3A_1152, %sign3A_1161 : i32
    %sign3A_1163 = arith.extui %sign3A_1162 : i1 to i32
    %sign3A_1164 = arith.constant 0 : i32
    %sign3A_1165 = arith.cmpi slt, %jit3A_1152, %sign3A_1164 : i32
    %sign3A_1166 = arith.extui %sign3A_1165 : i1 to i32
    %sign3A_1167 = arith.subi %sign3A_1163, %sign3A_1166 : i32
    %ne3A_1168 = arith.cmpi ne, %sign3A_1160, %sign3A_1167 : i32
    %rem3A_1169 = arith.remsi %add3A_1151, %jit3A_1152 : i32
    %ne3A_1170 = arith.constant 0 : i32
    %ne3A_1171 = arith.cmpi ne, %rem3A_1169, %ne3A_1170 : i32
    %and3A_1172 = arith.andi %ne3A_1168, %ne3A_1171 : i1
    %sub3A_1173 = arith.constant 1 : i32
    %sub3A_1174 = arith.subi %div3A_1153, %sub3A_1173 : i32
    %select_n3A_1175 = arith.select %and3A_1172, %sub3A_1174, %div3A_1153 : i32
    %mul3A_1176 = arith.constant 2 : i32
    %mul3A_1177 = arith.muli %select_n3A_1175, %mul3A_1176 : i32
    %sub3A_1178 = arith.subi %add3A_1151, %mul3A_1177 : i32
    %mul3A_1179 = arith.constant 100 : i32
    %mul3A_1180 = arith.muli %sub3A_1178, %mul3A_1179 : i32
    %dma_start3A_1181 = arith.constant 3 : i32
    %dma_start3A_1182 = arith.constant 0 : i32
    %dma_start3A_1183 = arith.constant 0 : i32
    %dma_start3A_1184 = tpu.memref_slice %arg6[%dma_start3A_1181, %dma_start3A_1182, %dma_start3A_1183] : memref<8x100x64xf32, #tpu.memory_space<vmem>> -> memref<1x100x64xf32, #tpu.memory_space<vmem>>
    %dma_start3A_1185 = tpu.memref_squeeze %dma_start3A_1184 : memref<1x100x64xf32, #tpu.memory_space<vmem>> -> memref<100x64xf32, #tpu.memory_space<vmem>>
    %dma_start3A_1186 = arith.constant 0 : i32
    %dma_start3A_1187 = tpu.memref_slice %arg4[%select_n3A_1175, %mul3A_1180, %dma_start3A_1186] : memref<4096x200x64xf32, #tpu.memory_space<hbm>> -> memref<1x100x64xf32, #tpu.memory_space<hbm>>
    %dma_start3A_1188 = tpu.memref_squeeze %dma_start3A_1187 : memref<1x100x64xf32, #tpu.memory_space<hbm>> -> memref<100x64xf32, #tpu.memory_space<hbm>>
    %dma_start3A_1189 = arith.constant 0 : i32
    %dma_start3A_1190 = tpu.memref_slice %arg4[%select_n3A_1175, %mul3A_1180, %dma_start3A_1189] : memref<4096x200x64xf32, #tpu.memory_space<hbm>> -> memref<1x100x64xf32, #tpu.memory_space<hbm>>
    %dma_start3A_1191 = tpu.memref_squeeze %dma_start3A_1190 : memref<1x100x64xf32, #tpu.memory_space<hbm>> -> memref<100x64xf32, #tpu.memory_space<hbm>>
    %dma_start3A_1192 = arith.constant 0 : i32
    %dma_start3A_1193 = arith.constant 0 : i32
    %dma_start3A_1194 = tpu.memref_slice %arg6[%dma_start3A_1181, %dma_start3A_1192, %dma_start3A_1193] : memref<8x100x64xf32, #tpu.memory_space<vmem>> -> memref<1x100x64xf32, #tpu.memory_space<vmem>>
    %dma_start3A_1195 = tpu.memref_squeeze %dma_start3A_1194 : memref<1x100x64xf32, #tpu.memory_space<vmem>> -> memref<100x64xf32, #tpu.memory_space<vmem>>
    tpu.enqueue_dma source(%dma_start3A_1195 : memref<100x64xf32, #tpu.memory_space<vmem>>) target(%dma_start3A_1191 : memref<100x64xf32, #tpu.memory_space<hbm>>) target_semaphore(%arg18 : memref<!tpu.dma_semaphore, #tpu.memory_space<semaphore_mem>>)
    %add3A_1196 = arith.constant 247 : i32
    %add3A_1197 = arith.addi %mul3A_2, %add3A_1196 : i32
    %jit3A_1198 = arith.constant 2 : i32
    %div3A_1199 = arith.divsi %add3A_1197, %jit3A_1198 : i32
    %sign3A_1200 = arith.constant 0 : i32
    %sign3A_1201 = arith.cmpi sgt, %add3A_1197, %sign3A_1200 : i32
    %sign3A_1202 = arith.extui %sign3A_1201 : i1 to i32
    %sign3A_1203 = arith.constant 0 : i32
    %sign3A_1204 = arith.cmpi slt, %add3A_1197, %sign3A_1203 : i32
    %sign3A_1205 = arith.extui %sign3A_1204 : i1 to i32
    %sign3A_1206 = arith.subi %sign3A_1202, %sign3A_1205 : i32
    %sign3A_1207 = arith.constant 0 : i32
    %sign3A_1208 = arith.cmpi sgt, %jit3A_1198, %sign3A_1207 : i32
    %sign3A_1209 = arith.extui %sign3A_1208 : i1 to i32
    %sign3A_1210 = arith.constant 0 : i32
    %sign3A_1211 = arith.cmpi slt, %jit3A_1198, %sign3A_1210 : i32
    %sign3A_1212 = arith.extui %sign3A_1211 : i1 to i32
    %sign3A_1213 = arith.subi %sign3A_1209, %sign3A_1212 : i32
    %ne3A_1214 = arith.cmpi ne, %sign3A_1206, %sign3A_1213 : i32
    %rem3A_1215 = arith.remsi %add3A_1197, %jit3A_1198 : i32
    %ne3A_1216 = arith.constant 0 : i32
    %ne3A_1217 = arith.cmpi ne, %rem3A_1215, %ne3A_1216 : i32
    %and3A_1218 = arith.andi %ne3A_1214, %ne3A_1217 : i1
    %sub3A_1219 = arith.constant 1 : i32
    %sub3A_1220 = arith.subi %div3A_1199, %sub3A_1219 : i32
    %select_n3A_1221 = arith.select %and3A_1218, %sub3A_1220, %div3A_1199 : i32
    %mul3A_1222 = arith.constant 2 : i32
    %mul3A_1223 = arith.muli %select_n3A_1221, %mul3A_1222 : i32
    %sub3A_1224 = arith.subi %add3A_1197, %mul3A_1223 : i32
    %mul3A_1225 = arith.constant 100 : i32
    %mul3A_1226 = arith.muli %sub3A_1224, %mul3A_1225 : i32
    %dma_wait3A_1227 = arith.constant 7 : i32
    %dma_wait3A_1228 = arith.constant 0 : i32
    %dma_wait3A_1229 = arith.constant 0 : i32
    %dma_wait3A_1230 = tpu.memref_slice %arg6[%dma_wait3A_1227, %dma_wait3A_1228, %dma_wait3A_1229] : memref<8x100x64xf32, #tpu.memory_space<vmem>> -> memref<1x100x64xf32, #tpu.memory_space<vmem>>
    %dma_wait3A_1231 = tpu.memref_squeeze %dma_wait3A_1230 : memref<1x100x64xf32, #tpu.memory_space<vmem>> -> memref<100x64xf32, #tpu.memory_space<vmem>>
    %dma_wait3A_1232 = arith.constant 0 : i32
    %dma_wait3A_1233 = tpu.memref_slice %arg4[%select_n3A_1221, %mul3A_1226, %dma_wait3A_1232] : memref<4096x200x64xf32, #tpu.memory_space<hbm>> -> memref<1x100x64xf32, #tpu.memory_space<hbm>>
    %dma_wait3A_1234 = tpu.memref_squeeze %dma_wait3A_1233 : memref<1x100x64xf32, #tpu.memory_space<hbm>> -> memref<100x64xf32, #tpu.memory_space<hbm>>
    %dma_wait3A_1235 = arith.constant 0 : i32
    %dma_wait3A_1236 = tpu.memref_slice %arg4[%select_n3A_1221, %mul3A_1226, %dma_wait3A_1235] : memref<4096x200x64xf32, #tpu.memory_space<hbm>> -> memref<1x100x64xf32, #tpu.memory_space<hbm>>
    %dma_wait3A_1237 = tpu.memref_squeeze %dma_wait3A_1236 : memref<1x100x64xf32, #tpu.memory_space<hbm>> -> memref<100x64xf32, #tpu.memory_space<hbm>>
    %dma_wait3A_1238 = arith.constant 0 : i32
    %dma_wait3A_1239 = arith.constant 0 : i32
    %dma_wait3A_1240 = tpu.memref_slice %arg6[%dma_wait3A_1227, %dma_wait3A_1238, %dma_wait3A_1239] : memref<8x100x64xf32, #tpu.memory_space<vmem>> -> memref<1x100x64xf32, #tpu.memory_space<vmem>>
    %dma_wait3A_1241 = tpu.memref_squeeze %dma_wait3A_1240 : memref<1x100x64xf32, #tpu.memory_space<vmem>> -> memref<100x64xf32, #tpu.memory_space<vmem>>
    tpu.wait_dma2 semaphore(%arg22 : memref<!tpu.dma_semaphore, #tpu.memory_space<semaphore_mem>>) src(%dma_wait3A_1241 : memref<100x64xf32, #tpu.memory_space<vmem>>) dst(%dma_wait3A_1237 : memref<100x64xf32, #tpu.memory_space<hbm>>)
    %dma_start3A_1242 = arith.constant 255 : i32
    %dma_start3A_1243 = arith.constant 7 : i32
    %dma_start3A_1244 = arith.constant 0 : i32
    %dma_start3A_1245 = arith.constant 0 : i32
    %dma_start3A_1246 = tpu.memref_slice %arg6[%dma_start3A_1243, %dma_start3A_1244, %dma_start3A_1245] : memref<8x100x64xf32, #tpu.memory_space<vmem>> -> memref<1x100x64xf32, #tpu.memory_space<vmem>>
    %dma_start3A_1247 = tpu.memref_squeeze %dma_start3A_1246 : memref<1x100x64xf32, #tpu.memory_space<vmem>> -> memref<100x64xf32, #tpu.memory_space<vmem>>
    %dma_start3A_1248 = arith.constant 0 : i32
    %dma_start3A_1249 = tpu.memref_slice %arg5[%dma_start3A_1242, %dma_start3A_1248] : memref<256x100xi32, #tpu.memory_space<vmem>> -> memref<1x100xi32, #tpu.memory_space<vmem>>
    %dma_start3A_1250 = tpu.memref_squeeze %dma_start3A_1249 : memref<1x100xi32, #tpu.memory_space<vmem>> -> memref<100xi32, #tpu.memory_space<vmem>>
    %dma_start3A_1251 = arith.constant 0 : i32
    %dma_start3A_1252 = arith.constant 0 : i32
    %dma_start3A_1253 = tpu.memref_slice %arg2[%dma_start3A_1251, %dma_start3A_1252] : memref<100000x64xf32, #tpu.memory_space<hbm>> -> memref<100000x64xf32, #tpu.memory_space<hbm>>
    tpu.enqueue_indirect_dma source(%dma_start3A_1253 : memref<100000x64xf32, #tpu.memory_space<hbm>>) target(%dma_start3A_1247 : memref<100x64xf32, #tpu.memory_space<vmem>>) offsets(%dma_start3A_1250 : memref<100xi32, #tpu.memory_space<vmem>>) semaphore(%arg14 : memref<!tpu.dma_semaphore, #tpu.memory_space<semaphore_mem>>)
    %dma_wait3A_1254 = arith.constant 252 : i32
    %dma_wait3A_1255 = arith.constant 4 : i32
    %dma_wait3A_1256 = arith.constant 0 : i32
    %dma_wait3A_1257 = arith.constant 0 : i32
    %dma_wait3A_1258 = tpu.memref_slice %arg6[%dma_wait3A_1255, %dma_wait3A_1256, %dma_wait3A_1257] : memref<8x100x64xf32, #tpu.memory_space<vmem>> -> memref<1x100x64xf32, #tpu.memory_space<vmem>>
    %dma_wait3A_1259 = tpu.memref_squeeze %dma_wait3A_1258 : memref<1x100x64xf32, #tpu.memory_space<vmem>> -> memref<100x64xf32, #tpu.memory_space<vmem>>
    %dma_wait3A_1260 = arith.constant 0 : i32
    %dma_wait3A_1261 = tpu.memref_slice %arg5[%dma_wait3A_1254, %dma_wait3A_1260] : memref<256x100xi32, #tpu.memory_space<vmem>> -> memref<1x100xi32, #tpu.memory_space<vmem>>
    %dma_wait3A_1262 = tpu.memref_squeeze %dma_wait3A_1261 : memref<1x100xi32, #tpu.memory_space<vmem>> -> memref<100xi32, #tpu.memory_space<vmem>>
    %dma_wait3A_1263 = arith.constant 0 : i32
    %dma_wait3A_1264 = arith.constant 0 : i32
    %dma_wait3A_1265 = tpu.memref_slice %arg2[%dma_wait3A_1263, %dma_wait3A_1264] : memref<100000x64xf32, #tpu.memory_space<hbm>> -> memref<100000x64xf32, #tpu.memory_space<hbm>>
    tpu.wait_indirect_dma semaphore(%arg11 : memref<!tpu.dma_semaphore, #tpu.memory_space<semaphore_mem>>) src(%dma_wait3A_1265 : memref<100000x64xf32, #tpu.memory_space<hbm>>) dst(%dma_wait3A_1259 : memref<100x64xf32, #tpu.memory_space<vmem>>)
    %add3A_1266 = arith.constant 252 : i32
    %add3A_1267 = arith.addi %mul3A_2, %add3A_1266 : i32
    %jit3A_1268 = arith.constant 2 : i32
    %div3A_1269 = arith.divsi %add3A_1267, %jit3A_1268 : i32
    %sign3A_1270 = arith.constant 0 : i32
    %sign3A_1271 = arith.cmpi sgt, %add3A_1267, %sign3A_1270 : i32
    %sign3A_1272 = arith.extui %sign3A_1271 : i1 to i32
    %sign3A_1273 = arith.constant 0 : i32
    %sign3A_1274 = arith.cmpi slt, %add3A_1267, %sign3A_1273 : i32
    %sign3A_1275 = arith.extui %sign3A_1274 : i1 to i32
    %sign3A_1276 = arith.subi %sign3A_1272, %sign3A_1275 : i32
    %sign3A_1277 = arith.constant 0 : i32
    %sign3A_1278 = arith.cmpi sgt, %jit3A_1268, %sign3A_1277 : i32
    %sign3A_1279 = arith.extui %sign3A_1278 : i1 to i32
    %sign3A_1280 = arith.constant 0 : i32
    %sign3A_1281 = arith.cmpi slt, %jit3A_1268, %sign3A_1280 : i32
    %sign3A_1282 = arith.extui %sign3A_1281 : i1 to i32
    %sign3A_1283 = arith.subi %sign3A_1279, %sign3A_1282 : i32
    %ne3A_1284 = arith.cmpi ne, %sign3A_1276, %sign3A_1283 : i32
    %rem3A_1285 = arith.remsi %add3A_1267, %jit3A_1268 : i32
    %ne3A_1286 = arith.constant 0 : i32
    %ne3A_1287 = arith.cmpi ne, %rem3A_1285, %ne3A_1286 : i32
    %and3A_1288 = arith.andi %ne3A_1284, %ne3A_1287 : i1
    %sub3A_1289 = arith.constant 1 : i32
    %sub3A_1290 = arith.subi %div3A_1269, %sub3A_1289 : i32
    %select_n3A_1291 = arith.select %and3A_1288, %sub3A_1290, %div3A_1269 : i32
    %mul3A_1292 = arith.constant 2 : i32
    %mul3A_1293 = arith.muli %select_n3A_1291, %mul3A_1292 : i32
    %sub3A_1294 = arith.subi %add3A_1267, %mul3A_1293 : i32
    %mul3A_1295 = arith.constant 100 : i32
    %mul3A_1296 = arith.muli %sub3A_1294, %mul3A_1295 : i32
    %dma_start3A_1297 = arith.constant 4 : i32
    %dma_start3A_1298 = arith.constant 0 : i32
    %dma_start3A_1299 = arith.constant 0 : i32
    %dma_start3A_1300 = tpu.memref_slice %arg6[%dma_start3A_1297, %dma_start3A_1298, %dma_start3A_1299] : memref<8x100x64xf32, #tpu.memory_space<vmem>> -> memref<1x100x64xf32, #tpu.memory_space<vmem>>
    %dma_start3A_1301 = tpu.memref_squeeze %dma_start3A_1300 : memref<1x100x64xf32, #tpu.memory_space<vmem>> -> memref<100x64xf32, #tpu.memory_space<vmem>>
    %dma_start3A_1302 = arith.constant 0 : i32
    %dma_start3A_1303 = tpu.memref_slice %arg4[%select_n3A_1291, %mul3A_1296, %dma_start3A_1302] : memref<4096x200x64xf32, #tpu.memory_space<hbm>> -> memref<1x100x64xf32, #tpu.memory_space<hbm>>
    %dma_start3A_1304 = tpu.memref_squeeze %dma_start3A_1303 : memref<1x100x64xf32, #tpu.memory_space<hbm>> -> memref<100x64xf32, #tpu.memory_space<hbm>>
    %dma_start3A_1305 = arith.constant 0 : i32
    %dma_start3A_1306 = tpu.memref_slice %arg4[%select_n3A_1291, %mul3A_1296, %dma_start3A_1305] : memref<4096x200x64xf32, #tpu.memory_space<hbm>> -> memref<1x100x64xf32, #tpu.memory_space<hbm>>
    %dma_start3A_1307 = tpu.memref_squeeze %dma_start3A_1306 : memref<1x100x64xf32, #tpu.memory_space<hbm>> -> memref<100x64xf32, #tpu.memory_space<hbm>>
    %dma_start3A_1308 = arith.constant 0 : i32
    %dma_start3A_1309 = arith.constant 0 : i32
    %dma_start3A_1310 = tpu.memref_slice %arg6[%dma_start3A_1297, %dma_start3A_1308, %dma_start3A_1309] : memref<8x100x64xf32, #tpu.memory_space<vmem>> -> memref<1x100x64xf32, #tpu.memory_space<vmem>>
    %dma_start3A_1311 = tpu.memref_squeeze %dma_start3A_1310 : memref<1x100x64xf32, #tpu.memory_space<vmem>> -> memref<100x64xf32, #tpu.memory_space<vmem>>
    tpu.enqueue_dma source(%dma_start3A_1311 : memref<100x64xf32, #tpu.memory_space<vmem>>) target(%dma_start3A_1307 : memref<100x64xf32, #tpu.memory_space<hbm>>) target_semaphore(%arg19 : memref<!tpu.dma_semaphore, #tpu.memory_space<semaphore_mem>>)
    %dma_wait3A_1312 = arith.constant 253 : i32
    %dma_wait3A_1313 = arith.constant 5 : i32
    %dma_wait3A_1314 = arith.constant 0 : i32
    %dma_wait3A_1315 = arith.constant 0 : i32
    %dma_wait3A_1316 = tpu.memref_slice %arg6[%dma_wait3A_1313, %dma_wait3A_1314, %dma_wait3A_1315] : memref<8x100x64xf32, #tpu.memory_space<vmem>> -> memref<1x100x64xf32, #tpu.memory_space<vmem>>
    %dma_wait3A_1317 = tpu.memref_squeeze %dma_wait3A_1316 : memref<1x100x64xf32, #tpu.memory_space<vmem>> -> memref<100x64xf32, #tpu.memory_space<vmem>>
    %dma_wait3A_1318 = arith.constant 0 : i32
    %dma_wait3A_1319 = tpu.memref_slice %arg5[%dma_wait3A_1312, %dma_wait3A_1318] : memref<256x100xi32, #tpu.memory_space<vmem>> -> memref<1x100xi32, #tpu.memory_space<vmem>>
    %dma_wait3A_1320 = tpu.memref_squeeze %dma_wait3A_1319 : memref<1x100xi32, #tpu.memory_space<vmem>> -> memref<100xi32, #tpu.memory_space<vmem>>
    %dma_wait3A_1321 = arith.constant 0 : i32
    %dma_wait3A_1322 = arith.constant 0 : i32
    %dma_wait3A_1323 = tpu.memref_slice %arg2[%dma_wait3A_1321, %dma_wait3A_1322] : memref<100000x64xf32, #tpu.memory_space<hbm>> -> memref<100000x64xf32, #tpu.memory_space<hbm>>
    tpu.wait_indirect_dma semaphore(%arg12 : memref<!tpu.dma_semaphore, #tpu.memory_space<semaphore_mem>>) src(%dma_wait3A_1323 : memref<100000x64xf32, #tpu.memory_space<hbm>>) dst(%dma_wait3A_1317 : memref<100x64xf32, #tpu.memory_space<vmem>>)
    %add3A_1324 = arith.constant 253 : i32
    %add3A_1325 = arith.addi %mul3A_2, %add3A_1324 : i32
    %jit3A_1326 = arith.constant 2 : i32
    %div3A_1327 = arith.divsi %add3A_1325, %jit3A_1326 : i32
    %sign3A_1328 = arith.constant 0 : i32
    %sign3A_1329 = arith.cmpi sgt, %add3A_1325, %sign3A_1328 : i32
    %sign3A_1330 = arith.extui %sign3A_1329 : i1 to i32
    %sign3A_1331 = arith.constant 0 : i32
    %sign3A_1332 = arith.cmpi slt, %add3A_1325, %sign3A_1331 : i32
    %sign3A_1333 = arith.extui %sign3A_1332 : i1 to i32
    %sign3A_1334 = arith.subi %sign3A_1330, %sign3A_1333 : i32
    %sign3A_1335 = arith.constant 0 : i32
    %sign3A_1336 = arith.cmpi sgt, %jit3A_1326, %sign3A_1335 : i32
    %sign3A_1337 = arith.extui %sign3A_1336 : i1 to i32
    %sign3A_1338 = arith.constant 0 : i32
    %sign3A_1339 = arith.cmpi slt, %jit3A_1326, %sign3A_1338 : i32
    %sign3A_1340 = arith.extui %sign3A_1339 : i1 to i32
    %sign3A_1341 = arith.subi %sign3A_1337, %sign3A_1340 : i32
    %ne3A_1342 = arith.cmpi ne, %sign3A_1334, %sign3A_1341 : i32
    %rem3A_1343 = arith.remsi %add3A_1325, %jit3A_1326 : i32
    %ne3A_1344 = arith.constant 0 : i32
    %ne3A_1345 = arith.cmpi ne, %rem3A_1343, %ne3A_1344 : i32
    %and3A_1346 = arith.andi %ne3A_1342, %ne3A_1345 : i1
    %sub3A_1347 = arith.constant 1 : i32
    %sub3A_1348 = arith.subi %div3A_1327, %sub3A_1347 : i32
    %select_n3A_1349 = arith.select %and3A_1346, %sub3A_1348, %div3A_1327 : i32
    %mul3A_1350 = arith.constant 2 : i32
    %mul3A_1351 = arith.muli %select_n3A_1349, %mul3A_1350 : i32
    %sub3A_1352 = arith.subi %add3A_1325, %mul3A_1351 : i32
    %mul3A_1353 = arith.constant 100 : i32
    %mul3A_1354 = arith.muli %sub3A_1352, %mul3A_1353 : i32
    %dma_start3A_1355 = arith.constant 5 : i32
    %dma_start3A_1356 = arith.constant 0 : i32
    %dma_start3A_1357 = arith.constant 0 : i32
    %dma_start3A_1358 = tpu.memref_slice %arg6[%dma_start3A_1355, %dma_start3A_1356, %dma_start3A_1357] : memref<8x100x64xf32, #tpu.memory_space<vmem>> -> memref<1x100x64xf32, #tpu.memory_space<vmem>>
    %dma_start3A_1359 = tpu.memref_squeeze %dma_start3A_1358 : memref<1x100x64xf32, #tpu.memory_space<vmem>> -> memref<100x64xf32, #tpu.memory_space<vmem>>
    %dma_start3A_1360 = arith.constant 0 : i32
    %dma_start3A_1361 = tpu.memref_slice %arg4[%select_n3A_1349, %mul3A_1354, %dma_start3A_1360] : memref<4096x200x64xf32, #tpu.memory_space<hbm>> -> memref<1x100x64xf32, #tpu.memory_space<hbm>>
    %dma_start3A_1362 = tpu.memref_squeeze %dma_start3A_1361 : memref<1x100x64xf32, #tpu.memory_space<hbm>> -> memref<100x64xf32, #tpu.memory_space<hbm>>
    %dma_start3A_1363 = arith.constant 0 : i32
    %dma_start3A_1364 = tpu.memref_slice %arg4[%select_n3A_1349, %mul3A_1354, %dma_start3A_1363] : memref<4096x200x64xf32, #tpu.memory_space<hbm>> -> memref<1x100x64xf32, #tpu.memory_space<hbm>>
    %dma_start3A_1365 = tpu.memref_squeeze %dma_start3A_1364 : memref<1x100x64xf32, #tpu.memory_space<hbm>> -> memref<100x64xf32, #tpu.memory_space<hbm>>
    %dma_start3A_1366 = arith.constant 0 : i32
    %dma_start3A_1367 = arith.constant 0 : i32
    %dma_start3A_1368 = tpu.memref_slice %arg6[%dma_start3A_1355, %dma_start3A_1366, %dma_start3A_1367] : memref<8x100x64xf32, #tpu.memory_space<vmem>> -> memref<1x100x64xf32, #tpu.memory_space<vmem>>
    %dma_start3A_1369 = tpu.memref_squeeze %dma_start3A_1368 : memref<1x100x64xf32, #tpu.memory_space<vmem>> -> memref<100x64xf32, #tpu.memory_space<vmem>>
    tpu.enqueue_dma source(%dma_start3A_1369 : memref<100x64xf32, #tpu.memory_space<vmem>>) target(%dma_start3A_1365 : memref<100x64xf32, #tpu.memory_space<hbm>>) target_semaphore(%arg20 : memref<!tpu.dma_semaphore, #tpu.memory_space<semaphore_mem>>)
    %dma_wait3A_1370 = arith.constant 254 : i32
    %dma_wait3A_1371 = arith.constant 6 : i32
    %dma_wait3A_1372 = arith.constant 0 : i32
    %dma_wait3A_1373 = arith.constant 0 : i32
    %dma_wait3A_1374 = tpu.memref_slice %arg6[%dma_wait3A_1371, %dma_wait3A_1372, %dma_wait3A_1373] : memref<8x100x64xf32, #tpu.memory_space<vmem>> -> memref<1x100x64xf32, #tpu.memory_space<vmem>>
    %dma_wait3A_1375 = tpu.memref_squeeze %dma_wait3A_1374 : memref<1x100x64xf32, #tpu.memory_space<vmem>> -> memref<100x64xf32, #tpu.memory_space<vmem>>
    %dma_wait3A_1376 = arith.constant 0 : i32
    %dma_wait3A_1377 = tpu.memref_slice %arg5[%dma_wait3A_1370, %dma_wait3A_1376] : memref<256x100xi32, #tpu.memory_space<vmem>> -> memref<1x100xi32, #tpu.memory_space<vmem>>
    %dma_wait3A_1378 = tpu.memref_squeeze %dma_wait3A_1377 : memref<1x100xi32, #tpu.memory_space<vmem>> -> memref<100xi32, #tpu.memory_space<vmem>>
    %dma_wait3A_1379 = arith.constant 0 : i32
    %dma_wait3A_1380 = arith.constant 0 : i32
    %dma_wait3A_1381 = tpu.memref_slice %arg2[%dma_wait3A_1379, %dma_wait3A_1380] : memref<100000x64xf32, #tpu.memory_space<hbm>> -> memref<100000x64xf32, #tpu.memory_space<hbm>>
    tpu.wait_indirect_dma semaphore(%arg13 : memref<!tpu.dma_semaphore, #tpu.memory_space<semaphore_mem>>) src(%dma_wait3A_1381 : memref<100000x64xf32, #tpu.memory_space<hbm>>) dst(%dma_wait3A_1375 : memref<100x64xf32, #tpu.memory_space<vmem>>)
    %add3A_1382 = arith.constant 254 : i32
    %add3A_1383 = arith.addi %mul3A_2, %add3A_1382 : i32
    %jit3A_1384 = arith.constant 2 : i32
    %div3A_1385 = arith.divsi %add3A_1383, %jit3A_1384 : i32
    %sign3A_1386 = arith.constant 0 : i32
    %sign3A_1387 = arith.cmpi sgt, %add3A_1383, %sign3A_1386 : i32
    %sign3A_1388 = arith.extui %sign3A_1387 : i1 to i32
    %sign3A_1389 = arith.constant 0 : i32
    %sign3A_1390 = arith.cmpi slt, %add3A_1383, %sign3A_1389 : i32
    %sign3A_1391 = arith.extui %sign3A_1390 : i1 to i32
    %sign3A_1392 = arith.subi %sign3A_1388, %sign3A_1391 : i32
    %sign3A_1393 = arith.constant 0 : i32
    %sign3A_1394 = arith.cmpi sgt, %jit3A_1384, %sign3A_1393 : i32
    %sign3A_1395 = arith.extui %sign3A_1394 : i1 to i32
    %sign3A_1396 = arith.constant 0 : i32
    %sign3A_1397 = arith.cmpi slt, %jit3A_1384, %sign3A_1396 : i32
    %sign3A_1398 = arith.extui %sign3A_1397 : i1 to i32
    %sign3A_1399 = arith.subi %sign3A_1395, %sign3A_1398 : i32
    %ne3A_1400 = arith.cmpi ne, %sign3A_1392, %sign3A_1399 : i32
    %rem3A_1401 = arith.remsi %add3A_1383, %jit3A_1384 : i32
    %ne3A_1402 = arith.constant 0 : i32
    %ne3A_1403 = arith.cmpi ne, %rem3A_1401, %ne3A_1402 : i32
    %and3A_1404 = arith.andi %ne3A_1400, %ne3A_1403 : i1
    %sub3A_1405 = arith.constant 1 : i32
    %sub3A_1406 = arith.subi %div3A_1385, %sub3A_1405 : i32
    %select_n3A_1407 = arith.select %and3A_1404, %sub3A_1406, %div3A_1385 : i32
    %mul3A_1408 = arith.constant 2 : i32
    %mul3A_1409 = arith.muli %select_n3A_1407, %mul3A_1408 : i32
    %sub3A_1410 = arith.subi %add3A_1383, %mul3A_1409 : i32
    %mul3A_1411 = arith.constant 100 : i32
    %mul3A_1412 = arith.muli %sub3A_1410, %mul3A_1411 : i32
    %dma_start3A_1413 = arith.constant 6 : i32
    %dma_start3A_1414 = arith.constant 0 : i32
    %dma_start3A_1415 = arith.constant 0 : i32
    %dma_start3A_1416 = tpu.memref_slice %arg6[%dma_start3A_1413, %dma_start3A_1414, %dma_start3A_1415] : memref<8x100x64xf32, #tpu.memory_space<vmem>> -> memref<1x100x64xf32, #tpu.memory_space<vmem>>
    %dma_start3A_1417 = tpu.memref_squeeze %dma_start3A_1416 : memref<1x100x64xf32, #tpu.memory_space<vmem>> -> memref<100x64xf32, #tpu.memory_space<vmem>>
    %dma_start3A_1418 = arith.constant 0 : i32
    %dma_start3A_1419 = tpu.memref_slice %arg4[%select_n3A_1407, %mul3A_1412, %dma_start3A_1418] : memref<4096x200x64xf32, #tpu.memory_space<hbm>> -> memref<1x100x64xf32, #tpu.memory_space<hbm>>
    %dma_start3A_1420 = tpu.memref_squeeze %dma_start3A_1419 : memref<1x100x64xf32, #tpu.memory_space<hbm>> -> memref<100x64xf32, #tpu.memory_space<hbm>>
    %dma_start3A_1421 = arith.constant 0 : i32
    %dma_start3A_1422 = tpu.memref_slice %arg4[%select_n3A_1407, %mul3A_1412, %dma_start3A_1421] : memref<4096x200x64xf32, #tpu.memory_space<hbm>> -> memref<1x100x64xf32, #tpu.memory_space<hbm>>
    %dma_start3A_1423 = tpu.memref_squeeze %dma_start3A_1422 : memref<1x100x64xf32, #tpu.memory_space<hbm>> -> memref<100x64xf32, #tpu.memory_space<hbm>>
    %dma_start3A_1424 = arith.constant 0 : i32
    %dma_start3A_1425 = arith.constant 0 : i32
    %dma_start3A_1426 = tpu.memref_slice %arg6[%dma_start3A_1413, %dma_start3A_1424, %dma_start3A_1425] : memref<8x100x64xf32, #tpu.memory_space<vmem>> -> memref<1x100x64xf32, #tpu.memory_space<vmem>>
    %dma_start3A_1427 = tpu.memref_squeeze %dma_start3A_1426 : memref<1x100x64xf32, #tpu.memory_space<vmem>> -> memref<100x64xf32, #tpu.memory_space<vmem>>
    tpu.enqueue_dma source(%dma_start3A_1427 : memref<100x64xf32, #tpu.memory_space<vmem>>) target(%dma_start3A_1423 : memref<100x64xf32, #tpu.memory_space<hbm>>) target_semaphore(%arg21 : memref<!tpu.dma_semaphore, #tpu.memory_space<semaphore_mem>>)
    %dma_wait3A_1428 = arith.constant 255 : i32
    %dma_wait3A_1429 = arith.constant 7 : i32
    %dma_wait3A_1430 = arith.constant 0 : i32
    %dma_wait3A_1431 = arith.constant 0 : i32
    %dma_wait3A_1432 = tpu.memref_slice %arg6[%dma_wait3A_1429, %dma_wait3A_1430, %dma_wait3A_1431] : memref<8x100x64xf32, #tpu.memory_space<vmem>> -> memref<1x100x64xf32, #tpu.memory_space<vmem>>
    %dma_wait3A_1433 = tpu.memref_squeeze %dma_wait3A_1432 : memref<1x100x64xf32, #tpu.memory_space<vmem>> -> memref<100x64xf32, #tpu.memory_space<vmem>>
    %dma_wait3A_1434 = arith.constant 0 : i32
    %dma_wait3A_1435 = tpu.memref_slice %arg5[%dma_wait3A_1428, %dma_wait3A_1434] : memref<256x100xi32, #tpu.memory_space<vmem>> -> memref<1x100xi32, #tpu.memory_space<vmem>>
    %dma_wait3A_1436 = tpu.memref_squeeze %dma_wait3A_1435 : memref<1x100xi32, #tpu.memory_space<vmem>> -> memref<100xi32, #tpu.memory_space<vmem>>
    %dma_wait3A_1437 = arith.constant 0 : i32
    %dma_wait3A_1438 = arith.constant 0 : i32
    %dma_wait3A_1439 = tpu.memref_slice %arg2[%dma_wait3A_1437, %dma_wait3A_1438] : memref<100000x64xf32, #tpu.memory_space<hbm>> -> memref<100000x64xf32, #tpu.memory_space<hbm>>
    tpu.wait_indirect_dma semaphore(%arg14 : memref<!tpu.dma_semaphore, #tpu.memory_space<semaphore_mem>>) src(%dma_wait3A_1439 : memref<100000x64xf32, #tpu.memory_space<hbm>>) dst(%dma_wait3A_1433 : memref<100x64xf32, #tpu.memory_space<vmem>>)
    %add3A_1440 = arith.constant 255 : i32
    %add3A_1441 = arith.addi %mul3A_2, %add3A_1440 : i32
    %jit3A_1442 = arith.constant 2 : i32
    %div3A_1443 = arith.divsi %add3A_1441, %jit3A_1442 : i32
    %sign3A_1444 = arith.constant 0 : i32
    %sign3A_1445 = arith.cmpi sgt, %add3A_1441, %sign3A_1444 : i32
    %sign3A_1446 = arith.extui %sign3A_1445 : i1 to i32
    %sign3A_1447 = arith.constant 0 : i32
    %sign3A_1448 = arith.cmpi slt, %add3A_1441, %sign3A_1447 : i32
    %sign3A_1449 = arith.extui %sign3A_1448 : i1 to i32
    %sign3A_1450 = arith.subi %sign3A_1446, %sign3A_1449 : i32
    %sign3A_1451 = arith.constant 0 : i32
    %sign3A_1452 = arith.cmpi sgt, %jit3A_1442, %sign3A_1451 : i32
    %sign3A_1453 = arith.extui %sign3A_1452 : i1 to i32
    %sign3A_1454 = arith.constant 0 : i32
    %sign3A_1455 = arith.cmpi slt, %jit3A_1442, %sign3A_1454 : i32
    %sign3A_1456 = arith.extui %sign3A_1455 : i1 to i32
    %sign3A_1457 = arith.subi %sign3A_1453, %sign3A_1456 : i32
    %ne3A_1458 = arith.cmpi ne, %sign3A_1450, %sign3A_1457 : i32
    %rem3A_1459 = arith.remsi %add3A_1441, %jit3A_1442 : i32
    %ne3A_1460 = arith.constant 0 : i32
    %ne3A_1461 = arith.cmpi ne, %rem3A_1459, %ne3A_1460 : i32
    %and3A_1462 = arith.andi %ne3A_1458, %ne3A_1461 : i1
    %sub3A_1463 = arith.constant 1 : i32
    %sub3A_1464 = arith.subi %div3A_1443, %sub3A_1463 : i32
    %select_n3A_1465 = arith.select %and3A_1462, %sub3A_1464, %div3A_1443 : i32
    %mul3A_1466 = arith.constant 2 : i32
    %mul3A_1467 = arith.muli %select_n3A_1465, %mul3A_1466 : i32
    %sub3A_1468 = arith.subi %add3A_1441, %mul3A_1467 : i32
    %mul3A_1469 = arith.constant 100 : i32
    %mul3A_1470 = arith.muli %sub3A_1468, %mul3A_1469 : i32
    %dma_start3A_1471 = arith.constant 7 : i32
    %dma_start3A_1472 = arith.constant 0 : i32
    %dma_start3A_1473 = arith.constant 0 : i32
    %dma_start3A_1474 = tpu.memref_slice %arg6[%dma_start3A_1471, %dma_start3A_1472, %dma_start3A_1473] : memref<8x100x64xf32, #tpu.memory_space<vmem>> -> memref<1x100x64xf32, #tpu.memory_space<vmem>>
    %dma_start3A_1475 = tpu.memref_squeeze %dma_start3A_1474 : memref<1x100x64xf32, #tpu.memory_space<vmem>> -> memref<100x64xf32, #tpu.memory_space<vmem>>
    %dma_start3A_1476 = arith.constant 0 : i32
    %dma_start3A_1477 = tpu.memref_slice %arg4[%select_n3A_1465, %mul3A_1470, %dma_start3A_1476] : memref<4096x200x64xf32, #tpu.memory_space<hbm>> -> memref<1x100x64xf32, #tpu.memory_space<hbm>>
    %dma_start3A_1478 = tpu.memref_squeeze %dma_start3A_1477 : memref<1x100x64xf32, #tpu.memory_space<hbm>> -> memref<100x64xf32, #tpu.memory_space<hbm>>
    %dma_start3A_1479 = arith.constant 0 : i32
    %dma_start3A_1480 = tpu.memref_slice %arg4[%select_n3A_1465, %mul3A_1470, %dma_start3A_1479] : memref<4096x200x64xf32, #tpu.memory_space<hbm>> -> memref<1x100x64xf32, #tpu.memory_space<hbm>>
    %dma_start3A_1481 = tpu.memref_squeeze %dma_start3A_1480 : memref<1x100x64xf32, #tpu.memory_space<hbm>> -> memref<100x64xf32, #tpu.memory_space<hbm>>
    %dma_start3A_1482 = arith.constant 0 : i32
    %dma_start3A_1483 = arith.constant 0 : i32
    %dma_start3A_1484 = tpu.memref_slice %arg6[%dma_start3A_1471, %dma_start3A_1482, %dma_start3A_1483] : memref<8x100x64xf32, #tpu.memory_space<vmem>> -> memref<1x100x64xf32, #tpu.memory_space<vmem>>
    %dma_start3A_1485 = tpu.memref_squeeze %dma_start3A_1484 : memref<1x100x64xf32, #tpu.memory_space<vmem>> -> memref<100x64xf32, #tpu.memory_space<vmem>>
    tpu.enqueue_dma source(%dma_start3A_1485 : memref<100x64xf32, #tpu.memory_space<vmem>>) target(%dma_start3A_1481 : memref<100x64xf32, #tpu.memory_space<hbm>>) target_semaphore(%arg22 : memref<!tpu.dma_semaphore, #tpu.memory_space<semaphore_mem>>)
    %add3A_1486 = arith.constant 248 : i32
    %add3A_1487 = arith.addi %mul3A_2, %add3A_1486 : i32
    %jit3A_1488 = arith.constant 2 : i32
    %div3A_1489 = arith.divsi %add3A_1487, %jit3A_1488 : i32
    %sign3A_1490 = arith.constant 0 : i32
    %sign3A_1491 = arith.cmpi sgt, %add3A_1487, %sign3A_1490 : i32
    %sign3A_1492 = arith.extui %sign3A_1491 : i1 to i32
    %sign3A_1493 = arith.constant 0 : i32
    %sign3A_1494 = arith.cmpi slt, %add3A_1487, %sign3A_1493 : i32
    %sign3A_1495 = arith.extui %sign3A_1494 : i1 to i32
    %sign3A_1496 = arith.subi %sign3A_1492, %sign3A_1495 : i32
    %sign3A_1497 = arith.constant 0 : i32
    %sign3A_1498 = arith.cmpi sgt, %jit3A_1488, %sign3A_1497 : i32
    %sign3A_1499 = arith.extui %sign3A_1498 : i1 to i32
    %sign3A_1500 = arith.constant 0 : i32
    %sign3A_1501 = arith.cmpi slt, %jit3A_1488, %sign3A_1500 : i32
    %sign3A_1502 = arith.extui %sign3A_1501 : i1 to i32
    %sign3A_1503 = arith.subi %sign3A_1499, %sign3A_1502 : i32
    %ne3A_1504 = arith.cmpi ne, %sign3A_1496, %sign3A_1503 : i32
    %rem3A_1505 = arith.remsi %add3A_1487, %jit3A_1488 : i32
    %ne3A_1506 = arith.constant 0 : i32
    %ne3A_1507 = arith.cmpi ne, %rem3A_1505, %ne3A_1506 : i32
    %and3A_1508 = arith.andi %ne3A_1504, %ne3A_1507 : i1
    %sub3A_1509 = arith.constant 1 : i32
    %sub3A_1510 = arith.subi %div3A_1489, %sub3A_1509 : i32
    %select_n3A_1511 = arith.select %and3A_1508, %sub3A_1510, %div3A_1489 : i32
    %mul3A_1512 = arith.constant 2 : i32
    %mul3A_1513 = arith.muli %select_n3A_1511, %mul3A_1512 : i32
    %sub3A_1514 = arith.subi %add3A_1487, %mul3A_1513 : i32
    %mul3A_1515 = arith.constant 100 : i32
    %mul3A_1516 = arith.muli %sub3A_1514, %mul3A_1515 : i32
    %dma_wait3A_1517 = arith.constant 0 : i32
    %dma_wait3A_1518 = arith.constant 0 : i32
    %dma_wait3A_1519 = arith.constant 0 : i32
    %dma_wait3A_1520 = tpu.memref_slice %arg6[%dma_wait3A_1517, %dma_wait3A_1518, %dma_wait3A_1519] : memref<8x100x64xf32, #tpu.memory_space<vmem>> -> memref<1x100x64xf32, #tpu.memory_space<vmem>>
    %dma_wait3A_1521 = tpu.memref_squeeze %dma_wait3A_1520 : memref<1x100x64xf32, #tpu.memory_space<vmem>> -> memref<100x64xf32, #tpu.memory_space<vmem>>
    %dma_wait3A_1522 = arith.constant 0 : i32
    %dma_wait3A_1523 = tpu.memref_slice %arg4[%select_n3A_1511, %mul3A_1516, %dma_wait3A_1522] : memref<4096x200x64xf32, #tpu.memory_space<hbm>> -> memref<1x100x64xf32, #tpu.memory_space<hbm>>
    %dma_wait3A_1524 = tpu.memref_squeeze %dma_wait3A_1523 : memref<1x100x64xf32, #tpu.memory_space<hbm>> -> memref<100x64xf32, #tpu.memory_space<hbm>>
    %dma_wait3A_1525 = arith.constant 0 : i32
    %dma_wait3A_1526 = tpu.memref_slice %arg4[%select_n3A_1511, %mul3A_1516, %dma_wait3A_1525] : memref<4096x200x64xf32, #tpu.memory_space<hbm>> -> memref<1x100x64xf32, #tpu.memory_space<hbm>>
    %dma_wait3A_1527 = tpu.memref_squeeze %dma_wait3A_1526 : memref<1x100x64xf32, #tpu.memory_space<hbm>> -> memref<100x64xf32, #tpu.memory_space<hbm>>
    %dma_wait3A_1528 = arith.constant 0 : i32
    %dma_wait3A_1529 = arith.constant 0 : i32
    %dma_wait3A_1530 = tpu.memref_slice %arg6[%dma_wait3A_1517, %dma_wait3A_1528, %dma_wait3A_1529] : memref<8x100x64xf32, #tpu.memory_space<vmem>> -> memref<1x100x64xf32, #tpu.memory_space<vmem>>
    %dma_wait3A_1531 = tpu.memref_squeeze %dma_wait3A_1530 : memref<1x100x64xf32, #tpu.memory_space<vmem>> -> memref<100x64xf32, #tpu.memory_space<vmem>>
    tpu.wait_dma2 semaphore(%arg15 : memref<!tpu.dma_semaphore, #tpu.memory_space<semaphore_mem>>) src(%dma_wait3A_1531 : memref<100x64xf32, #tpu.memory_space<vmem>>) dst(%dma_wait3A_1527 : memref<100x64xf32, #tpu.memory_space<hbm>>)
    %add3A_1532 = arith.constant 249 : i32
    %add3A_1533 = arith.addi %mul3A_2, %add3A_1532 : i32
    %jit3A_1534 = arith.constant 2 : i32
    %div3A_1535 = arith.divsi %add3A_1533, %jit3A_1534 : i32
    %sign3A_1536 = arith.constant 0 : i32
    %sign3A_1537 = arith.cmpi sgt, %add3A_1533, %sign3A_1536 : i32
    %sign3A_1538 = arith.extui %sign3A_1537 : i1 to i32
    %sign3A_1539 = arith.constant 0 : i32
    %sign3A_1540 = arith.cmpi slt, %add3A_1533, %sign3A_1539 : i32
    %sign3A_1541 = arith.extui %sign3A_1540 : i1 to i32
    %sign3A_1542 = arith.subi %sign3A_1538, %sign3A_1541 : i32
    %sign3A_1543 = arith.constant 0 : i32
    %sign3A_1544 = arith.cmpi sgt, %jit3A_1534, %sign3A_1543 : i32
    %sign3A_1545 = arith.extui %sign3A_1544 : i1 to i32
    %sign3A_1546 = arith.constant 0 : i32
    %sign3A_1547 = arith.cmpi slt, %jit3A_1534, %sign3A_1546 : i32
    %sign3A_1548 = arith.extui %sign3A_1547 : i1 to i32
    %sign3A_1549 = arith.subi %sign3A_1545, %sign3A_1548 : i32
    %ne3A_1550 = arith.cmpi ne, %sign3A_1542, %sign3A_1549 : i32
    %rem3A_1551 = arith.remsi %add3A_1533, %jit3A_1534 : i32
    %ne3A_1552 = arith.constant 0 : i32
    %ne3A_1553 = arith.cmpi ne, %rem3A_1551, %ne3A_1552 : i32
    %and3A_1554 = arith.andi %ne3A_1550, %ne3A_1553 : i1
    %sub3A_1555 = arith.constant 1 : i32
    %sub3A_1556 = arith.subi %div3A_1535, %sub3A_1555 : i32
    %select_n3A_1557 = arith.select %and3A_1554, %sub3A_1556, %div3A_1535 : i32
    %mul3A_1558 = arith.constant 2 : i32
    %mul3A_1559 = arith.muli %select_n3A_1557, %mul3A_1558 : i32
    %sub3A_1560 = arith.subi %add3A_1533, %mul3A_1559 : i32
    %mul3A_1561 = arith.constant 100 : i32
    %mul3A_1562 = arith.muli %sub3A_1560, %mul3A_1561 : i32
    %dma_wait3A_1563 = arith.constant 1 : i32
    %dma_wait3A_1564 = arith.constant 0 : i32
    %dma_wait3A_1565 = arith.constant 0 : i32
    %dma_wait3A_1566 = tpu.memref_slice %arg6[%dma_wait3A_1563, %dma_wait3A_1564, %dma_wait3A_1565] : memref<8x100x64xf32, #tpu.memory_space<vmem>> -> memref<1x100x64xf32, #tpu.memory_space<vmem>>
    %dma_wait3A_1567 = tpu.memref_squeeze %dma_wait3A_1566 : memref<1x100x64xf32, #tpu.memory_space<vmem>> -> memref<100x64xf32, #tpu.memory_space<vmem>>
    %dma_wait3A_1568 = arith.constant 0 : i32
    %dma_wait3A_1569 = tpu.memref_slice %arg4[%select_n3A_1557, %mul3A_1562, %dma_wait3A_1568] : memref<4096x200x64xf32, #tpu.memory_space<hbm>> -> memref<1x100x64xf32, #tpu.memory_space<hbm>>
    %dma_wait3A_1570 = tpu.memref_squeeze %dma_wait3A_1569 : memref<1x100x64xf32, #tpu.memory_space<hbm>> -> memref<100x64xf32, #tpu.memory_space<hbm>>
    %dma_wait3A_1571 = arith.constant 0 : i32
    %dma_wait3A_1572 = tpu.memref_slice %arg4[%select_n3A_1557, %mul3A_1562, %dma_wait3A_1571] : memref<4096x200x64xf32, #tpu.memory_space<hbm>> -> memref<1x100x64xf32, #tpu.memory_space<hbm>>
    %dma_wait3A_1573 = tpu.memref_squeeze %dma_wait3A_1572 : memref<1x100x64xf32, #tpu.memory_space<hbm>> -> memref<100x64xf32, #tpu.memory_space<hbm>>
    %dma_wait3A_1574 = arith.constant 0 : i32
    %dma_wait3A_1575 = arith.constant 0 : i32
    %dma_wait3A_1576 = tpu.memref_slice %arg6[%dma_wait3A_1563, %dma_wait3A_1574, %dma_wait3A_1575] : memref<8x100x64xf32, #tpu.memory_space<vmem>> -> memref<1x100x64xf32, #tpu.memory_space<vmem>>
    %dma_wait3A_1577 = tpu.memref_squeeze %dma_wait3A_1576 : memref<1x100x64xf32, #tpu.memory_space<vmem>> -> memref<100x64xf32, #tpu.memory_space<vmem>>
    tpu.wait_dma2 semaphore(%arg16 : memref<!tpu.dma_semaphore, #tpu.memory_space<semaphore_mem>>) src(%dma_wait3A_1577 : memref<100x64xf32, #tpu.memory_space<vmem>>) dst(%dma_wait3A_1573 : memref<100x64xf32, #tpu.memory_space<hbm>>)
    %add3A_1578 = arith.constant 250 : i32
    %add3A_1579 = arith.addi %mul3A_2, %add3A_1578 : i32
    %jit3A_1580 = arith.constant 2 : i32
    %div3A_1581 = arith.divsi %add3A_1579, %jit3A_1580 : i32
    %sign3A_1582 = arith.constant 0 : i32
    %sign3A_1583 = arith.cmpi sgt, %add3A_1579, %sign3A_1582 : i32
    %sign3A_1584 = arith.extui %sign3A_1583 : i1 to i32
    %sign3A_1585 = arith.constant 0 : i32
    %sign3A_1586 = arith.cmpi slt, %add3A_1579, %sign3A_1585 : i32
    %sign3A_1587 = arith.extui %sign3A_1586 : i1 to i32
    %sign3A_1588 = arith.subi %sign3A_1584, %sign3A_1587 : i32
    %sign3A_1589 = arith.constant 0 : i32
    %sign3A_1590 = arith.cmpi sgt, %jit3A_1580, %sign3A_1589 : i32
    %sign3A_1591 = arith.extui %sign3A_1590 : i1 to i32
    %sign3A_1592 = arith.constant 0 : i32
    %sign3A_1593 = arith.cmpi slt, %jit3A_1580, %sign3A_1592 : i32
    %sign3A_1594 = arith.extui %sign3A_1593 : i1 to i32
    %sign3A_1595 = arith.subi %sign3A_1591, %sign3A_1594 : i32
    %ne3A_1596 = arith.cmpi ne, %sign3A_1588, %sign3A_1595 : i32
    %rem3A_1597 = arith.remsi %add3A_1579, %jit3A_1580 : i32
    %ne3A_1598 = arith.constant 0 : i32
    %ne3A_1599 = arith.cmpi ne, %rem3A_1597, %ne3A_1598 : i32
    %and3A_1600 = arith.andi %ne3A_1596, %ne3A_1599 : i1
    %sub3A_1601 = arith.constant 1 : i32
    %sub3A_1602 = arith.subi %div3A_1581, %sub3A_1601 : i32
    %select_n3A_1603 = arith.select %and3A_1600, %sub3A_1602, %div3A_1581 : i32
    %mul3A_1604 = arith.constant 2 : i32
    %mul3A_1605 = arith.muli %select_n3A_1603, %mul3A_1604 : i32
    %sub3A_1606 = arith.subi %add3A_1579, %mul3A_1605 : i32
    %mul3A_1607 = arith.constant 100 : i32
    %mul3A_1608 = arith.muli %sub3A_1606, %mul3A_1607 : i32
    %dma_wait3A_1609 = arith.constant 2 : i32
    %dma_wait3A_1610 = arith.constant 0 : i32
    %dma_wait3A_1611 = arith.constant 0 : i32
    %dma_wait3A_1612 = tpu.memref_slice %arg6[%dma_wait3A_1609, %dma_wait3A_1610, %dma_wait3A_1611] : memref<8x100x64xf32, #tpu.memory_space<vmem>> -> memref<1x100x64xf32, #tpu.memory_space<vmem>>
    %dma_wait3A_1613 = tpu.memref_squeeze %dma_wait3A_1612 : memref<1x100x64xf32, #tpu.memory_space<vmem>> -> memref<100x64xf32, #tpu.memory_space<vmem>>
    %dma_wait3A_1614 = arith.constant 0 : i32
    %dma_wait3A_1615 = tpu.memref_slice %arg4[%select_n3A_1603, %mul3A_1608, %dma_wait3A_1614] : memref<4096x200x64xf32, #tpu.memory_space<hbm>> -> memref<1x100x64xf32, #tpu.memory_space<hbm>>
    %dma_wait3A_1616 = tpu.memref_squeeze %dma_wait3A_1615 : memref<1x100x64xf32, #tpu.memory_space<hbm>> -> memref<100x64xf32, #tpu.memory_space<hbm>>
    %dma_wait3A_1617 = arith.constant 0 : i32
    %dma_wait3A_1618 = tpu.memref_slice %arg4[%select_n3A_1603, %mul3A_1608, %dma_wait3A_1617] : memref<4096x200x64xf32, #tpu.memory_space<hbm>> -> memref<1x100x64xf32, #tpu.memory_space<hbm>>
    %dma_wait3A_1619 = tpu.memref_squeeze %dma_wait3A_1618 : memref<1x100x64xf32, #tpu.memory_space<hbm>> -> memref<100x64xf32, #tpu.memory_space<hbm>>
    %dma_wait3A_1620 = arith.constant 0 : i32
    %dma_wait3A_1621 = arith.constant 0 : i32
    %dma_wait3A_1622 = tpu.memref_slice %arg6[%dma_wait3A_1609, %dma_wait3A_1620, %dma_wait3A_1621] : memref<8x100x64xf32, #tpu.memory_space<vmem>> -> memref<1x100x64xf32, #tpu.memory_space<vmem>>
    %dma_wait3A_1623 = tpu.memref_squeeze %dma_wait3A_1622 : memref<1x100x64xf32, #tpu.memory_space<vmem>> -> memref<100x64xf32, #tpu.memory_space<vmem>>
    tpu.wait_dma2 semaphore(%arg17 : memref<!tpu.dma_semaphore, #tpu.memory_space<semaphore_mem>>) src(%dma_wait3A_1623 : memref<100x64xf32, #tpu.memory_space<vmem>>) dst(%dma_wait3A_1619 : memref<100x64xf32, #tpu.memory_space<hbm>>)
    %add3A_1624 = arith.constant 251 : i32
    %add3A_1625 = arith.addi %mul3A_2, %add3A_1624 : i32
    %jit3A_1626 = arith.constant 2 : i32
    %div3A_1627 = arith.divsi %add3A_1625, %jit3A_1626 : i32
    %sign3A_1628 = arith.constant 0 : i32
    %sign3A_1629 = arith.cmpi sgt, %add3A_1625, %sign3A_1628 : i32
    %sign3A_1630 = arith.extui %sign3A_1629 : i1 to i32
    %sign3A_1631 = arith.constant 0 : i32
    %sign3A_1632 = arith.cmpi slt, %add3A_1625, %sign3A_1631 : i32
    %sign3A_1633 = arith.extui %sign3A_1632 : i1 to i32
    %sign3A_1634 = arith.subi %sign3A_1630, %sign3A_1633 : i32
    %sign3A_1635 = arith.constant 0 : i32
    %sign3A_1636 = arith.cmpi sgt, %jit3A_1626, %sign3A_1635 : i32
    %sign3A_1637 = arith.extui %sign3A_1636 : i1 to i32
    %sign3A_1638 = arith.constant 0 : i32
    %sign3A_1639 = arith.cmpi slt, %jit3A_1626, %sign3A_1638 : i32
    %sign3A_1640 = arith.extui %sign3A_1639 : i1 to i32
    %sign3A_1641 = arith.subi %sign3A_1637, %sign3A_1640 : i32
    %ne3A_1642 = arith.cmpi ne, %sign3A_1634, %sign3A_1641 : i32
    %rem3A_1643 = arith.remsi %add3A_1625, %jit3A_1626 : i32
    %ne3A_1644 = arith.constant 0 : i32
    %ne3A_1645 = arith.cmpi ne, %rem3A_1643, %ne3A_1644 : i32
    %and3A_1646 = arith.andi %ne3A_1642, %ne3A_1645 : i1
    %sub3A_1647 = arith.constant 1 : i32
    %sub3A_1648 = arith.subi %div3A_1627, %sub3A_1647 : i32
    %select_n3A_1649 = arith.select %and3A_1646, %sub3A_1648, %div3A_1627 : i32
    %mul3A_1650 = arith.constant 2 : i32
    %mul3A_1651 = arith.muli %select_n3A_1649, %mul3A_1650 : i32
    %sub3A_1652 = arith.subi %add3A_1625, %mul3A_1651 : i32
    %mul3A_1653 = arith.constant 100 : i32
    %mul3A_1654 = arith.muli %sub3A_1652, %mul3A_1653 : i32
    %dma_wait3A_1655 = arith.constant 3 : i32
    %dma_wait3A_1656 = arith.constant 0 : i32
    %dma_wait3A_1657 = arith.constant 0 : i32
    %dma_wait3A_1658 = tpu.memref_slice %arg6[%dma_wait3A_1655, %dma_wait3A_1656, %dma_wait3A_1657] : memref<8x100x64xf32, #tpu.memory_space<vmem>> -> memref<1x100x64xf32, #tpu.memory_space<vmem>>
    %dma_wait3A_1659 = tpu.memref_squeeze %dma_wait3A_1658 : memref<1x100x64xf32, #tpu.memory_space<vmem>> -> memref<100x64xf32, #tpu.memory_space<vmem>>
    %dma_wait3A_1660 = arith.constant 0 : i32
    %dma_wait3A_1661 = tpu.memref_slice %arg4[%select_n3A_1649, %mul3A_1654, %dma_wait3A_1660] : memref<4096x200x64xf32, #tpu.memory_space<hbm>> -> memref<1x100x64xf32, #tpu.memory_space<hbm>>
    %dma_wait3A_1662 = tpu.memref_squeeze %dma_wait3A_1661 : memref<1x100x64xf32, #tpu.memory_space<hbm>> -> memref<100x64xf32, #tpu.memory_space<hbm>>
    %dma_wait3A_1663 = arith.constant 0 : i32
    %dma_wait3A_1664 = tpu.memref_slice %arg4[%select_n3A_1649, %mul3A_1654, %dma_wait3A_1663] : memref<4096x200x64xf32, #tpu.memory_space<hbm>> -> memref<1x100x64xf32, #tpu.memory_space<hbm>>
    %dma_wait3A_1665 = tpu.memref_squeeze %dma_wait3A_1664 : memref<1x100x64xf32, #tpu.memory_space<hbm>> -> memref<100x64xf32, #tpu.memory_space<hbm>>
    %dma_wait3A_1666 = arith.constant 0 : i32
    %dma_wait3A_1667 = arith.constant 0 : i32
    %dma_wait3A_1668 = tpu.memref_slice %arg6[%dma_wait3A_1655, %dma_wait3A_1666, %dma_wait3A_1667] : memref<8x100x64xf32, #tpu.memory_space<vmem>> -> memref<1x100x64xf32, #tpu.memory_space<vmem>>
    %dma_wait3A_1669 = tpu.memref_squeeze %dma_wait3A_1668 : memref<1x100x64xf32, #tpu.memory_space<vmem>> -> memref<100x64xf32, #tpu.memory_space<vmem>>
    tpu.wait_dma2 semaphore(%arg18 : memref<!tpu.dma_semaphore, #tpu.memory_space<semaphore_mem>>) src(%dma_wait3A_1669 : memref<100x64xf32, #tpu.memory_space<vmem>>) dst(%dma_wait3A_1665 : memref<100x64xf32, #tpu.memory_space<hbm>>)
    %add3A_1670 = arith.constant 252 : i32
    %add3A_1671 = arith.addi %mul3A_2, %add3A_1670 : i32
    %jit3A_1672 = arith.constant 2 : i32
    %div3A_1673 = arith.divsi %add3A_1671, %jit3A_1672 : i32
    %sign3A_1674 = arith.constant 0 : i32
    %sign3A_1675 = arith.cmpi sgt, %add3A_1671, %sign3A_1674 : i32
    %sign3A_1676 = arith.extui %sign3A_1675 : i1 to i32
    %sign3A_1677 = arith.constant 0 : i32
    %sign3A_1678 = arith.cmpi slt, %add3A_1671, %sign3A_1677 : i32
    %sign3A_1679 = arith.extui %sign3A_1678 : i1 to i32
    %sign3A_1680 = arith.subi %sign3A_1676, %sign3A_1679 : i32
    %sign3A_1681 = arith.constant 0 : i32
    %sign3A_1682 = arith.cmpi sgt, %jit3A_1672, %sign3A_1681 : i32
    %sign3A_1683 = arith.extui %sign3A_1682 : i1 to i32
    %sign3A_1684 = arith.constant 0 : i32
    %sign3A_1685 = arith.cmpi slt, %jit3A_1672, %sign3A_1684 : i32
    %sign3A_1686 = arith.extui %sign3A_1685 : i1 to i32
    %sign3A_1687 = arith.subi %sign3A_1683, %sign3A_1686 : i32
    %ne3A_1688 = arith.cmpi ne, %sign3A_1680, %sign3A_1687 : i32
    %rem3A_1689 = arith.remsi %add3A_1671, %jit3A_1672 : i32
    %ne3A_1690 = arith.constant 0 : i32
    %ne3A_1691 = arith.cmpi ne, %rem3A_1689, %ne3A_1690 : i32
    %and3A_1692 = arith.andi %ne3A_1688, %ne3A_1691 : i1
    %sub3A_1693 = arith.constant 1 : i32
    %sub3A_1694 = arith.subi %div3A_1673, %sub3A_1693 : i32
    %select_n3A_1695 = arith.select %and3A_1692, %sub3A_1694, %div3A_1673 : i32
    %mul3A_1696 = arith.constant 2 : i32
    %mul3A_1697 = arith.muli %select_n3A_1695, %mul3A_1696 : i32
    %sub3A_1698 = arith.subi %add3A_1671, %mul3A_1697 : i32
    %mul3A_1699 = arith.constant 100 : i32
    %mul3A_1700 = arith.muli %sub3A_1698, %mul3A_1699 : i32
    %dma_wait3A_1701 = arith.constant 4 : i32
    %dma_wait3A_1702 = arith.constant 0 : i32
    %dma_wait3A_1703 = arith.constant 0 : i32
    %dma_wait3A_1704 = tpu.memref_slice %arg6[%dma_wait3A_1701, %dma_wait3A_1702, %dma_wait3A_1703] : memref<8x100x64xf32, #tpu.memory_space<vmem>> -> memref<1x100x64xf32, #tpu.memory_space<vmem>>
    %dma_wait3A_1705 = tpu.memref_squeeze %dma_wait3A_1704 : memref<1x100x64xf32, #tpu.memory_space<vmem>> -> memref<100x64xf32, #tpu.memory_space<vmem>>
    %dma_wait3A_1706 = arith.constant 0 : i32
    %dma_wait3A_1707 = tpu.memref_slice %arg4[%select_n3A_1695, %mul3A_1700, %dma_wait3A_1706] : memref<4096x200x64xf32, #tpu.memory_space<hbm>> -> memref<1x100x64xf32, #tpu.memory_space<hbm>>
    %dma_wait3A_1708 = tpu.memref_squeeze %dma_wait3A_1707 : memref<1x100x64xf32, #tpu.memory_space<hbm>> -> memref<100x64xf32, #tpu.memory_space<hbm>>
    %dma_wait3A_1709 = arith.constant 0 : i32
    %dma_wait3A_1710 = tpu.memref_slice %arg4[%select_n3A_1695, %mul3A_1700, %dma_wait3A_1709] : memref<4096x200x64xf32, #tpu.memory_space<hbm>> -> memref<1x100x64xf32, #tpu.memory_space<hbm>>
    %dma_wait3A_1711 = tpu.memref_squeeze %dma_wait3A_1710 : memref<1x100x64xf32, #tpu.memory_space<hbm>> -> memref<100x64xf32, #tpu.memory_space<hbm>>
    %dma_wait3A_1712 = arith.constant 0 : i32
    %dma_wait3A_1713 = arith.constant 0 : i32
    %dma_wait3A_1714 = tpu.memref_slice %arg6[%dma_wait3A_1701, %dma_wait3A_1712, %dma_wait3A_1713] : memref<8x100x64xf32, #tpu.memory_space<vmem>> -> memref<1x100x64xf32, #tpu.memory_space<vmem>>
    %dma_wait3A_1715 = tpu.memref_squeeze %dma_wait3A_1714 : memref<1x100x64xf32, #tpu.memory_space<vmem>> -> memref<100x64xf32, #tpu.memory_space<vmem>>
    tpu.wait_dma2 semaphore(%arg19 : memref<!tpu.dma_semaphore, #tpu.memory_space<semaphore_mem>>) src(%dma_wait3A_1715 : memref<100x64xf32, #tpu.memory_space<vmem>>) dst(%dma_wait3A_1711 : memref<100x64xf32, #tpu.memory_space<hbm>>)
    %add3A_1716 = arith.constant 253 : i32
    %add3A_1717 = arith.addi %mul3A_2, %add3A_1716 : i32
    %jit3A_1718 = arith.constant 2 : i32
    %div3A_1719 = arith.divsi %add3A_1717, %jit3A_1718 : i32
    %sign3A_1720 = arith.constant 0 : i32
    %sign3A_1721 = arith.cmpi sgt, %add3A_1717, %sign3A_1720 : i32
    %sign3A_1722 = arith.extui %sign3A_1721 : i1 to i32
    %sign3A_1723 = arith.constant 0 : i32
    %sign3A_1724 = arith.cmpi slt, %add3A_1717, %sign3A_1723 : i32
    %sign3A_1725 = arith.extui %sign3A_1724 : i1 to i32
    %sign3A_1726 = arith.subi %sign3A_1722, %sign3A_1725 : i32
    %sign3A_1727 = arith.constant 0 : i32
    %sign3A_1728 = arith.cmpi sgt, %jit3A_1718, %sign3A_1727 : i32
    %sign3A_1729 = arith.extui %sign3A_1728 : i1 to i32
    %sign3A_1730 = arith.constant 0 : i32
    %sign3A_1731 = arith.cmpi slt, %jit3A_1718, %sign3A_1730 : i32
    %sign3A_1732 = arith.extui %sign3A_1731 : i1 to i32
    %sign3A_1733 = arith.subi %sign3A_1729, %sign3A_1732 : i32
    %ne3A_1734 = arith.cmpi ne, %sign3A_1726, %sign3A_1733 : i32
    %rem3A_1735 = arith.remsi %add3A_1717, %jit3A_1718 : i32
    %ne3A_1736 = arith.constant 0 : i32
    %ne3A_1737 = arith.cmpi ne, %rem3A_1735, %ne3A_1736 : i32
    %and3A_1738 = arith.andi %ne3A_1734, %ne3A_1737 : i1
    %sub3A_1739 = arith.constant 1 : i32
    %sub3A_1740 = arith.subi %div3A_1719, %sub3A_1739 : i32
    %select_n3A_1741 = arith.select %and3A_1738, %sub3A_1740, %div3A_1719 : i32
    %mul3A_1742 = arith.constant 2 : i32
    %mul3A_1743 = arith.muli %select_n3A_1741, %mul3A_1742 : i32
    %sub3A_1744 = arith.subi %add3A_1717, %mul3A_1743 : i32
    %mul3A_1745 = arith.constant 100 : i32
    %mul3A_1746 = arith.muli %sub3A_1744, %mul3A_1745 : i32
    %dma_wait3A_1747 = arith.constant 5 : i32
    %dma_wait3A_1748 = arith.constant 0 : i32
    %dma_wait3A_1749 = arith.constant 0 : i32
    %dma_wait3A_1750 = tpu.memref_slice %arg6[%dma_wait3A_1747, %dma_wait3A_1748, %dma_wait3A_1749] : memref<8x100x64xf32, #tpu.memory_space<vmem>> -> memref<1x100x64xf32, #tpu.memory_space<vmem>>
    %dma_wait3A_1751 = tpu.memref_squeeze %dma_wait3A_1750 : memref<1x100x64xf32, #tpu.memory_space<vmem>> -> memref<100x64xf32, #tpu.memory_space<vmem>>
    %dma_wait3A_1752 = arith.constant 0 : i32
    %dma_wait3A_1753 = tpu.memref_slice %arg4[%select_n3A_1741, %mul3A_1746, %dma_wait3A_1752] : memref<4096x200x64xf32, #tpu.memory_space<hbm>> -> memref<1x100x64xf32, #tpu.memory_space<hbm>>
    %dma_wait3A_1754 = tpu.memref_squeeze %dma_wait3A_1753 : memref<1x100x64xf32, #tpu.memory_space<hbm>> -> memref<100x64xf32, #tpu.memory_space<hbm>>
    %dma_wait3A_1755 = arith.constant 0 : i32
    %dma_wait3A_1756 = tpu.memref_slice %arg4[%select_n3A_1741, %mul3A_1746, %dma_wait3A_1755] : memref<4096x200x64xf32, #tpu.memory_space<hbm>> -> memref<1x100x64xf32, #tpu.memory_space<hbm>>
    %dma_wait3A_1757 = tpu.memref_squeeze %dma_wait3A_1756 : memref<1x100x64xf32, #tpu.memory_space<hbm>> -> memref<100x64xf32, #tpu.memory_space<hbm>>
    %dma_wait3A_1758 = arith.constant 0 : i32
    %dma_wait3A_1759 = arith.constant 0 : i32
    %dma_wait3A_1760 = tpu.memref_slice %arg6[%dma_wait3A_1747, %dma_wait3A_1758, %dma_wait3A_1759] : memref<8x100x64xf32, #tpu.memory_space<vmem>> -> memref<1x100x64xf32, #tpu.memory_space<vmem>>
    %dma_wait3A_1761 = tpu.memref_squeeze %dma_wait3A_1760 : memref<1x100x64xf32, #tpu.memory_space<vmem>> -> memref<100x64xf32, #tpu.memory_space<vmem>>
    tpu.wait_dma2 semaphore(%arg20 : memref<!tpu.dma_semaphore, #tpu.memory_space<semaphore_mem>>) src(%dma_wait3A_1761 : memref<100x64xf32, #tpu.memory_space<vmem>>) dst(%dma_wait3A_1757 : memref<100x64xf32, #tpu.memory_space<hbm>>)
    %add3A_1762 = arith.constant 254 : i32
    %add3A_1763 = arith.addi %mul3A_2, %add3A_1762 : i32
    %jit3A_1764 = arith.constant 2 : i32
    %div3A_1765 = arith.divsi %add3A_1763, %jit3A_1764 : i32
    %sign3A_1766 = arith.constant 0 : i32
    %sign3A_1767 = arith.cmpi sgt, %add3A_1763, %sign3A_1766 : i32
    %sign3A_1768 = arith.extui %sign3A_1767 : i1 to i32
    %sign3A_1769 = arith.constant 0 : i32
    %sign3A_1770 = arith.cmpi slt, %add3A_1763, %sign3A_1769 : i32
    %sign3A_1771 = arith.extui %sign3A_1770 : i1 to i32
    %sign3A_1772 = arith.subi %sign3A_1768, %sign3A_1771 : i32
    %sign3A_1773 = arith.constant 0 : i32
    %sign3A_1774 = arith.cmpi sgt, %jit3A_1764, %sign3A_1773 : i32
    %sign3A_1775 = arith.extui %sign3A_1774 : i1 to i32
    %sign3A_1776 = arith.constant 0 : i32
    %sign3A_1777 = arith.cmpi slt, %jit3A_1764, %sign3A_1776 : i32
    %sign3A_1778 = arith.extui %sign3A_1777 : i1 to i32
    %sign3A_1779 = arith.subi %sign3A_1775, %sign3A_1778 : i32
    %ne3A_1780 = arith.cmpi ne, %sign3A_1772, %sign3A_1779 : i32
    %rem3A_1781 = arith.remsi %add3A_1763, %jit3A_1764 : i32
    %ne3A_1782 = arith.constant 0 : i32
    %ne3A_1783 = arith.cmpi ne, %rem3A_1781, %ne3A_1782 : i32
    %and3A_1784 = arith.andi %ne3A_1780, %ne3A_1783 : i1
    %sub3A_1785 = arith.constant 1 : i32
    %sub3A_1786 = arith.subi %div3A_1765, %sub3A_1785 : i32
    %select_n3A_1787 = arith.select %and3A_1784, %sub3A_1786, %div3A_1765 : i32
    %mul3A_1788 = arith.constant 2 : i32
    %mul3A_1789 = arith.muli %select_n3A_1787, %mul3A_1788 : i32
    %sub3A_1790 = arith.subi %add3A_1763, %mul3A_1789 : i32
    %mul3A_1791 = arith.constant 100 : i32
    %mul3A_1792 = arith.muli %sub3A_1790, %mul3A_1791 : i32
    %dma_wait3A_1793 = arith.constant 6 : i32
    %dma_wait3A_1794 = arith.constant 0 : i32
    %dma_wait3A_1795 = arith.constant 0 : i32
    %dma_wait3A_1796 = tpu.memref_slice %arg6[%dma_wait3A_1793, %dma_wait3A_1794, %dma_wait3A_1795] : memref<8x100x64xf32, #tpu.memory_space<vmem>> -> memref<1x100x64xf32, #tpu.memory_space<vmem>>
    %dma_wait3A_1797 = tpu.memref_squeeze %dma_wait3A_1796 : memref<1x100x64xf32, #tpu.memory_space<vmem>> -> memref<100x64xf32, #tpu.memory_space<vmem>>
    %dma_wait3A_1798 = arith.constant 0 : i32
    %dma_wait3A_1799 = tpu.memref_slice %arg4[%select_n3A_1787, %mul3A_1792, %dma_wait3A_1798] : memref<4096x200x64xf32, #tpu.memory_space<hbm>> -> memref<1x100x64xf32, #tpu.memory_space<hbm>>
    %dma_wait3A_1800 = tpu.memref_squeeze %dma_wait3A_1799 : memref<1x100x64xf32, #tpu.memory_space<hbm>> -> memref<100x64xf32, #tpu.memory_space<hbm>>
    %dma_wait3A_1801 = arith.constant 0 : i32
    %dma_wait3A_1802 = tpu.memref_slice %arg4[%select_n3A_1787, %mul3A_1792, %dma_wait3A_1801] : memref<4096x200x64xf32, #tpu.memory_space<hbm>> -> memref<1x100x64xf32, #tpu.memory_space<hbm>>
    %dma_wait3A_1803 = tpu.memref_squeeze %dma_wait3A_1802 : memref<1x100x64xf32, #tpu.memory_space<hbm>> -> memref<100x64xf32, #tpu.memory_space<hbm>>
    %dma_wait3A_1804 = arith.constant 0 : i32
    %dma_wait3A_1805 = arith.constant 0 : i32
    %dma_wait3A_1806 = tpu.memref_slice %arg6[%dma_wait3A_1793, %dma_wait3A_1804, %dma_wait3A_1805] : memref<8x100x64xf32, #tpu.memory_space<vmem>> -> memref<1x100x64xf32, #tpu.memory_space<vmem>>
    %dma_wait3A_1807 = tpu.memref_squeeze %dma_wait3A_1806 : memref<1x100x64xf32, #tpu.memory_space<vmem>> -> memref<100x64xf32, #tpu.memory_space<vmem>>
    tpu.wait_dma2 semaphore(%arg21 : memref<!tpu.dma_semaphore, #tpu.memory_space<semaphore_mem>>) src(%dma_wait3A_1807 : memref<100x64xf32, #tpu.memory_space<vmem>>) dst(%dma_wait3A_1803 : memref<100x64xf32, #tpu.memory_space<hbm>>)
    %add3A_1808 = arith.constant 255 : i32
    %add3A_1809 = arith.addi %mul3A_2, %add3A_1808 : i32
    %jit3A_1810 = arith.constant 2 : i32
    %div3A_1811 = arith.divsi %add3A_1809, %jit3A_1810 : i32
    %sign3A_1812 = arith.constant 0 : i32
    %sign3A_1813 = arith.cmpi sgt, %add3A_1809, %sign3A_1812 : i32
    %sign3A_1814 = arith.extui %sign3A_1813 : i1 to i32
    %sign3A_1815 = arith.constant 0 : i32
    %sign3A_1816 = arith.cmpi slt, %add3A_1809, %sign3A_1815 : i32
    %sign3A_1817 = arith.extui %sign3A_1816 : i1 to i32
    %sign3A_1818 = arith.subi %sign3A_1814, %sign3A_1817 : i32
    %sign3A_1819 = arith.constant 0 : i32
    %sign3A_1820 = arith.cmpi sgt, %jit3A_1810, %sign3A_1819 : i32
    %sign3A_1821 = arith.extui %sign3A_1820 : i1 to i32
    %sign3A_1822 = arith.constant 0 : i32
    %sign3A_1823 = arith.cmpi slt, %jit3A_1810, %sign3A_1822 : i32
    %sign3A_1824 = arith.extui %sign3A_1823 : i1 to i32
    %sign3A_1825 = arith.subi %sign3A_1821, %sign3A_1824 : i32
    %ne3A_1826 = arith.cmpi ne, %sign3A_1818, %sign3A_1825 : i32
    %rem3A_1827 = arith.remsi %add3A_1809, %jit3A_1810 : i32
    %ne3A_1828 = arith.constant 0 : i32
    %ne3A_1829 = arith.cmpi ne, %rem3A_1827, %ne3A_1828 : i32
    %and3A_1830 = arith.andi %ne3A_1826, %ne3A_1829 : i1
    %sub3A_1831 = arith.constant 1 : i32
    %sub3A_1832 = arith.subi %div3A_1811, %sub3A_1831 : i32
    %select_n3A_1833 = arith.select %and3A_1830, %sub3A_1832, %div3A_1811 : i32
    %mul3A_1834 = arith.constant 2 : i32
    %mul3A_1835 = arith.muli %select_n3A_1833, %mul3A_1834 : i32
    %sub3A_1836 = arith.subi %add3A_1809, %mul3A_1835 : i32
    %mul3A_1837 = arith.constant 100 : i32
    %mul3A_1838 = arith.muli %sub3A_1836, %mul3A_1837 : i32
    %dma_wait3A_1839 = arith.constant 7 : i32
    %dma_wait3A_1840 = arith.constant 0 : i32
    %dma_wait3A_1841 = arith.constant 0 : i32
    %dma_wait3A_1842 = tpu.memref_slice %arg6[%dma_wait3A_1839, %dma_wait3A_1840, %dma_wait3A_1841] : memref<8x100x64xf32, #tpu.memory_space<vmem>> -> memref<1x100x64xf32, #tpu.memory_space<vmem>>
    %dma_wait3A_1843 = tpu.memref_squeeze %dma_wait3A_1842 : memref<1x100x64xf32, #tpu.memory_space<vmem>> -> memref<100x64xf32, #tpu.memory_space<vmem>>
    %dma_wait3A_1844 = arith.constant 0 : i32
    %dma_wait3A_1845 = tpu.memref_slice %arg4[%select_n3A_1833, %mul3A_1838, %dma_wait3A_1844] : memref<4096x200x64xf32, #tpu.memory_space<hbm>> -> memref<1x100x64xf32, #tpu.memory_space<hbm>>
    %dma_wait3A_1846 = tpu.memref_squeeze %dma_wait3A_1845 : memref<1x100x64xf32, #tpu.memory_space<hbm>> -> memref<100x64xf32, #tpu.memory_space<hbm>>
    %dma_wait3A_1847 = arith.constant 0 : i32
    %dma_wait3A_1848 = tpu.memref_slice %arg4[%select_n3A_1833, %mul3A_1838, %dma_wait3A_1847] : memref<4096x200x64xf32, #tpu.memory_space<hbm>> -> memref<1x100x64xf32, #tpu.memory_space<hbm>>
    %dma_wait3A_1849 = tpu.memref_squeeze %dma_wait3A_1848 : memref<1x100x64xf32, #tpu.memory_space<hbm>> -> memref<100x64xf32, #tpu.memory_space<hbm>>
    %dma_wait3A_1850 = arith.constant 0 : i32
    %dma_wait3A_1851 = arith.constant 0 : i32
    %dma_wait3A_1852 = tpu.memref_slice %arg6[%dma_wait3A_1839, %dma_wait3A_1850, %dma_wait3A_1851] : memref<8x100x64xf32, #tpu.memory_space<vmem>> -> memref<1x100x64xf32, #tpu.memory_space<vmem>>
    %dma_wait3A_1853 = tpu.memref_squeeze %dma_wait3A_1852 : memref<1x100x64xf32, #tpu.memory_space<vmem>> -> memref<100x64xf32, #tpu.memory_space<vmem>>
    tpu.wait_dma2 semaphore(%arg22 : memref<!tpu.dma_semaphore, #tpu.memory_space<semaphore_mem>>) src(%dma_wait3A_1853 : memref<100x64xf32, #tpu.memory_space<vmem>>) dst(%dma_wait3A_1849 : memref<100x64xf32, #tpu.memory_space<hbm>>)
    return
  }
}

</mosaic_0001>

<sc_bundles>
// kernel: _sc_gather.3.cloned.1.call-start
scs
__scs_entry_jumppad:
0x0: {  	(pc) =	sbr.rel $0x88, $3  }
0x1: {  	(tag) =	ssettag $0x0;
	lr =	simm.s32 $0x1  }
0x2: {  	[smem:$0x3F9F] =	sst lr;
	_ =	strace $0xD0000000  }
0x3: {  	_ = 	snop  }
0x4: {  	_ = 	snop  }
0x5: {  	_ = 	snop  }
0x6: {  	_ = 	snop  }
0x7: {  	_ = 	snop  }
__scs_overlays_trampoline_lowered:
0x8: {  	[smem:$0x3FAE] =	sst s0  }
0x9: {  	[smem:$0x3FAF] =	sst s1  }
0xa: {  	[smem:$0x3FB0] =	sst s2  }
0xb: {  	[smem:$0x3FB1] =	sst s3  }
0xc: {  	[smem:$0x3FB2] =	sst s4  }
0xd: {  	[smem:$0x3FB3] =	sst s5  }
0xe: {  	[smem:$0x3FB4] =	sst s6  }
0xf: {  	[smem:$0x3FB5] =	sst s7  }
0x10: {  	[smem:$0x3FB6] =	sst s8  }
0x11: {  	[smem:$0x3FB7] =	sst s9;
	s0 =	simm.s32 @!p0 $0x0  }
0x12: {  	s1 =	sld [smem:$0x3F9D];
	s0 =	simm.s32 @p0 $0x1  }
0x13: {  	[smem:$0x3FB8] =	sst s0;
	s0 =	simm.s32 @!p1 $0x0  }
0x14: {  	s2 =	sld [smem:$0x3F9C];
	s0 =	simm.s32 @p1 $0x1  }
0x15: {  	[smem:$0x3FB9] =	sst s0;
	s0 =	simm.s32 @!p2 $0x0  }
0x16: {  	s3 =	sld [smem:$0x3FDB];
	s0 =	simm.s32 @p2 $0x1  }
0x17: {  	s4 =	simm.s32 $0x1BF5;
	[smem:$0x3FBB] =	sst s0  }
0x18: {  	s0 =	sld [smem:$0x3F9E];
	_ =	swait.ge [sflag:s4], $0x0  }
0x19: {  	s7 =	sld [smem:$0x3F9F]  }
0x1a: {  	s8 =	sadd.s32 $0xFFFFE003, lr  }
0x1b: {  	s9 =	sadd.s32 $0xFFFFFEF7, lr;
	s5 =	simm.s32 $0xFFFFFFFF;
	p2 =	slt.u32 s8, $0xFFFFF086  }
0x1c: {  	p1 =	slt.u32 s9, $0xF7A;
	s5 =	simm.s32 @!p2 $0x0  }
0x1d: {  	s5 =	simm.s32 @p1 $0x1;
	p0 =	seq.s32 s7, s2  }
0x1e: {  	s7 =	smul.u32 @!p0 $0xF7A, s2;
	p2 =	seq.s32 @!p0 s5, $0x0  }
0x1f: {  	s9 =	smul.u32 $0xF7A, s1;
	s8 =	simm.s32 @!p0 $0x1BF5;
	p2 =	por !p2, p0  }
0x20: {  	[sflag:s8] =	ssyncset.s32 @!p0 $0xFFFFF086;
	s6 =	sadd.s32 @!p0 s3, s7;
	s7 =	simm.s32 @!p0 $0x108  }
0x21: {  	s3 =	sadd.s32 s3, s9;
	s6 =	sadd.s32 @!p0 $0x88, s6;
	s7 =	simm.s32 @p2 $0x1082  }
0x22: {  	[simem:s7], [sflag:s8] =	dma.local @!p0 [hbm:s6], $0xF7A  }
0x23: {  	s9 =	sor.u32 $0xD0000000, s2;
	s6 =	simm.s32 $0x108;
	_ =	swait.ge @!p0 [sflag:s8], $0x0  }
0x24: {  	s3 =	sadd.s32 $0x88, s3;
	s6 =	simm.s32 @!p1 $0x1082;
	[sflag:s4] =	ssyncset.s32 $0xFFFFF086  }
0x25: {  	[simem:s6], [sflag:s4] =	dma.local [hbm:s3], $0xF7A  }
0x26: {  	[smem:$0x3F9F] =	sst s1;
	(tag) =	ssettag s2;
	_ =	strace s9  }
0x27: {  	s1 =	sld [smem:$0x3FAF]  }
0x28: {  	s2 =	sld [smem:$0x3FB0]  }
0x29: {  	s4 =	sld [smem:$0x3FB2]  }
0x2a: {  	p0 =	seq.s32 s5, $0x0;
	s5 =	sld [smem:$0x3FB3]  }
0x2b: {  	s6 =	sld [smem:$0x3FB4]  }
0x2c: {  	s7 =	sld [smem:$0x3FB5]  }
0x2d: {  	s3 =	simm.s32 $0x108;
	s8 =	sld [smem:$0x3FB6]  }
0x2e: {  	s3 =	simm.s32 @!p0 $0x1082;
	s9 =	sld [smem:$0x3FB7]  }
0x2f: {  	lr =	sadd.s32 s0, s3;
	s0 =	sld [smem:$0x3FAE]  }
0x30: {  	s3 =	sld [smem:$0x3FB1]  }
0x31: {  	[smem:$0x3FBA] =	sst s10  }
0x32: {  	s10 =	sld [smem:$0x3FB8];
	_ =	sdelay $0x3  }
0x33: {  	p0 =	seq.s32 s10, $0x1;
	s10 =	sld [smem:$0x3FBA];
	_ =	sdelay $0x3  }
0x34: {  	[smem:$0x3FBA] =	sst s10  }
0x35: {  	s10 =	sld [smem:$0x3FB9];
	_ =	sdelay $0x3  }
0x36: {  	p1 =	seq.s32 s10, $0x1;
	s10 =	sld [smem:$0x3FBA];
	_ =	sdelay $0x3  }
0x37: {  	[smem:$0x3FBA] =	sst s10  }
0x38: {  	s10 =	sld [smem:$0x3FBB]  }
0x39: {  	_ = 	snop;
	(pc) =	sbr.ind lr, $3  }
0x3a: {  	_ = 	snop  }
0x3b: {  	_ = 	snop  }
0x3c: {  	p2 =	seq.s32 s10, $0x1;
	s10 =	sld [smem:$0x3FBA]  }
0x3d: {  	_ =	shalt  }
0x3e: {  	_ =	shalt  }
0x3f: {  	_ =	shalt  }
0x40: {  	_ =	shalt  }
0x41: {  	_ =	shalt  }
0x42: {  	_ =	shalt  }
0x43: {  	_ =	shalt  }
0x44: {  	_ =	shalt  }
0x45: {  	_ =	shalt  }
0x46: {  	_ =	shalt  }
0x47: {  	_ =	shalt  }
0x48: {  	_ =	shalt  }
0x49: {  	_ =	shalt  }
0x4a: {  	_ =	shalt  }
0x4b: {  	_ =	shalt  }
0x4c: {  	_ =	shalt  }
0x4d: {  	_ =	shalt  }
0x4e: {  	_ =	shalt  }
0x4f: {  	_ =	shalt  }
0x50: {  	_ =	shalt  }
0x51: {  	_ =	shalt  }
0x52: {  	_ =	shalt  }
0x53: {  	_ =	shalt  }
0x54: {  	_ =	shalt  }
0x55: {  	_ =	shalt  }
0x56: {  	_ =	shalt  }
0x57: {  	_ =	shalt  }
0x58: {  	_ =	shalt  }
0x59: {  	_ =	shalt  }
0x5a: {  	_ =	shalt  }
0x5b: {  	_ =	shalt  }
0x5c: {  	_ =	shalt  }
0x5d: {  	_ =	shalt  }
0x5e: {  	_ =	shalt  }
0x5f: {  	_ =	shalt  }
0x60: {  	_ =	shalt  }
0x61: {  	_ =	shalt  }
0x62: {  	_ =	shalt  }
0x63: {  	_ =	shalt  }
0x64: {  	_ =	shalt  }
0x65: {  	_ =	shalt  }
0x66: {  	_ =	shalt  }
0x67: {  	_ =	shalt  }
0x68: {  	_ =	shalt  }
0x69: {  	_ =	shalt  }
0x6a: {  	_ =	shalt  }
0x6b: {  	_ =	shalt  }
0x6c: {  	_ =	shalt  }
0x6d: {  	_ =	shalt  }
0x6e: {  	_ =	shalt  }
0x6f: {  	_ =	shalt  }
0x70: {  	_ =	shalt  }
0x71: {  	_ =	shalt  }
0x72: {  	_ =	shalt  }
0x73: {  	_ =	shalt  }
0x74: {  	_ =	shalt  }
0x75: {  	_ =	shalt  }
0x76: {  	_ =	shalt  }
0x77: {  	_ =	shalt  }
0x78: {  	_ =	shalt  }
0x79: {  	_ =	shalt  }
0x7a: {  	_ =	shalt  }
0x7b: {  	_ =	shalt  }
0x7c: {  	_ =	shalt  }
0x7d: {  	_ =	shalt  }
0x7e: {  	_ =	shalt  }
0x7f: {  	_ =	shalt  }
0x80: {  	_ =	shalt  }
0x81: {  	_ =	shalt  }
0x82: {  	_ =	shalt  }
0x83: {  	_ =	shalt  }
0x84: {  	_ =	shalt  }
0x85: {  	_ =	shalt  }
0x86: {  	_ =	shalt  }
0x87: {  	_ =	shalt  }
.Lfunc_end0:
.L_simem_size_0:
called_computation.1_lowered:
.L_overlay_start_0:
0x88: {  	s2 =	sld [smem:$0x3FD9]  }
0x89: {  	s3 =	sld [smem:$0x3FFE];
	_ =	sdelay $0x1  }
0x8a: {  	s1 =	srdreg.scid  }
0x8b: {  	s0 =	sand.u32 $0x1, s1  }
0x8c: {  	s17 =	sshll.u32 s0, $0xA;
	s2 =	sadd.s32 s3, s2  }
0x8d: {  	s2 =	sadd.s32 s2, s17  }
0x8e: {  	[smem:$0x3FC6] =	sst s2  }
0x8f: {  	_ = 	snop  }
0x90: {  	s2 =	sld [smem:$0x3FD0];
	(tm) =	ssettm $0x1  }
0x91: {  	s18 =	sld [smem:$0x3FFB];
	_ =	sdelay $0x3  }
0x92: {  	_ =	strace s18  }
0x93: {  	s3 =	sld [smem:$0x3FFC];
	_ =	sdelay $0x3  }
0x94: {  	_ =	strace s3  }
0x95: {  	s3 =	sld [smem:$0x3FFD];
	_ =	sdelay $0x3  }
0x96: {  	_ =	strace s3  }
0x97: {  	_ =	strace $0x8FFFFFFF  }
0x98: {  	s19 =	sld [smem:$0x3FDB];
	_ =	sdelay $0x1  }
0x99: {  	s4 =	simm.s32 $_scs_section_size  }
0x9a: {  	s5 =	simm.s32 $_size__tile_overlayer_lowered;
	s6 =	simm.s32 $_tile_overlayer_lowered  }
0x9b: {  	s22 =	simm.s32 $0x1BFF;
	s21 =	sshll.u32 s6, $0x1;
	s3 =	sadd.s32 s4, s19  }
0x9c: {  	s7 =	simm.s32 $0x0;
	s20 =	sshll.u32 s5, $0x1;
	s5 =	sadd.s32 s21, s3  }
0x9d: {  	[timem:s7], [sflag:s22] =	dma.local [hbm:s5], s20  }
0x9e: {  	_ =	swait.ge [sflag:s22], s20  }
0x9f: {  	s4 =	ssub.s32 $0x0, s20;
	[sflag:s22] =	ssyncset.done $0x0  }
0xa0: {  	[sflag:s22] =	ssyncadd.s32 s4;
	_ =	sdelay $0x1  }
0xa1: {  	s23 =	simm.s32 $0x1B8B  }
0xa2: {  	_ =	swait.ge [sflag:s23], $0x1  }
0xa3: {  	[sflag:s23] =	ssyncset.done $0x0  }
0xa4: {  	s25 =	simm.s32 $0x1B8E;
	s24 =	sld [smem:$0x3FFE];
	[sflag:s23] =	ssyncadd.s32 $0xFFFFFFFF  }
0xa5: {  	s26 =	simm.s32 $execute0_lowered;
	[smem:$0x3FD2] =	sst s25  }
0xa6: {  	s5 =	sshll.u32 s26, $0x1;
	_ =	strace $0x80000046;
	[dreg:$0x1] =	wrdreg $0xFFFFFFFF  }
0xa7: {  	s28 =	simm.s32 $_size_execute0_lowered;
	s3 =	sadd.s32 s3, s5;
	[dreg:$0x0] =	wrdreg $0x0  }
0xa8: {  	s5 =	sshll.u32 s28, $0x1;
	[dreg:$0x2] =	wrdreg s3  }
0xa9: {  	[dreg:$0x3] =	wrdreg s5  }
0xaa: {  	[dreg:$0x4] =	wrdreg $0xC0  }
0xab: {  	_ =	task [dreg:s7], $0x5FFFF  }
0xac: {  	[dreg:$0x1] =	wrdreg $0xFFFFFFFF  }
0xad: {  	[dreg:$0x0] =	wrdreg $0x60  }
0xae: {  	[dreg:$0x2] =	wrdreg s24  }
0xaf: {  	[dreg:$0x3] =	wrdreg s2  }
0xb0: {  	[dreg:$0x4] =	wrdreg $0x9  }
0xb1: {  	_ =	task.clear_ibuf [dreg:s7], $0x5FFFF;
	_ =	strace $0x90000046  }
0xb2: {  	s29 =	simm.s32 $0x9;
	_ =	strace $0x80000048  }
0xb3: {  	_ =	swait.ge [sflag:s29], $0x1  }
0xb4: {  	[sflag:s29] =	ssyncadd.s32 $0xFFFFFFFF  }
0xb5: {  	_ =	strace $0x90000048  }
0xb6: {  	_ =	sfence  }
0xb7: {  	s30 =	sld [smem:$0x0];
	_ =	sdelay $0x2  }
0xb8: {  	s31 =	sshll.u32 s1, $0xD;
	s1 =	sshrl.u32 s1, $0x2  }
0xb9: {  	s3 =	sand.u32 $0x4000, s31;
	s1 =	sadd.s32 s1, s30  }
0xba: {  	s0 =	sor.u32 s3, s0;
	s1 =	sshll.u32 s1, $0x11  }
0xbb: {  	s0 =	sor.u32 s1, s0  }
0xbc: {  	s0 =	sadd.s32 $0x8F2B, s0  }
0xbd: {  	[sflag:s0] =	ssyncadd.remote.s32 $0x1  }
0xbe: {  	_ =	sfence.sel $0xFFFF  }
0xbf: {  	[dreg:$0x0] =	wrdreg $0xFFFFFFFF;
	(pc) =	sbr.abs _section_cstart, $3  }
0xc0: {  	[dreg:$0x1] =	wrdreg $0xFFFFFFFF  }
0xc1: {  	_ =	task.clear_ibuf [dreg:s7], $0x2FFFF;
	_ =	strace $0x9FFFFFFF  }
0xc2: {  	(tm) =	ssettm $0x7FFFFFFF  }
0xc3: {  	_ =	shalt  }
tec
execute0_lowered:
.L_overlay_start_1:
0x0: {  	(tag) =	ssettag $0x1  }
0x1: {  	s1 =	srdreg.scid;
	s9 =	stileid.u32  }
0x2: {  	s0 =	rddreg [dreg:$0x0];
	s1 =	sand.u32 $0x1, s1;
	s2 =	sshll.u32 s9, $0x1  }
0x3: {  	s10 =	rddreg [dreg:$0x1];
	s3 =	simm.s32 $0x0;
	s2 =	sor.u32 s1, s2  }
0x4: {  	[smem:$0x7FF] =	sst s3;
	s4 =	sadd.s32 $0x1A800, s0;
	s5 =	smul.u32 $0xD00, s2  }
0x5: {  	s13 =	sshll.u32 s9, $0x9;
	_ =	strace $0x80000047;
	s7 =	smul.u32 $0x190000, s2  }
0x6: {  	s6 =	ssub.s32 $0x2, s1;
	s1 =	sshll.u32 s1, $0x8;
	s2 =	smul.u32 $0x32000, s2  }
0x7: {  	s8 =	sshrl.u32 s6, $0x1;
	s1 =	sor.u32 s1, s13;
	s13 =	simm.s32 $0x9  }
0x8: {  	s18 =	sor.u32 $0x8, s1;
	s0 =	sadd.s32 s5, s0;
	s29 =	sadd.s32 s10, s2  }
0x9: {  	s26 =	sshrl.u32 s7, $0x3;
	s0 =	sadd.s32 $0x800, s0;
	[dreg:$0x7] =	wrdreg s29  }
0xa: {  	s31 =	sadd.s32 s10, s26;
	s10 =	sadd.s32 $0x640, s29;
	[dreg:$0x6] =	wrdreg s0  }
0xb: {  	s20 =	sor.u32 $0xE, s1;
	s11 =	sadd.s32 $0x960, s29;
	[dreg:$0x9] =	wrdreg s10  }
0xc: {  	s1 =	sor.u32 $0xC, s1;
	s12 =	sadd.s32 $0xC80, s29;
	[dreg:$0xa] =	wrdreg s11  }
0xd: {  	s5 =	ssub.s32 s6, s8;
	s14 =	sadd.s32 $0xFA0, s29;
	[dreg:$0xb] =	wrdreg s12  }
0xe: {  	s2 =	sshrl.u32 s18, $0x1;
	s15 =	sadd.s32 $0x12C0, s29;
	[dreg:$0xc] =	wrdreg s14  }
0xf: {  	s6 =	sshrl.u32 s20, $0x1;
	s16 =	sadd.s32 $0x15E0, s29;
	[dreg:$0xd] =	wrdreg s15  }
0x10: {  	s1 =	sshrl.u32 s1, $0x1;
	s8 =	sadd.s32 $0x320, s31;
	[dreg:$0xe] =	wrdreg s16  }
0x11: {  	s18 =	simm.s32 $0xB;
	s17 =	sadd.s32 $0x30700, s31;
	[dreg:$0x8] =	wrdreg s8  }
0x12: {  	s2 =	smul.u32 $0x640, s2;
	s19 =	sadd.s32 $0x30A20, s31;
	[dreg:$0xf] =	wrdreg s17  }
0x13: {  	s28 =	smul.u32 $0x640, s6;
	s21 =	sadd.s32 $0x30D40, s31;
	[dreg:$0x10] =	wrdreg s19  }
0x14: {  	s30 =	smul.u32 $0x640, s1;
	s22 =	sadd.s32 $0x31060, s31;
	[dreg:$0x11] =	wrdreg s21  }
0x15: {  	s6 =	simm.s32 $0x10;
	s23 =	sadd.s32 $0x31380, s31;
	[dreg:$0x12] =	wrdreg s22  }
0x16: {  	s24 =	sadd.s32 $0x316A0, s31;
	s26 =	sadd.s32 $0x319C0, s31;
	[dreg:$0x13] =	wrdreg s23  }
0x17: {  	s0 =	sadd.s32 $0x31CE0, s31;
	s31 =	smax.u32 s5, $0x1;
	[dreg:$0x14] =	wrdreg s24  }
0x18: {  	s10 =	simm.s32 $0x4;
	s12 =	simm.s32 $0x5;
	[dreg:$0x3] =	wrdreg s2  }
0x19: {  	s14 =	simm.s32 $0x6;
	s15 =	simm.s32 $0xA;
	[dreg:$0x15] =	wrdreg s26  }
0x1a: {  	s16 =	simm.s32 $0x7;
	s25 =	sadd.s32 $0x320, s28;
	[dreg:$0x16] =	wrdreg s0  }
0x1b: {  	s29 =	sadd.s32 $0x320, s30;
	[dreg:$0x17] =	wrdreg s31;
	s26 =	simm.s32 $0x64  }
0x1c: {  	s8 =	simm.s32 $0x3;
	s19 =	simm.s32 $0x8;
	s21 =	simm.s32 $0xC  }
0x1d: {  	s22 =	simm.s32 $0xD;
	s23 =	simm.s32 $0xE;
	[dreg:$0x4] =	wrdreg s25  }
0x1e: {  	s24 =	simm.s32 $0xF;
	s0 =	simm.s32 $0x0;
	[dreg:$0x5] =	wrdreg s29  }
.LBB2_1:
0x1f: {  	[dreg:$0x18] =	wrdreg s0  }
0x20: {  	s2 =	rddreg [dreg:$0x6];
	s1 =	simm.s32 $0x11  }
0x21: {  	[tilespmem:s3], [sflag:$0x11] =	stream.linear.gather [hbm4b:s2+s3], $0x6800, $0x38;
	[tilespmem:$0x13000] =	vst v63  }
0x22: {  	_ =	swait.ge [sflag:s1], $0x6800  }
0x23: {  	[sflag:s1] =	ssyncset.done $0x0  }
0x24: {  	[sflag:s1] =	ssyncadd.s32 $0xFFFF9800;
	s1 =	simm.s32 $0x6800  }
0x25: {  	[tilespmem:s1], [sflag:$0x1] =	stream.indirect.gather [hbm4b:s4+s26], $0x40, s3, s26, $0xb8;
	[tilespmem:$0x13000] =	vst v63  }
0x26: {  	s0 =	simm.s32 $0x68;
	s25 =	simm.s32 $0x8100  }
0x27: {  	[tilespmem:s25], [sflag:$0x2] =	stream.indirect.gather [hbm4b:s4+s26], $0x40, s0, s26, $0xb8;
	[tilespmem:$0x13000] =	vst v63  }
0x28: {  	s29 =	simm.s32 $0x9A00;
	s2 =	simm.s32 $0xD0  }
0x29: {  	[tilespmem:s29], [sflag:$0x3] =	stream.indirect.gather [hbm4b:s4+s26], $0x40, s2, s26, $0xb8;
	[tilespmem:$0x13000] =	vst v63  }
0x2a: {  	s5 =	simm.s32 $0x138;
	s7 =	simm.s32 $0xB300;
	s17 =	simm.s32 $0x1  }
0x2b: {  	[tilespmem:s7], [sflag:$0x4] =	stream.indirect.gather [hbm4b:s4+s26], $0x40, s5, s26, $0xb8;
	[tilespmem:$0x13000] =	vst v63  }
0x2c: {  	_ =	swait.ge [sflag:s17], $0x1900  }
0x2d: {  	[sflag:s17] =	ssyncset.done $0x0  }
0x2e: {  	s9 =	rddreg [dreg:$0x7];
	[sflag:s17] =	ssyncadd.s32 $0xFFFFE700  }
0x2f: {  	[hbm4b:s9+s3] =	stream.linear.scatter [tilespmem:s1], [sflag:$0x9], $0x1900, $0x38;
	[tilespmem:$0x13000] =	vst v63  }
0x30: {  	s11 =	simm.s32 $0x1A0;
	s5 =	simm.s32 $0x2;
	s9 =	simm.s32 $0xCC00  }
0x31: {  	[tilespmem:s9], [sflag:$0x5] =	stream.indirect.gather [hbm4b:s4+s26], $0x40, s11, s26, $0xb8;
	[tilespmem:$0x13000] =	vst v63  }
0x32: {  	_ =	swait.ge [sflag:s5], $0x1900  }
0x33: {  	[sflag:s5] =	ssyncset.done $0x0  }
0x34: {  	s20 =	rddreg [dreg:$0x8];
	[sflag:s5] =	ssyncadd.s32 $0xFFFFE700  }
0x35: {  	[hbm4b:s20+s3] =	stream.linear.scatter [tilespmem:s25], [sflag:$0xA], $0x1900, $0x38;
	[tilespmem:$0x13000] =	vst v63  }
0x36: {  	s31 =	simm.s32 $0x208;
	s11 =	simm.s32 $0xE500  }
0x37: {  	[tilespmem:s11], [sflag:$0x6] =	stream.indirect.gather [hbm4b:s4+s26], $0x40, s31, s26, $0xb8;
	[tilespmem:$0x13000] =	vst v63  }
0x38: {  	_ =	swait.ge [sflag:s8], $0x1900  }
0x39: {  	[sflag:s8] =	ssyncset.done $0x0  }
0x3a: {  	s0 =	rddreg [dreg:$0x9];
	[sflag:s8] =	ssyncadd.s32 $0xFFFFE700  }
0x3b: {  	[hbm4b:s0+s3] =	stream.linear.scatter [tilespmem:s29], [sflag:$0xB], $0x1900, $0x38;
	[tilespmem:$0x13000] =	vst v63  }
0x3c: {  	s20 =	simm.s32 $0x270;
	s31 =	simm.s32 $0xFE00  }
0x3d: {  	[tilespmem:s31], [sflag:$0x7] =	stream.indirect.gather [hbm4b:s4+s26], $0x40, s20, s26, $0xb8;
	[tilespmem:$0x13000] =	vst v63  }
0x3e: {  	_ =	swait.ge [sflag:s10], $0x1900  }
0x3f: {  	[sflag:s10] =	ssyncset.done $0x0  }
0x40: {  	s0 =	rddreg [dreg:$0xa];
	[sflag:s10] =	ssyncadd.s32 $0xFFFFE700  }
0x41: {  	[hbm4b:s0+s3] =	stream.linear.scatter [tilespmem:s7], [sflag:$0xC], $0x1900, $0x38;
	[tilespmem:$0x13000] =	vst v63  }
0x42: {  	s2 =	simm.s32 $0x2D8;
	s20 =	simm.s32 $0x11700  }
0x43: {  	[tilespmem:s20], [sflag:$0x8] =	stream.indirect.gather [hbm4b:s4+s26], $0x40, s2, s26, $0xb8;
	[tilespmem:$0x13000] =	vst v63  }
0x44: {  	_ =	swait.ge [sflag:s12], $0x1900  }
0x45: {  	[sflag:s12] =	ssyncset.done $0x0  }
0x46: {  	s0 =	rddreg [dreg:$0xb];
	[sflag:s12] =	ssyncadd.s32 $0xFFFFE700  }
0x47: {  	[hbm4b:s0+s3] =	stream.linear.scatter [tilespmem:s9], [sflag:$0xD], $0x1900, $0x38;
	[tilespmem:$0x13000] =	vst v63  }
0x48: {  	_ =	swait.ge [sflag:s13], $0x1900  }
0x49: {  	[sflag:s13] =	ssyncset.done $0x0  }
0x4a: {  	s2 =	simm.s32 $0x340;
	[sflag:s13] =	ssyncadd.s32 $0xFFFFE700  }
0x4b: {  	[tilespmem:s1], [sflag:$0x1] =	stream.indirect.gather [hbm4b:s4+s26], $0x40, s2, s26, $0xb8;
	[tilespmem:$0x13000] =	vst v63  }
0x4c: {  	_ =	swait.ge [sflag:s14], $0x1900  }
0x4d: {  	[sflag:s14] =	ssyncset.done $0x0  }
0x4e: {  	s0 =	rddreg [dreg:$0xc];
	[sflag:s14] =	ssyncadd.s32 $0xFFFFE700  }
0x4f: {  	[hbm4b:s0+s3] =	stream.linear.scatter [tilespmem:s11], [sflag:$0xE], $0x1900, $0x38;
	[tilespmem:$0x13000] =	vst v63  }
0x50: {  	_ =	swait.ge [sflag:s15], $0x1900  }
0x51: {  	[sflag:s15] =	ssyncset.done $0x0  }
0x52: {  	s2 =	simm.s32 $0x3A8;
	[sflag:s15] =	ssyncadd.s32 $0xFFFFE700  }
0x53: {  	[tilespmem:s25], [sflag:$0x2] =	stream.indirect.gather [hbm4b:s4+s26], $0x40, s2, s26, $0xb8;
	[tilespmem:$0x13000] =	vst v63  }
0x54: {  	_ =	swait.ge [sflag:s16], $0x1900  }
0x55: {  	[sflag:s16] =	ssyncset.done $0x0  }
0x56: {  	s0 =	rddreg [dreg:$0xd];
	[sflag:s16] =	ssyncadd.s32 $0xFFFFE700  }
0x57: {  	[hbm4b:s0+s3] =	stream.linear.scatter [tilespmem:s31], [sflag:$0xF], $0x1900, $0x38;
	[tilespmem:$0x13000] =	vst v63  }
0x58: {  	_ =	swait.ge [sflag:s18], $0x1900  }
0x59: {  	[sflag:s18] =	ssyncset.done $0x0  }
0x5a: {  	s2 =	simm.s32 $0x410;
	[sflag:s18] =	ssyncadd.s32 $0xFFFFE700  }
0x5b: {  	[tilespmem:s29], [sflag:$0x3] =	stream.indirect.gather [hbm4b:s4+s26], $0x40, s2, s26, $0xb8;
	[tilespmem:$0x13000] =	vst v63  }
0x5c: {  	_ =	swait.ge [sflag:s19], $0x1900  }
0x5d: {  	[sflag:s19] =	ssyncset.done $0x0  }
0x5e: {  	s20 =	simm.s32 $0x11700;
	s0 =	rddreg [dreg:$0xe];
	[sflag:s19] =	ssyncadd.s32 $0xFFFFE700  }
0x5f: {  	[hbm4b:s0+s3] =	stream.linear.scatter [tilespmem:s20], [sflag:$0x10], $0x1900, $0x38;
	[tilespmem:$0x13000] =	vst v63  }
0x60: {  	_ =	swait.ge [sflag:s21], $0x1900  }
0x61: {  	[sflag:s21] =	ssyncset.done $0x0  }
0x62: {  	s20 =	simm.s32 $0x478;
	[sflag:s21] =	ssyncadd.s32 $0xFFFFE700  }
0x63: {  	[tilespmem:s7], [sflag:$0x4] =	stream.indirect.gather [hbm4b:s4+s26], $0x40, s20, s26, $0xb8;
	[tilespmem:$0x13000] =	vst v63  }
0x64: {  	_ =	swait.ge [sflag:s17], $0x1900  }
0x65: {  	[sflag:s17] =	ssyncset.done $0x0  }
0x66: {  	s0 =	rddreg [dreg:$0x3];
	[sflag:s17] =	ssyncadd.s32 $0xFFFFE700  }
0x67: {  	s20 =	rddreg [dreg:$0x1]  }
0x68: {  	s2 =	sadd.s32 s20, s0  }
0x69: {  	[hbm4b:s2+s3] =	stream.linear.scatter [tilespmem:s1], [sflag:$0x9], $0x1900, $0x38;
	[tilespmem:$0x13000] =	vst v63  }
0x6a: {  	_ =	swait.ge [sflag:s22], $0x1900  }
0x6b: {  	[sflag:s22] =	ssyncset.done $0x0  }
0x6c: {  	s0 =	simm.s32 $0x4E0;
	[sflag:s22] =	ssyncadd.s32 $0xFFFFE700  }
0x6d: {  	[tilespmem:s9], [sflag:$0x5] =	stream.indirect.gather [hbm4b:s4+s26], $0x40, s0, s26, $0xb8;
	[tilespmem:$0x13000] =	vst v63  }
0x6e: {  	_ =	swait.ge [sflag:s5], $0x1900  }
0x6f: {  	[sflag:s5] =	ssyncset.done $0x0  }
0x70: {  	s0 =	sadd.s32 $0x320, s2;
	[sflag:s5] =	ssyncadd.s32 $0xFFFFE700  }
0x71: {  	[hbm4b:s0+s3] =	stream.linear.scatter [tilespmem:s25], [sflag:$0xA], $0x1900, $0x38;
	[tilespmem:$0x13000] =	vst v63  }
0x72: {  	_ =	swait.ge [sflag:s23], $0x1900  }
0x73: {  	[sflag:s23] =	ssyncset.done $0x0  }
0x74: {  	s5 =	simm.s32 $0x548;
	[sflag:s23] =	ssyncadd.s32 $0xFFFFE700  }
0x75: {  	[tilespmem:s11], [sflag:$0x6] =	stream.indirect.gather [hbm4b:s4+s26], $0x40, s5, s26, $0xb8;
	[tilespmem:$0x13000] =	vst v63  }
0x76: {  	_ =	swait.ge [sflag:s8], $0x1900  }
0x77: {  	[sflag:s8] =	ssyncset.done $0x0  }
0x78: {  	s0 =	sadd.s32 $0x640, s2;
	[sflag:s8] =	ssyncadd.s32 $0xFFFFE700  }
0x79: {  	[hbm4b:s0+s3] =	stream.linear.scatter [tilespmem:s29], [sflag:$0xB], $0x1900, $0x38;
	[tilespmem:$0x13000] =	vst v63  }
0x7a: {  	_ =	swait.ge [sflag:s24], $0x1900  }
0x7b: {  	[sflag:s24] =	ssyncset.done $0x0  }
0x7c: {  	s5 =	simm.s32 $0x5B0;
	[sflag:s24] =	ssyncadd.s32 $0xFFFFE700  }
0x7d: {  	[tilespmem:s31], [sflag:$0x7] =	stream.indirect.gather [hbm4b:s4+s26], $0x40, s5, s26, $0xb8;
	[tilespmem:$0x13000] =	vst v63  }
0x7e: {  	_ =	swait.ge [sflag:s10], $0x1900  }
0x7f: {  	[sflag:s10] =	ssyncset.done $0x0  }
0x80: {  	s2 =	sadd.s32 $0x960, s2;
	[sflag:s10] =	ssyncadd.s32 $0xFFFFE700  }
0x81: {  	[hbm4b:s2+s3] =	stream.linear.scatter [tilespmem:s7], [sflag:$0xC], $0x1900, $0x38;
	[tilespmem:$0x13000] =	vst v63  }
0x82: {  	_ =	swait.ge [sflag:s6], $0x1900  }
0x83: {  	[sflag:s6] =	ssyncset.done $0x0  }
0x84: {  	s17 =	simm.s32 $0x618;
	s0 =	simm.s32 $0x11700;
	[sflag:s6] =	ssyncadd.s32 $0xFFFFE700  }
0x85: {  	[tilespmem:s0], [sflag:$0x8] =	stream.indirect.gather [hbm4b:s4+s26], $0x40, s17, s26, $0xb8;
	[tilespmem:$0x13000] =	vst v63  }
0x86: {  	_ =	swait.ge [sflag:s12], $0x1900  }
0x87: {  	[sflag:s12] =	ssyncset.done $0x0  }
0x88: {  	s5 =	sadd.s32 s20, s30;
	[sflag:s12] =	ssyncadd.s32 $0xFFFFE700  }
0x89: {  	[hbm4b:s5+s3] =	stream.linear.scatter [tilespmem:s9], [sflag:$0xD], $0x1900, $0x38;
	[tilespmem:$0x13000] =	vst v63  }
0x8a: {  	_ =	swait.ge [sflag:s13], $0x1900  }
0x8b: {  	[sflag:s13] =	ssyncset.done $0x0  }
0x8c: {  	s7 =	simm.s32 $0x680;
	[sflag:s13] =	ssyncadd.s32 $0xFFFFE700  }
0x8d: {  	[tilespmem:s1], [sflag:$0x1] =	stream.indirect.gather [hbm4b:s4+s26], $0x40, s7, s26, $0xb8;
	[tilespmem:$0x13000] =	vst v63  }
0x8e: {  	_ =	swait.ge [sflag:s14], $0x1900  }
0x8f: {  	s9 =	rddreg [dreg:$0x5];
	[sflag:s14] =	ssyncset.done $0x0  }
0x90: {  	[sflag:s14] =	ssyncadd.s32 $0xFFFFE700;
	s2 =	sadd.s32 s20, s9  }
0x91: {  	[hbm4b:s2+s3] =	stream.linear.scatter [tilespmem:s11], [sflag:$0xE], $0x1900, $0x38;
	[tilespmem:$0x13000] =	vst v63  }
0x92: {  	_ =	swait.ge [sflag:s15], $0x1900  }
0x93: {  	[sflag:s15] =	ssyncset.done $0x0  }
0x94: {  	s11 =	simm.s32 $0x6E8;
	[sflag:s15] =	ssyncadd.s32 $0xFFFFE700  }
0x95: {  	[tilespmem:s25], [sflag:$0x2] =	stream.indirect.gather [hbm4b:s4+s26], $0x40, s11, s26, $0xb8;
	[tilespmem:$0x13000] =	vst v63  }
0x96: {  	_ =	swait.ge [sflag:s16], $0x1900  }
0x97: {  	[sflag:s16] =	ssyncset.done $0x0  }
0x98: {  	s17 =	sadd.s32 s20, s28;
	[sflag:s16] =	ssyncadd.s32 $0xFFFFE700  }
0x99: {  	[hbm4b:s17+s3] =	stream.linear.scatter [tilespmem:s31], [sflag:$0xF], $0x1900, $0x38;
	[tilespmem:$0x13000] =	vst v63  }
0x9a: {  	_ =	swait.ge [sflag:s18], $0x1900  }
0x9b: {  	[sflag:s18] =	ssyncset.done $0x0  }
0x9c: {  	s25 =	simm.s32 $0x750;
	[sflag:s18] =	ssyncadd.s32 $0xFFFFE700  }
0x9d: {  	[tilespmem:s29], [sflag:$0x3] =	stream.indirect.gather [hbm4b:s4+s26], $0x40, s25, s26, $0xb8;
	[tilespmem:$0x13000] =	vst v63  }
0x9e: {  	_ =	swait.ge [sflag:s19], $0x1900  }
0x9f: {  	s31 =	rddreg [dreg:$0x4];
	[sflag:s19] =	ssyncset.done $0x0  }
0xa0: {  	[sflag:s19] =	ssyncadd.s32 $0xFFFFE700;
	s2 =	sadd.s32 s20, s31  }
0xa1: {  	[hbm4b:s2+s3] =	stream.linear.scatter [tilespmem:s0], [sflag:$0x10], $0x1900, $0x38;
	[tilespmem:$0x13000] =	vst v63  }
0xa2: {  	_ =	swait.ge [sflag:s21], $0x1900  }
0xa3: {  	s17 =	simm.s32 $0x7B8;
	[sflag:s21] =	ssyncset.done $0x0  }
0xa4: {  	s25 =	sadd.s32 $0x1900, s20;
	s2 =	simm.s32 $0xD00;
	[sflag:s21] =	ssyncadd.s32 $0xFFFFE700  }
.LBB2_2:
0xa5: {  	s9 =	simm.s32 $0xB300;
	s0 =	simm.s32 $0x1  }
0xa6: {  	[tilespmem:s9], [sflag:$0x4] =	stream.indirect.gather [hbm4b:s4+s26], $0x40, s17, s26, $0xb8;
	[tilespmem:$0x13000] =	vst v63  }
0xa7: {  	_ =	swait.ge [sflag:s0], $0x1900  }
0xa8: {  	s11 =	smov.u32 s2;
	s20 =	rddreg [dreg:$0x3];
	[sflag:s0] =	ssyncset.done $0x0  }
0xa9: {  	s29 =	simm.s32 $0x6800;
	[sflag:s0] =	ssyncadd.s32 $0xFFFFE700;
	s20 =	sadd.s32 s25, s20  }
0xaa: {  	[hbm4b:s20+s3] =	stream.linear.scatter [tilespmem:s29], [sflag:$0x9], $0x1900, $0x38;
	[tilespmem:$0x13000] =	vst v63  }
0xab: {  	s1 =	smov.u32 s30;
	s30 =	smov.u32 s28;
	_ =	swait.ge [sflag:s22], $0x1900  }
0xac: {  	s31 =	simm.s32 $0x2;
	s17 =	sshra.s32 s11, $0x2;
	[sflag:s22] =	ssyncset.done $0x0  }
0xad: {  	s11 =	simm.s32 $0xCC00;
	s28 =	sadd.s32 $0x4E0, s17;
	[sflag:s22] =	ssyncadd.s32 $0xFFFFE700  }
0xae: {  	[tilespmem:s11], [sflag:$0x5] =	stream.indirect.gather [hbm4b:s4+s26], $0x40, s28, s26, $0xb8;
	[tilespmem:$0x13000] =	vst v63  }
0xaf: {  	_ =	swait.ge [sflag:s31], $0x1900  }
0xb0: {  	[sflag:s31] =	ssyncset.done $0x0  }
0xb1: {  	s0 =	simm.s32 $0x8100;
	s28 =	sadd.s32 $0x320, s20;
	[sflag:s31] =	ssyncadd.s32 $0xFFFFE700  }
0xb2: {  	[hbm4b:s28+s3] =	stream.linear.scatter [tilespmem:s0], [sflag:$0xA], $0x1900, $0x38;
	[tilespmem:$0x13000] =	vst v63  }
0xb3: {  	_ =	swait.ge [sflag:s23], $0x1900  }
0xb4: {  	[sflag:s23] =	ssyncset.done $0x0  }
0xb5: {  	s31 =	simm.s32 $0xE500;
	s28 =	sadd.s32 $0x548, s17;
	[sflag:s23] =	ssyncadd.s32 $0xFFFFE700  }
0xb6: {  	[tilespmem:s31], [sflag:$0x6] =	stream.indirect.gather [hbm4b:s4+s26], $0x40, s28, s26, $0xb8;
	[tilespmem:$0x13000] =	vst v63  }
0xb7: {  	_ =	swait.ge [sflag:s8], $0x1900  }
0xb8: {  	[sflag:s8] =	ssyncset.done $0x0  }
0xb9: {  	s7 =	simm.s32 $0x9A00;
	s28 =	sadd.s32 $0x640, s20;
	[sflag:s8] =	ssyncadd.s32 $0xFFFFE700  }
0xba: {  	[hbm4b:s28+s3] =	stream.linear.scatter [tilespmem:s7], [sflag:$0xB], $0x1900, $0x38;
	[tilespmem:$0x13000] =	vst v63  }
0xbb: {  	_ =	swait.ge [sflag:s24], $0x1900  }
0xbc: {  	[sflag:s24] =	ssyncset.done $0x0  }
0xbd: {  	s5 =	simm.s32 $0xFE00;
	s28 =	sadd.s32 $0x5B0, s17;
	[sflag:s24] =	ssyncadd.s32 $0xFFFFE700  }
0xbe: {  	[tilespmem:s5], [sflag:$0x7] =	stream.indirect.gather [hbm4b:s4+s26], $0x40, s28, s26, $0xb8;
	[tilespmem:$0x13000] =	vst v63  }
0xbf: {  	_ =	swait.ge [sflag:s10], $0x1900  }
0xc0: {  	[sflag:s10] =	ssyncset.done $0x0  }
0xc1: {  	s20 =	sadd.s32 $0x960, s20;
	[sflag:s10] =	ssyncadd.s32 $0xFFFFE700  }
0xc2: {  	[hbm4b:s20+s3] =	stream.linear.scatter [tilespmem:s9], [sflag:$0xC], $0x1900, $0x38;
	[tilespmem:$0x13000] =	vst v63  }
0xc3: {  	_ =	swait.ge [sflag:s6], $0x1900  }
0xc4: {  	[sflag:s6] =	ssyncset.done $0x0  }
0xc5: {  	s20 =	sadd.s32 $0x618, s17;
	s9 =	simm.s32 $0x11700;
	[sflag:s6] =	ssyncadd.s32 $0xFFFFE700  }
0xc6: {  	[tilespmem:s9], [sflag:$0x8] =	stream.indirect.gather [hbm4b:s4+s26], $0x40, s20, s26, $0xb8;
	[tilespmem:$0x13000] =	vst v63  }
0xc7: {  	_ =	swait.ge [sflag:s12], $0x1900  }
0xc8: {  	s28 =	smov.u32 s30;
	[sflag:s12] =	ssyncset.done $0x0  }
0xc9: {  	s30 =	smov.u32 s1;
	s1 =	sadd.s32 s25, s1;
	[sflag:s12] =	ssyncadd.s32 $0xFFFFE700  }
0xca: {  	[hbm4b:s1+s3] =	stream.linear.scatter [tilespmem:s11], [sflag:$0xD], $0x1900, $0x38;
	[tilespmem:$0x13000] =	vst v63  }
0xcb: {  	_ =	swait.ge [sflag:s13], $0x1900  }
0xcc: {  	[sflag:s13] =	ssyncset.done $0x0  }
0xcd: {  	s11 =	sadd.s32 $0x680, s17;
	[sflag:s13] =	ssyncadd.s32 $0xFFFFE700  }
0xce: {  	[tilespmem:s29], [sflag:$0x1] =	stream.indirect.gather [hbm4b:s4+s26], $0x40, s11, s26, $0xb8;
	[tilespmem:$0x13000] =	vst v63  }
0xcf: {  	_ =	swait.ge [sflag:s14], $0x1900  }
0xd0: {  	s11 =	rddreg [dreg:$0x5];
	[sflag:s14] =	ssyncset.done $0x0  }
0xd1: {  	[sflag:s14] =	ssyncadd.s32 $0xFFFFE700;
	s20 =	sadd.s32 s25, s11  }
0xd2: {  	[hbm4b:s20+s3] =	stream.linear.scatter [tilespmem:s31], [sflag:$0xE], $0x1900, $0x38;
	[tilespmem:$0x13000] =	vst v63  }
0xd3: {  	_ =	swait.ge [sflag:s15], $0x1900  }
0xd4: {  	[sflag:s15] =	ssyncset.done $0x0  }
0xd5: {  	s31 =	sadd.s32 $0x6E8, s17;
	[sflag:s15] =	ssyncadd.s32 $0xFFFFE700  }
0xd6: {  	[tilespmem:s0], [sflag:$0x2] =	stream.indirect.gather [hbm4b:s4+s26], $0x40, s31, s26, $0xb8;
	[tilespmem:$0x13000] =	vst v63  }
0xd7: {  	_ =	swait.ge [sflag:s16], $0x1900  }
0xd8: {  	[sflag:s16] =	ssyncset.done $0x0  }
0xd9: {  	s0 =	sadd.s32 s25, s28;
	[sflag:s16] =	ssyncadd.s32 $0xFFFFE700  }
0xda: {  	[hbm4b:s0+s3] =	stream.linear.scatter [tilespmem:s5], [sflag:$0xF], $0x1900, $0x38;
	[tilespmem:$0x13000] =	vst v63  }
0xdb: {  	_ =	swait.ge [sflag:s18], $0x1900  }
0xdc: {  	[sflag:s18] =	ssyncset.done $0x0  }
0xdd: {  	s11 =	sadd.s32 $0x750, s17;
	[sflag:s18] =	ssyncadd.s32 $0xFFFFE700  }
0xde: {  	[tilespmem:s7], [sflag:$0x3] =	stream.indirect.gather [hbm4b:s4+s26], $0x40, s11, s26, $0xb8;
	[tilespmem:$0x13000] =	vst v63  }
0xdf: {  	_ =	swait.ge [sflag:s19], $0x1900  }
0xe0: {  	p0 =	sne.s32 s2, $0x17900;
	s31 =	rddreg [dreg:$0x4];
	[sflag:s19] =	ssyncset.done $0x0  }
.Ltmp0:
0xe1: {  	[sflag:s19] =	ssyncadd.s32 $0xFFFFE700;
	s20 =	sadd.s32 s25, s31;
	(pc) =	sbr.rel @p0 .LBB2_2-.Ltmp0, $4  }
0xe2: {  	[hbm4b:s20+s3] =	stream.linear.scatter [tilespmem:s9], [sflag:$0x10], $0x1900, $0x38;
	[tilespmem:$0x13000] =	vst v63  }
0xe3: {  	s2 =	sadd.s32 $0xD00, s2;
	s1 =	simm.s32 $0x6800;
	_ =	swait.ge [sflag:s21], $0x1900  }
0xe4: {  	s29 =	simm.s32 $0x8100;
	s17 =	sadd.s32 $0x7B8, s17;
	[sflag:s21] =	ssyncset.done $0x0  }
0xe5: {  	s0 =	simm.s32 $0x9A00;
	s25 =	sadd.s32 $0x1900, s25;
	[sflag:s21] =	ssyncadd.s32 $0xFFFFE700  }
0xe6: {  	s7 =	simm.s32 $0xB300;
	s2 =	simm.s32 $0x1  }
0xe7: {  	[tilespmem:s7], [sflag:$0x4] =	stream.indirect.gather [hbm4b:s4+s26], $0x40, s17, s26, $0xb8;
	[tilespmem:$0x13000] =	vst v63  }
0xe8: {  	_ =	swait.ge [sflag:s2], $0x1900  }
0xe9: {  	[sflag:s2] =	ssyncset.done $0x0  }
0xea: {  	s5 =	rddreg [dreg:$0xf];
	[sflag:s2] =	ssyncadd.s32 $0xFFFFE700  }
0xeb: {  	[hbm4b:s5+s3] =	stream.linear.scatter [tilespmem:s1], [sflag:$0x9], $0x1900, $0x38;
	[tilespmem:$0x13000] =	vst v63  }
0xec: {  	_ =	swait.ge [sflag:s22], $0x1900  }
0xed: {  	s9 =	simm.s32 $0x6660;
	[sflag:s22] =	ssyncset.done $0x0  }
0xee: {  	s11 =	simm.s32 $0x2;
	s1 =	simm.s32 $0xCC00;
	[sflag:s22] =	ssyncadd.s32 $0xFFFFE700  }
0xef: {  	[tilespmem:s1], [sflag:$0x5] =	stream.indirect.gather [hbm4b:s4+s26], $0x40, s9, s26, $0xb8;
	[tilespmem:$0x13000] =	vst v63  }
0xf0: {  	_ =	swait.ge [sflag:s11], $0x1900  }
0xf1: {  	[sflag:s11] =	ssyncset.done $0x0  }
0xf2: {  	s17 =	rddreg [dreg:$0x10];
	[sflag:s11] =	ssyncadd.s32 $0xFFFFE700  }
0xf3: {  	[hbm4b:s17+s3] =	stream.linear.scatter [tilespmem:s29], [sflag:$0xA], $0x1900, $0x38;
	[tilespmem:$0x13000] =	vst v63  }
0xf4: {  	_ =	swait.ge [sflag:s23], $0x1900  }
0xf5: {  	[sflag:s23] =	ssyncset.done $0x0  }
0xf6: {  	s20 =	simm.s32 $0x66C8;
	s9 =	simm.s32 $0xE500;
	[sflag:s23] =	ssyncadd.s32 $0xFFFFE700  }
0xf7: {  	[tilespmem:s9], [sflag:$0x6] =	stream.indirect.gather [hbm4b:s4+s26], $0x40, s20, s26, $0xb8;
	[tilespmem:$0x13000] =	vst v63  }
0xf8: {  	_ =	swait.ge [sflag:s8], $0x1900  }
0xf9: {  	[sflag:s8] =	ssyncset.done $0x0  }
0xfa: {  	s25 =	rddreg [dreg:$0x11];
	[sflag:s8] =	ssyncadd.s32 $0xFFFFE700  }
0xfb: {  	[hbm4b:s25+s3] =	stream.linear.scatter [tilespmem:s0], [sflag:$0xB], $0x1900, $0x38;
	[tilespmem:$0x13000] =	vst v63  }
0xfc: {  	_ =	swait.ge [sflag:s24], $0x1900  }
0xfd: {  	[sflag:s24] =	ssyncset.done $0x0  }
0xfe: {  	s31 =	simm.s32 $0x6730;
	s29 =	simm.s32 $0xFE00;
	[sflag:s24] =	ssyncadd.s32 $0xFFFFE700  }
0xff: {  	[tilespmem:s29], [sflag:$0x7] =	stream.indirect.gather [hbm4b:s4+s26], $0x40, s31, s26, $0xb8;
	[tilespmem:$0x13000] =	vst v63  }
0x100: {  	_ =	swait.ge [sflag:s10], $0x1900  }
0x101: {  	[sflag:s10] =	ssyncset.done $0x0  }
0x102: {  	s5 =	rddreg [dreg:$0x12];
	[sflag:s10] =	ssyncadd.s32 $0xFFFFE700  }
0x103: {  	[hbm4b:s5+s3] =	stream.linear.scatter [tilespmem:s7], [sflag:$0xC], $0x1900, $0x38;
	[tilespmem:$0x13000] =	vst v63  }
0x104: {  	_ =	swait.ge [sflag:s6], $0x1900  }
0x105: {  	[sflag:s6] =	ssyncset.done $0x0  }
0x106: {  	s5 =	simm.s32 $0x11700;
	s7 =	simm.s32 $0x6798;
	[sflag:s6] =	ssyncadd.s32 $0xFFFFE700  }
0x107: {  	[tilespmem:s5], [sflag:$0x8] =	stream.indirect.gather [hbm4b:s4+s26], $0x40, s7, s26, $0xb8;
	[tilespmem:$0x13000] =	vst v63  }
0x108: {  	_ =	swait.ge [sflag:s12], $0x1900  }
0x109: {  	[sflag:s12] =	ssyncset.done $0x0  }
0x10a: {  	s11 =	rddreg [dreg:$0x13];
	[sflag:s12] =	ssyncadd.s32 $0xFFFFE700  }
0x10b: {  	[hbm4b:s11+s3] =	stream.linear.scatter [tilespmem:s1], [sflag:$0xD], $0x1900, $0x38;
	[tilespmem:$0x13000] =	vst v63  }
0x10c: {  	_ =	swait.ge [sflag:s14], $0x1900  }
0x10d: {  	[sflag:s14] =	ssyncset.done $0x0  }
0x10e: {  	s17 =	rddreg [dreg:$0x14];
	[sflag:s14] =	ssyncadd.s32 $0xFFFFE700  }
0x10f: {  	[hbm4b:s17+s3] =	stream.linear.scatter [tilespmem:s9], [sflag:$0xE], $0x1900, $0x38;
	[tilespmem:$0x13000] =	vst v63  }
0x110: {  	_ =	swait.ge [sflag:s16], $0x1900  }
0x111: {  	[sflag:s16] =	ssyncset.done $0x0  }
0x112: {  	s20 =	rddreg [dreg:$0x15];
	[sflag:s16] =	ssyncadd.s32 $0xFFFFE700  }
0x113: {  	[hbm4b:s20+s3] =	stream.linear.scatter [tilespmem:s29], [sflag:$0xF], $0x1900, $0x38;
	[tilespmem:$0x13000] =	vst v63  }
0x114: {  	_ =	swait.ge [sflag:s19], $0x1900  }
0x115: {  	[sflag:s19] =	ssyncset.done $0x0  }
0x116: {  	s25 =	rddreg [dreg:$0x16];
	[sflag:s19] =	ssyncadd.s32 $0xFFFFE700  }
0x117: {  	[hbm4b:s25+s3] =	stream.linear.scatter [tilespmem:s5], [sflag:$0x10], $0x1900, $0x38;
	[tilespmem:$0x13000] =	vst v63  }
0x118: {  	_ =	swait.ge [sflag:s13], $0x1900  }
0x119: {  	[sflag:s13] =	ssyncset.done $0x0  }
0x11a: {  	[sflag:s13] =	ssyncadd.s32 $0xFFFFE700  }
0x11b: {  	_ =	swait.ge [sflag:s15], $0x1900  }
0x11c: {  	[sflag:s15] =	ssyncset.done $0x0  }
0x11d: {  	[sflag:s15] =	ssyncadd.s32 $0xFFFFE700  }
0x11e: {  	_ =	swait.ge [sflag:s18], $0x1900  }
0x11f: {  	[sflag:s18] =	ssyncset.done $0x0  }
0x120: {  	[sflag:s18] =	ssyncadd.s32 $0xFFFFE700  }
0x121: {  	_ =	swait.ge [sflag:s21], $0x1900  }
0x122: {  	[sflag:s21] =	ssyncset.done $0x0  }
0x123: {  	[sflag:s21] =	ssyncadd.s32 $0xFFFFE700  }
0x124: {  	_ =	swait.ge [sflag:s22], $0x1900  }
0x125: {  	[sflag:s22] =	ssyncset.done $0x0  }
0x126: {  	[sflag:s22] =	ssyncadd.s32 $0xFFFFE700  }
0x127: {  	_ =	swait.ge [sflag:s23], $0x1900  }
0x128: {  	[sflag:s23] =	ssyncset.done $0x0  }
0x129: {  	[sflag:s23] =	ssyncadd.s32 $0xFFFFE700  }
0x12a: {  	_ =	swait.ge [sflag:s24], $0x1900  }
0x12b: {  	[sflag:s24] =	ssyncset.done $0x0  }
0x12c: {  	[sflag:s24] =	ssyncadd.s32 $0xFFFFE700  }
0x12d: {  	_ =	swait.ge [sflag:s6], $0x1900  }
0x12e: {  	s29 =	rddreg [dreg:$0x18]  }
0x12f: {  	s31 =	rddreg [dreg:$0x17];
	s0 =	sadd.s32 $0x1, s29  }
0x130: {  	p0 =	sne.s32 s0, s31  }
.Ltmp1:
0x131: {  	_ = 	snop;
	(pc) =	sbr.rel @p0 .LBB2_1-.Ltmp1, $3  }
0x132: {  	_ =	sdelay $0x1  }
0x133: {  	[sflag:s6] =	ssyncset.done $0x0  }
0x134: {  	[sflag:s6] =	ssyncadd.s32 $0xFFFFE700  }
0x135: {  	_ =	sfence.sel $0x180000  }
0x136: {  	[bflag:$0x0] =	sbarrier.arrive $0xFFFF  }
0x137: {  	_ =	strace $0x90000047  }
0x138: {  	s0 =	stileid.u32;
	[bflag:$0x2] =	sbarrier.arrive $0xFFFF  }
0x139: {  	p0 =	sne.s32 s0, $0x0;
	s0 =	rddreg [dreg:$0x2]  }
0x13a: {  	s0 =	sadd.s32 @!p0 $0x100000, s0  }
0x13b: {  	[sflag:s0] =	ssyncadd.tile.s32 @!p0 $0x1;
	_ =	shalt  }
.Lfunc_end2:
_tile_overlayer_lowered:
.L_overlay_start_2:
0x13c: {  	(tag) =	ssettag $0x2  }
0x13d: {  	s0 =	rddreg [dreg:$0x0];
	s2 =	stileid.u32  }
0x13e: {  	s1 =	rddreg [dreg:$0x1];
	p0 =	sne.s32 s2, $0x0  }
0x13f: {  	s3 =	rddreg [dreg:$0x2];
	[bflag:$0x3] =	sbarrier.arrive $0xFFFF;
	s2 =	simm.s32 @!p0 $0x1C11  }
0x140: {  	[timem:s3], [sflag:s2] =	dma.local @!p0 [hbm:s0], s1  }
0x141: {  	s0 =	simm.s32 @!p0 $0x11  }
0x142: {  	_ =	swait.ge @!p0 [sflag:s0], s1  }
0x143: {  	s1 =	ssub.s32 @!p0 $0x0, s1;
	[sflag:s0] =	ssyncset.done @!p0 $0x0  }
0x144: {  	[sflag:s0] =	ssyncadd.s32 @!p0 s1  }
0x145: {  	[bflag:$0x3] =	sbarrier.arrive $0xFFFF  }
0x146: {  	_ =	shalt  }

// kernel: sparse-core-data-format-call.cloned.1.call-start
scs
called_computation_lowered:
.L_overlay_start_0:
0x0: {  	s2 =	sld [smem:$0x3FD9]  }
0x1: {  	s3 =	sld [smem:$0x3FFE];
	_ =	sdelay $0x1  }
0x2: {  	s1 =	srdreg.scid  }
0x3: {  	s0 =	sand.u32 $0x1, s1  }
0x4: {  	s18 =	sshll.u32 s0, $0xA;
	s2 =	sadd.s32 s3, s2  }
0x5: {  	s2 =	sadd.s32 s2, s18  }
0x6: {  	[smem:$0x3FC6] =	sst s2  }
0x7: {  	_ = 	snop  }
0x8: {  	s2 =	sld [smem:$0x3FD0];
	(tm) =	ssettm $0x1  }
0x9: {  	s19 =	sld [smem:$0x3FFB];
	_ =	sdelay $0x3  }
0xa: {  	_ =	strace s19  }
0xb: {  	s3 =	sld [smem:$0x3FFC];
	_ =	sdelay $0x3  }
0xc: {  	_ =	strace s3  }
0xd: {  	s3 =	sld [smem:$0x3FFD];
	_ =	sdelay $0x3  }
0xe: {  	_ =	strace s3  }
0xf: {  	_ =	strace $0x8FFFFFFF  }
0x10: {  	s20 =	sld [smem:$0x3FDB];
	_ =	sdelay $0x1  }
0x11: {  	s4 =	simm.s32 $_scs_section_size  }
0x12: {  	s5 =	simm.s32 $_size__tile_overlayer_lowered;
	s6 =	simm.s32 $_tile_overlayer_lowered  }
0x13: {  	s23 =	simm.s32 $0x1BFF;
	s22 =	sshll.u32 s6, $0x1;
	s3 =	sadd.s32 s4, s20  }
0x14: {  	s7 =	simm.s32 $0x0;
	s21 =	sshll.u32 s5, $0x1;
	s5 =	sadd.s32 s22, s3  }
0x15: {  	[timem:s7], [sflag:s23] =	dma.local [hbm:s5], s21  }
0x16: {  	_ =	swait.ge [sflag:s23], s21  }
0x17: {  	s4 =	ssub.s32 $0x0, s21;
	[sflag:s23] =	ssyncset.done $0x0  }
0x18: {  	[sflag:s23] =	ssyncadd.s32 s4;
	_ =	sdelay $0x1  }
0x19: {  	s24 =	simm.s32 $0x1B8B  }
0x1a: {  	_ =	swait.ge [sflag:s24], $0x1  }
0x1b: {  	[sflag:s24] =	ssyncset.done $0x0  }
0x1c: {  	s26 =	simm.s32 $0x1B8E;
	s25 =	sld [smem:$0x3FFE];
	[sflag:s24] =	ssyncadd.s32 $0xFFFFFFFF  }
0x1d: {  	s27 =	simm.s32 $execute0_lowered;
	[smem:$0x3FD2] =	sst s26  }
0x1e: {  	s5 =	sshll.u32 s27, $0x1;
	_ =	strace $0x80000049;
	[dreg:$0x1] =	wrdreg $0xFFFFFFFF  }
0x1f: {  	s28 =	simm.s32 $_size_execute0_lowered;
	s3 =	sadd.s32 s3, s5;
	[dreg:$0x0] =	wrdreg $0x0  }
0x20: {  	s5 =	sshll.u32 s28, $0x1;
	[dreg:$0x2] =	wrdreg s3  }
0x21: {  	[dreg:$0x3] =	wrdreg s5  }
0x22: {  	[dreg:$0x4] =	wrdreg $0xC0  }
0x23: {  	_ =	task [dreg:s7], $0x5FFFF  }
0x24: {  	[dreg:$0x1] =	wrdreg $0xFFFFFFFF  }
0x25: {  	[dreg:$0x0] =	wrdreg $0x60  }
0x26: {  	[dreg:$0x2] =	wrdreg s25  }
0x27: {  	[dreg:$0x3] =	wrdreg s2  }
0x28: {  	[dreg:$0x4] =	wrdreg $0x9  }
0x29: {  	_ =	task.clear_ibuf [dreg:s7], $0x5FFFF;
	_ =	strace $0x90000049  }
0x2a: {  	s29 =	simm.s32 $0x9;
	_ =	strace $0x8000004B  }
0x2b: {  	_ =	swait.ge [sflag:s29], $0x1  }
0x2c: {  	[sflag:s29] =	ssyncadd.s32 $0xFFFFFFFF  }
0x2d: {  	_ =	strace $0x9000004B  }
0x2e: {  	_ =	sfence  }
0x2f: {  	s30 =	sld [smem:$0x0];
	_ =	sdelay $0x2  }
0x30: {  	s31 =	sshll.u32 s1, $0xD;
	s1 =	sshrl.u32 s1, $0x2  }
0x31: {  	s3 =	sand.u32 $0x4000, s31;
	s1 =	sadd.s32 s1, s30  }
0x32: {  	s0 =	sor.u32 s3, s0;
	s1 =	sshll.u32 s1, $0x11  }
0x33: {  	s0 =	sor.u32 s1, s0  }
0x34: {  	s0 =	sadd.s32 $0x8F2B, s0  }
0x35: {  	[sflag:s0] =	ssyncadd.remote.s32 $0x1  }
0x36: {  	_ =	sfence.sel $0xFFFF  }
0x37: {  	[dreg:$0x0] =	wrdreg $0xFFFFFFFF;
	(pc) =	sbr.abs _section_cstart, $3  }
0x38: {  	[dreg:$0x1] =	wrdreg $0xFFFFFFFF  }
0x39: {  	_ =	task.clear_ibuf [dreg:s7], $0x2FFFF;
	_ =	strace $0x9FFFFFFF  }
0x3a: {  	(tm) =	ssettm $0x7FFFFFFF  }
0x3b: {  	_ =	shalt  }
tec
execute0_lowered:
.L_overlay_start_1:
0x0: {  	(tag) =	ssettag $0x1  }
0x1: {  	s0 =	srdreg.scid  }
0x2: {  	s1 =	sshll.u32 s0, $0x4  }
0x3: {  	s0 =	stileid.u32;
	s1 =	sand.u32 $0x10, s1  }
0x4: {  	s1 =	sor.u32 s0, s1  }
0x5: {  	s6 =	rddreg [dreg:$0x0];
	s4 =	simm.s32 $0x1;
	s2 =	sshll.u32 s1, $0x7  }
0x6: {  	s7 =	simm.s32 $0x2;
	s12 =	simm.s32 $0x0;
	s1 =	ssub.s32 $0x1000, s2  }
0x7: {  	s8 =	simm.s32 $0x8000;
	s13 =	simm.s32 $0x0;
	s3 =	sand.u32 $0xF80, s1  }
0x8: {  	s9 =	simm.s32 $0x0;
	s5 =	sshrl.u32 s1, $0xC;
	p0 =	sne.s32 s3, $0x0  }
.Ltmp0:
0x9: {  	s1 =	rddreg [dreg:$0x2];
	s4 =	simm.s32 @!p0 $0x0;
	(pc) =	sbr.rel .LBB1_1-.Ltmp0, $4  }
0xa: {  	s11 =	simm.s32 $0x0;
	s3 =	rddreg [dreg:$0x1];
	s5 =	sadd.s32 s4, s5  }
0xb: {  	_ =	strace $0x8000004A;
	s4 =	simm.s32 $0x1;
	s5 =	smul.u32 $0xC8, s5  }
0xc: {  	s6 =	sadd.s32 $0x800, s6;
	s10 =	smov.u32 s2;
	[sflag:s4] =	ssyncpa.u1 $0x0  }
0xd: {  	p0 =	por $0x0, $0x0;
	[sflag:s7] =	ssyncpa.u1 $0x0;
	s7 =	sor.u32 $0x1, s5  }
.LBB1_4:
0xe: {  	s16 =	sshll.u32 s13, $0x3;
	s17 =	sand.u32 $0x78, s13  }
0xf: {  	s30 =	sand.u32 $0x7E00, s13;
	s12 =	sshll.u32 s12, $0xF;
	s16 =	sand.u32 $0xC00, s16  }
0x10: {  	[tilespmem:s15+$0x810 ss:$0x81] =	vst.msk $0xffff, v2;
	s31 =	sand.u32 $0x7, s13;
	s16 =	sor.u32 s17, s16;
	s17 =	sadd.s32 s3, s30  }
0x11: {  	[tilespmem:s15+$0x1020 ss:$0x81] =	vst.msk $0xffff, v0;
	s13 =	sshll.u32 s31, $0x12;
	s12 =	sadd.s32 s12, s17;
	s16 =	sshrl.u32 s16, $0x3  }
0x12: {  	[tilespmem:s15+$0x0 ss:$0x81] =	vst.msk $0xffff, v1;
	s13 =	sor.u32 $0x400, s13;
	s12 =	sadd.s32 s16, s12  }
0x13: {  	[hbm4b:s12+s13] =	stream.strided.scatter [tilespmem:s14], [sflag:$0x2], $0x2000, s8, s13, $0x20;
	[tilespmem:$0x8080] =	vst v63  }
.LBB1_5:
0x14: {  	s14 =	sadd.s32 $0x1, s9  }
0x15: {  	s12 =	sadd.s32 $0x1000, s10;
	s16 =	smov.u32 s10;
	p2 =	sgt.s32 s14, $0xC7  }
0x16: {  	s16 =	smov.u32 @p2 s12  }
0x17: {  	s14 =	simm.s32 @p2 $0x0;
	p2 =	sgt.s32 s16, $0xFFF  }
0x18: {  	s16 =	smov.u32 @p2 s2;
	p2 =	sne.s32 s11, s7  }
.Ltmp1:
0x19: {  	p1 =	slt.u32 s11, $0x2;
	(pc) =	sbr.rel @!p2 .LBB1_6-.Ltmp1, $4  }
0x1a: {  	s15 =	simm.s32 @!p1 $0x2  }
0x1b: {  	s13 =	smov.u32 s10;
	p0 =	por !p0, !p0;
	_ =	swait.ge @!p1 [sflag:s15], $0x2000  }
0x1c: {  	s12 =	smov.u32 s9;
	[sflag:s15] =	ssyncset.done @!p1 $0x0;
	s9 =	smov.u32 s14  }
0x1d: {  	s11 =	sadd.s32 $0x1, s11;
	[sflag:s15] =	ssyncadd.s32 @!p1 $0xFFFFE000;
	s10 =	smov.u32 s16  }
.LBB1_1:
0x1e: {  	p1 =	sge.u32 s11, s5  }
0x1f: {  	s14 =	sand.u32 @!p1 $0x1FFFFFF, s9  }
0x20: {  	s15 =	smulhi.u32 @!p1 $0x147AE15, s14;
	_ =	sdelay $0x1  }
0x21: {  	s15 =	smul.u32 @!p1 $0xC8, s15  }
0x22: {  	s16 =	sxor.u32 @!p1 $0xFFFFFFFF, s11;
	s17 =	smul.u32 @!p1 $0xC80, s10  }
0x23: {  	s31 =	sadd.s32 $0xFFFFFFFF, s11;
	s16 =	sshll.u32 @!p1 s16, $0xD;
	s14 =	ssub.s32 @!p1 s14, s15  }
0x24: {  	s15 =	sand.u32 @!p1 $0x2000, s16;
	s16 =	sadd.s32 @!p1 s6, s17;
	s14 =	sshll.u32 @!p1 s14, $0x4  }
0x25: {  	s17 =	simm.s32 @!p1 $0x6400;
	s14 =	sadd.s32 @!p1 s14, s16;
	s16 =	simm.s32 @!p1 $0x40  }
0x26: {  	[tilespmem:s15], [sflag:$0x1] =	stream.strided.gather @!p1 [hbm4b:s14+s16], $0x2000, s17, s16, $0x38;
	[tilespmem:$0x8080] =	vst v63  }
0x27: {  	p1 =	sge.u32 s31, s5  }
.Ltmp2:
0x28: {  	_ = 	snop;
	(pc) =	sbr.rel @p1 .LBB1_5-.Ltmp2, $1  }
0x29: {  	_ =	sdelay $0x3  }
0x2a: {  	s14 =	simm.s32 $0x1  }
0x2b: {  	_ =	swait.ge [sflag:s4], $0x2000;
	s14 =	simm.s32 @!p0 $0x0  }
0x2c: {  	[sflag:s4] =	ssyncset.done $0x0;
	s15 =	sshll.u32 s14, $0xD  }
0x2d: {  	[sflag:s4] =	ssyncadd.s32 $0xFFFFE000;
	s18 =	sor.u32 $0x20, s15  }
0x2e: {  	s14 =	smul.u32 $0x8100, s14;
	v3 =	vld [tilespmem:s18+$0x10]  }
0x2f: {  	s30 =	sand.u32 $0x1, s11;
	v2 =	vld [tilespmem:s18+$0xFFFFFFF0]  }
0x30: {  	s15 =	smul.u32 $0x8100, s30;
	s14 =	sshrl.u32 s14, $0x2;
	v0 =	vld [tilespmem:s18+$0x0]  }
0x31: {  	v1 =	vld [tilespmem:s18+$0xFFFFFFE0];
	s16 =	sor.u32 $0x4000, s14  }
0x32: {  	s31 =	sshrl.u32 s15, $0x2;
	s15 =	sadd.s32 $0x0, s16  }
0x33: {  	s17 =	simm.s32 $0x4;
	s18 =	sadd.s32 $0x40, s18;
	s14 =	sor.u32 $0x4000, s31;
	[tilespmem:s15+$0x1830 ss:$0x81] =	vst.msk $0xffff, v3  }
.LBB1_3:
0x34: {  	v3 =	vld [tilespmem:s18+$0x10];
	p1 =	sne.s32 s17, $0x1FC;
	[tilespmem:s15+$0x810 ss:$0x81] =	vst.msk $0xffff, v2;
	s19 =	smov.u32 s17;
	s17 =	sadd.s32 $0x4, s17  }
.Ltmp3:
0x35: {  	v2 =	vld [tilespmem:s18+$0xFFFFFFF0];
	[tilespmem:s15+$0x1020 ss:$0x81] =	vst.msk $0xffff, v0;
	(pc) =	sbr.rel @p1 .LBB1_3-.Ltmp3, $4  }
0x36: {  	v0 =	vld [tilespmem:s18+$0x0];
	[tilespmem:s15+$0x0 ss:$0x81] =	vst.msk $0xffff, v1  }
0x37: {  	s15 =	sshra.s32 s19, $0x2;
	v1 =	vld [tilespmem:s18+$0xFFFFFFE0]  }
0x38: {  	s15 =	sadd.s32 s15, s16  }
0x39: {  	s18 =	sadd.s32 $0x40, s18;
	[tilespmem:s15+$0x1830 ss:$0x81] =	vst.msk $0xffff, v3  }
.Ltmp4:
0x3a: {  	_ = 	snop;
	(pc) =	sbr.rel .LBB1_4-.Ltmp4, $1  }
0x3b: {  	_ =	sdelay $0x3  }
.LBB1_6:
0x3c: {  	_ =	sfence.sel $0x180000  }
0x3d: {  	s2 =	simm.s32 $0x1;
	[bflag:$0x0] =	sbarrier.arrive $0xFFFF  }
0x3e: {  	s31 =	simm.s32 $0x2;
	[sflag:s2] =	ssyncpa.u1 $0x1  }
0x3f: {  	[sflag:s31] =	ssyncpa.u1 $0x1  }
0x40: {  	p0 =	sne.s32 s0, $0x0;
	_ =	strace $0x9000004A  }
0x41: {  	s0 =	sadd.s32 @!p0 $0x100000, s1;
	[bflag:$0x2] =	sbarrier.arrive $0xFFFF  }
0x42: {  	[sflag:s0] =	ssyncadd.tile.s32 @!p0 $0x1;
	_ =	shalt  }
.Lfunc_end1:
_tile_overlayer_lowered:
.L_overlay_start_2:
0x43: {  	(tag) =	ssettag $0x2  }
0x44: {  	s0 =	rddreg [dreg:$0x0];
	s2 =	stileid.u32  }
0x45: {  	s1 =	rddreg [dreg:$0x1];
	p0 =	sne.s32 s2, $0x0  }
0x46: {  	s3 =	rddreg [dreg:$0x2];
	[bflag:$0x3] =	sbarrier.arrive $0xFFFF;
	s2 =	simm.s32 @!p0 $0x1C01  }
0x47: {  	[timem:s3], [sflag:s2] =	dma.local @!p0 [hbm:s0], s1  }
0x48: {  	s0 =	simm.s32 @!p0 $0x1  }
0x49: {  	_ =	swait.ge @!p0 [sflag:s0], s1  }
0x4a: {  	s1 =	ssub.s32 @!p0 $0x0, s1;
	[sflag:s0] =	ssyncset.done @!p0 $0x0  }
0x4b: {  	[sflag:s0] =	ssyncadd.s32 @!p0 s1  }
0x4c: {  	[bflag:$0x3] =	sbarrier.arrive $0xFFFF  }
0x4d: {  	_ =	shalt  }

</sc_bundles>
